<compile_context>
chip_gen: v7x
topology: tpu7x:2x2x1
jax: 0.10.2.dev20260603
libtpu: 0.0.44.dev20260713+nightly
codegen_flags: <defaults>
</compile_context>

<pallas_src>
import functools

import jax
import jax.numpy as jnp
from jax import lax
from jax.experimental import pallas as pl
from jax.experimental.pallas import tpu as pltpu
from jax.experimental.pallas import tpu_sc as plsc

E = 1024
A = 128
P = 400000



def _tc_body(vt_ref, at_ref, na_ref, dist_ref, tab_ref):
    sx = vt_ref[0 * E:1 * E, :]
    sy = vt_ref[1 * E:2 * E, :]
    gx = vt_ref[2 * E:3 * E, :]
    gy = vt_ref[3 * E:4 * E, :]
    bx = jnp.clip(gx - sx, -1, 1)
    by = jnp.clip(gy - sy, -1, 1)
    bx = jnp.where(sx == -100, 0, bx)
    by = jnp.where(sy == -100, 0, by)
    na_ref[0 * E:1 * E, :] = at_ref[0 * E:1 * E, :] + bx
    na_ref[1 * E:2 * E, :] = at_ref[1 * E:2 * E, :] + by
    dist_ref[...] = jnp.sqrt((bx * bx + by * by).astype(jnp.float32))
    e = ((by + 1) << 2) | (bx + 1)
    acc = e[0 * A:1 * A, :]
    for j in range(1, 8):
        acc = acc | (e[j * A:(j + 1) * A, :] << (4 * j))
    tab_ref[...] = acc


_tc_call = pl.pallas_call(
    _tc_body,
    out_shape=(
        jax.ShapeDtypeStruct((2 * E, A), jnp.int32),
        jax.ShapeDtypeStruct((E, A), jnp.float32),
        jax.ShapeDtypeStruct((A, A), jnp.int32),
    ),
)


_NC, _NS, _L = 2, 16, 16
_NW = _NC * _NS
_SPAN_LO, _SPAN_HI = 12496, 12504
_GROUPS = 391
_CPAD = _GROUPS * _L
_TABW = (E * A) // 8


def _sc_body(pt_hbm, tab_hbm, out_hbm, tab_v, *cols):
    wid = lax.axis_index("s") * _NC + lax.axis_index("c")
    pltpu.sync_copy(tab_hbm, tab_v)

    def group(gi, carry):
        s = pl.ds(gi * _L, _L)
        p0 = cols[0][s]
        p6 = cols[6][s]
        p7 = cols[7][s]
        g = p0 * A + p7
        w = plsc.load_gather(tab_v, [g & (_TABW - 1)])
        e = (w >> (((g >> 14) & 7) << 2)) & 15
        move = (p6 != 0) & (p6 != 1)
        bx = jnp.where(move, (e & 3) - 1, 0)
        by = jnp.where(move, (e >> 2) - 1, 0)
        cols[1][s] = cols[1][s] + bx
        cols[2][s] = cols[2][s] + by
        return carry

    def do_chunk(base, n):
        for col in range(8):
            pltpu.sync_copy(pt_hbm.at[pl.ds(col * P + base, n)],
                            cols[col].at[pl.ds(0, n)])
        lax.fori_loop(0, _GROUPS, group, 0)
        for col in range(8):
            pltpu.sync_copy(cols[col].at[pl.ds(0, n)],
                            out_hbm.at[pl.ds(col * P + base, n)])

    @pl.when(wid < 16)
    def _():
        base = wid * _SPAN_LO
        do_chunk(base, 6248)
        do_chunk(base + 6248, 6248)

    @pl.when(wid >= 16)
    def _():
        base = 16 * _SPAN_LO + (wid - 16) * _SPAN_HI
        do_chunk(base, 6248)
        do_chunk(base + 6248, 6256)


@functools.cache
def _sc_call():
    return functools.partial(
        pl.kernel,
        out_type=jax.ShapeDtypeStruct((8 * P,), jnp.int32),
        mesh=plsc.VectorSubcoreMesh(
            core_axis_name="c", subcore_axis_name="s",
            num_cores=_NC, num_subcores=_NS),
        scratch_types=[pltpu.VMEM((_TABW,), jnp.int32)]
        + [pltpu.VMEM((_CPAD,), jnp.int32) for _ in range(8)],
        compiler_params=pltpu.CompilerParams(needs_layout_passes=False),
    )(_sc_body)


def kernel(agents, passengers, vectors):
    vt = vectors.transpose(2, 0, 1).reshape(4 * E, A)
    at = agents.transpose(2, 0, 1).reshape(2 * E, A)
    na_t, distances, tab = _tc_call(vt, at)
    new_agents = na_t.reshape(2, E, A).transpose(1, 2, 0)
    out = _sc_call()(passengers.T.reshape(-1), tab.reshape(-1))
    new_passengers = out.reshape(8, P).T
    return new_agents, new_passengers, distances

# --- scband reference (transcript-rebuilt; emitter-appended) ---
"""Pipeline reference for scband-movement-transition-90778428768805 (READ-ONLY COPY).

The authoritative reference and input builder live on the scoring server;
editing this copy changes nothing except your own understanding.
"""

import jax, jax.numpy as jnp
import numpy as np

PARALLEL_ENVS = 1024
NUM_AGENTS = 128
N_PASSENGERS = 400000
FAST_TRAVEL = False
DIAGONAL = True


def _directions():
    cardinal = jnp.array([[0, 0], [-1, 0], [0, 1], [1, 0], [0, -1]], dtype=jnp.int32)
    diagonal = jnp.array([[-1, -1], [-1, 1], [1, 1], [1, -1]], dtype=jnp.int32)
    if DIAGONAL:
        return jnp.concatenate([cardinal, diagonal], axis=0)
    return cardinal


def setup_inputs(seed: int = 0) -> dict:
    key = jax.random.key(seed)
    k1, k2, k3 = jax.random.split(key, 3)
    agents = jax.random.randint(k1, (PARALLEL_ENVS, NUM_AGENTS, 2), 0, 128, dtype=jnp.int32)
    passengers = jax.random.randint(k2, (N_PASSENGERS, 8), 0, 128, dtype=jnp.int32)
    # clamp index columns to valid ranges (col 0 = env idx, col 7 = agent idx)
    passengers = passengers.at[:, 0].set(passengers[:, 0] % PARALLEL_ENVS)
    passengers = passengers.at[:, 7].set(passengers[:, 7] % NUM_AGENTS)
    vectors = jax.random.randint(k3, (PARALLEL_ENVS, NUM_AGENTS, 4), 0, 128, dtype=jnp.int32)
    return {"agents": agents, "passengers": passengers, "vectors": vectors}


def reference(agents, passengers, vectors):
    directions = _directions()
    starts = vectors[:, :, :2]
    goals = vectors[:, :, 2:]
    # distance(): candidate expansion over all movement directions
    candidate_positions = starts[:, :, None, :] + directions.reshape(1, 1, -1, 2)
    dists = jnp.linalg.norm((candidate_positions - goals[:, :, None, :]).astype(jnp.float32), axis=3)
    if FAST_TRAVEL:
        best_moves = starts - goals
    else:
        best_idx = jnp.argmin(dists, axis=2)
        best_moves = directions[best_idx]  # [E, A, 2]
    # zero moves for inactive (-100 sentinel) entries, elementwise like torch masked assign
    best_moves = jnp.where(starts == -100, jnp.int32(0), best_moves)
    d = best_moves.astype(jnp.float32)
    if directions.shape[0] == 9:
        distances = jnp.linalg.norm(d, axis=2)
    else:
        distances = jnp.abs(d).sum(axis=2)
    # state.agents += best_moves
    new_agents = agents + best_moves
    # passenger movement via gather on (env_idx, agent_idx)
    env_idx = passengers[:, 0]
    agent_idx = passengers[:, 7]
    passenger_movements = best_moves[env_idx, agent_idx]  # [P, 2]
    no_movement = (passengers[:, 6] == 0) | (passengers[:, 6] == 1)
    passenger_movements = jnp.where(no_movement[:, None], jnp.int32(0), passenger_movements)
    new_passengers = passengers.at[:, 1:3].add(passenger_movements)
    return new_agents, new_passengers, distances

if __name__ == "__main__":
    import jax
    _d = setup_inputs()
    print(jax.jit(kernel)(*tuple(_d.values())))

</pallas_src>

<mosaic_0001>
#map = affine_map<(d0, d1) -> (0)>
module attributes {stable_mosaic.version = 14 : i64} {
  func.func @_sc_body(%arg0: i32, %arg1: i32, %arg2: memref<3200000xi32, #tpu.memory_space<hbm>>, %arg3: memref<16384xi32, #tpu.memory_space<hbm>>, %arg4: memref<3200000xi32, #tpu.memory_space<hbm>>, %arg5: memref<16384xi32, #tpu.memory_space<vmem>>, %arg6: memref<6256xi32, #tpu.memory_space<vmem>>, %arg7: memref<6256xi32, #tpu.memory_space<vmem>>, %arg8: memref<6256xi32, #tpu.memory_space<vmem>>, %arg9: memref<6256xi32, #tpu.memory_space<vmem>>, %arg10: memref<6256xi32, #tpu.memory_space<vmem>>, %arg11: memref<6256xi32, #tpu.memory_space<vmem>>, %arg12: memref<6256xi32, #tpu.memory_space<vmem>>, %arg13: memref<6256xi32, #tpu.memory_space<vmem>>) attributes {dimension_semantics = [#tpu.dimension_semantics<core_parallel>, #tpu.dimension_semantics<subcore_parallel>], iteration_bounds = array<i64: 2, 16>, scalar_prefetch = 0 : i64, scratch_operands = 9 : i64, tpu.core_type = #tpu.core_type<sc_vector_subcore>, window_params = [{transform_indices = #map}, {transform_indices = #map}, {transform_indices = #map}]} {
    %mul3A = arith.constant 2 : i32
    %mul3A_0 = arith.muli %arg1, %mul3A : i32
    %add3A = arith.addi %mul3A_0, %arg0 : i32
    "tpu.region"() ({
      %run_scoped3A = tpu.sem_alloc : memref<!tpu.dma_semaphore, #tpu.memory_space<semaphore_mem>>
      tpu.enqueue_dma source(%arg3 : memref<16384xi32, #tpu.memory_space<hbm>>) target(%arg5 : memref<16384xi32, #tpu.memory_space<vmem>>) target_semaphore(%run_scoped3A : memref<!tpu.dma_semaphore, #tpu.memory_space<semaphore_mem>>)
      tpu.wait_dma2 semaphore(%run_scoped3A : memref<!tpu.dma_semaphore, #tpu.memory_space<semaphore_mem>>) src(%arg3 : memref<16384xi32, #tpu.memory_space<hbm>>) dst(%arg5 : memref<16384xi32, #tpu.memory_space<vmem>>)
      tpu.yield
    }) : () -> ()
    %lt3A = arith.constant 16 : i32
    %lt3A_1 = arith.cmpi slt, %add3A, %lt3A : i32
    %convert_element_type3A = arith.extui %lt3A_1 : i1 to i32
    %cond3A = arith.constant 0 : i32
    %cond3A_2 = arith.cmpi ne, %convert_element_type3A, %cond3A : i32
    scf.if %cond3A_2 {
      %mul3A_7 = arith.constant 12496 : i32
      %mul3A_8 = arith.muli %add3A, %mul3A_7 : i32
      %add3A_9 = arith.constant 0 : i32
      %add3A_10 = arith.addi %add3A_9, %mul3A_8 : i32
      "tpu.region"() ({
        %run_scoped3A = tpu.sem_alloc : memref<!tpu.dma_semaphore, #tpu.memory_space<semaphore_mem>>
        %dma_start3A = arith.constant 0 : i32
        %dma_start3A_86 = tpu.memref_slice %arg6[%dma_start3A] : memref<6256xi32, #tpu.memory_space<vmem>> -> memref<6248xi32, #tpu.memory_space<vmem>>
        %dma_start3A_87 = tpu.memref_slice %arg2[%add3A_10] : memref<3200000xi32, #tpu.memory_space<hbm>> -> memref<6248xi32, #tpu.memory_space<hbm>>
        %dma_start3A_88 = arith.constant 0 : i32
        %dma_start3A_89 = tpu.memref_slice %arg6[%dma_start3A_88] : memref<6256xi32, #tpu.memory_space<vmem>> -> memref<6248xi32, #tpu.memory_space<vmem>>
        %dma_start3A_90 = tpu.memref_slice %arg2[%add3A_10] : memref<3200000xi32, #tpu.memory_space<hbm>> -> memref<6248xi32, #tpu.memory_space<hbm>>
        tpu.enqueue_dma source(%dma_start3A_90 : memref<6248xi32, #tpu.memory_space<hbm>>) target(%dma_start3A_89 : memref<6248xi32, #tpu.memory_space<vmem>>) target_semaphore(%run_scoped3A : memref<!tpu.dma_semaphore, #tpu.memory_space<semaphore_mem>>)
        %dma_wait3A = arith.constant 0 : i32
        %dma_wait3A_91 = tpu.memref_slice %arg6[%dma_wait3A] : memref<6256xi32, #tpu.memory_space<vmem>> -> memref<6248xi32, #tpu.memory_space<vmem>>
        %dma_wait3A_92 = tpu.memref_slice %arg2[%add3A_10] : memref<3200000xi32, #tpu.memory_space<hbm>> -> memref<6248xi32, #tpu.memory_space<hbm>>
        %dma_wait3A_93 = arith.constant 0 : i32
        %dma_wait3A_94 = tpu.memref_slice %arg6[%dma_wait3A_93] : memref<6256xi32, #tpu.memory_space<vmem>> -> memref<6248xi32, #tpu.memory_space<vmem>>
        %dma_wait3A_95 = tpu.memref_slice %arg2[%add3A_10] : memref<3200000xi32, #tpu.memory_space<hbm>> -> memref<6248xi32, #tpu.memory_space<hbm>>
        tpu.wait_dma2 semaphore(%run_scoped3A : memref<!tpu.dma_semaphore, #tpu.memory_space<semaphore_mem>>) src(%dma_wait3A_95 : memref<6248xi32, #tpu.memory_space<hbm>>) dst(%dma_wait3A_94 : memref<6248xi32, #tpu.memory_space<vmem>>)
        tpu.yield
      }) : () -> ()
      %add3A_11 = arith.constant 400000 : i32
      %add3A_12 = arith.addi %add3A_11, %mul3A_8 : i32
      "tpu.region"() ({
        %run_scoped3A = tpu.sem_alloc : memref<!tpu.dma_semaphore, #tpu.memory_space<semaphore_mem>>
        %dma_start3A = arith.constant 0 : i32
        %dma_start3A_86 = tpu.memref_slice %arg7[%dma_start3A] : memref<6256xi32, #tpu.memory_space<vmem>> -> memref<6248xi32, #tpu.memory_space<vmem>>
        %dma_start3A_87 = tpu.memref_slice %arg2[%add3A_12] : memref<3200000xi32, #tpu.memory_space<hbm>> -> memref<6248xi32, #tpu.memory_space<hbm>>
        %dma_start3A_88 = arith.constant 0 : i32
        %dma_start3A_89 = tpu.memref_slice %arg7[%dma_start3A_88] : memref<6256xi32, #tpu.memory_space<vmem>> -> memref<6248xi32, #tpu.memory_space<vmem>>
        %dma_start3A_90 = tpu.memref_slice %arg2[%add3A_12] : memref<3200000xi32, #tpu.memory_space<hbm>> -> memref<6248xi32, #tpu.memory_space<hbm>>
        tpu.enqueue_dma source(%dma_start3A_90 : memref<6248xi32, #tpu.memory_space<hbm>>) target(%dma_start3A_89 : memref<6248xi32, #tpu.memory_space<vmem>>) target_semaphore(%run_scoped3A : memref<!tpu.dma_semaphore, #tpu.memory_space<semaphore_mem>>)
        %dma_wait3A = arith.constant 0 : i32
        %dma_wait3A_91 = tpu.memref_slice %arg7[%dma_wait3A] : memref<6256xi32, #tpu.memory_space<vmem>> -> memref<6248xi32, #tpu.memory_space<vmem>>
        %dma_wait3A_92 = tpu.memref_slice %arg2[%add3A_12] : memref<3200000xi32, #tpu.memory_space<hbm>> -> memref<6248xi32, #tpu.memory_space<hbm>>
        %dma_wait3A_93 = arith.constant 0 : i32
        %dma_wait3A_94 = tpu.memref_slice %arg7[%dma_wait3A_93] : memref<6256xi32, #tpu.memory_space<vmem>> -> memref<6248xi32, #tpu.memory_space<vmem>>
        %dma_wait3A_95 = tpu.memref_slice %arg2[%add3A_12] : memref<3200000xi32, #tpu.memory_space<hbm>> -> memref<6248xi32, #tpu.memory_space<hbm>>
        tpu.wait_dma2 semaphore(%run_scoped3A : memref<!tpu.dma_semaphore, #tpu.memory_space<semaphore_mem>>) src(%dma_wait3A_95 : memref<6248xi32, #tpu.memory_space<hbm>>) dst(%dma_wait3A_94 : memref<6248xi32, #tpu.memory_space<vmem>>)
        tpu.yield
      }) : () -> ()
      %add3A_13 = arith.constant 800000 : i32
      %add3A_14 = arith.addi %add3A_13, %mul3A_8 : i32
      "tpu.region"() ({
        %run_scoped3A = tpu.sem_alloc : memref<!tpu.dma_semaphore, #tpu.memory_space<semaphore_mem>>
        %dma_start3A = arith.constant 0 : i32
        %dma_start3A_86 = tpu.memref_slice %arg8[%dma_start3A] : memref<6256xi32, #tpu.memory_space<vmem>> -> memref<6248xi32, #tpu.memory_space<vmem>>
        %dma_start3A_87 = tpu.memref_slice %arg2[%add3A_14] : memref<3200000xi32, #tpu.memory_space<hbm>> -> memref<6248xi32, #tpu.memory_space<hbm>>
        %dma_start3A_88 = arith.constant 0 : i32
        %dma_start3A_89 = tpu.memref_slice %arg8[%dma_start3A_88] : memref<6256xi32, #tpu.memory_space<vmem>> -> memref<6248xi32, #tpu.memory_space<vmem>>
        %dma_start3A_90 = tpu.memref_slice %arg2[%add3A_14] : memref<3200000xi32, #tpu.memory_space<hbm>> -> memref<6248xi32, #tpu.memory_space<hbm>>
        tpu.enqueue_dma source(%dma_start3A_90 : memref<6248xi32, #tpu.memory_space<hbm>>) target(%dma_start3A_89 : memref<6248xi32, #tpu.memory_space<vmem>>) target_semaphore(%run_scoped3A : memref<!tpu.dma_semaphore, #tpu.memory_space<semaphore_mem>>)
        %dma_wait3A = arith.constant 0 : i32
        %dma_wait3A_91 = tpu.memref_slice %arg8[%dma_wait3A] : memref<6256xi32, #tpu.memory_space<vmem>> -> memref<6248xi32, #tpu.memory_space<vmem>>
        %dma_wait3A_92 = tpu.memref_slice %arg2[%add3A_14] : memref<3200000xi32, #tpu.memory_space<hbm>> -> memref<6248xi32, #tpu.memory_space<hbm>>
        %dma_wait3A_93 = arith.constant 0 : i32
        %dma_wait3A_94 = tpu.memref_slice %arg8[%dma_wait3A_93] : memref<6256xi32, #tpu.memory_space<vmem>> -> memref<6248xi32, #tpu.memory_space<vmem>>
        %dma_wait3A_95 = tpu.memref_slice %arg2[%add3A_14] : memref<3200000xi32, #tpu.memory_space<hbm>> -> memref<6248xi32, #tpu.memory_space<hbm>>
        tpu.wait_dma2 semaphore(%run_scoped3A : memref<!tpu.dma_semaphore, #tpu.memory_space<semaphore_mem>>) src(%dma_wait3A_95 : memref<6248xi32, #tpu.memory_space<hbm>>) dst(%dma_wait3A_94 : memref<6248xi32, #tpu.memory_space<vmem>>)
        tpu.yield
      }) : () -> ()
      %add3A_15 = arith.constant 1200000 : i32
      %add3A_16 = arith.addi %add3A_15, %mul3A_8 : i32
      "tpu.region"() ({
        %run_scoped3A = tpu.sem_alloc : memref<!tpu.dma_semaphore, #tpu.memory_space<semaphore_mem>>
        %dma_start3A = arith.constant 0 : i32
        %dma_start3A_86 = tpu.memref_slice %arg9[%dma_start3A] : memref<6256xi32, #tpu.memory_space<vmem>> -> memref<6248xi32, #tpu.memory_space<vmem>>
        %dma_start3A_87 = tpu.memref_slice %arg2[%add3A_16] : memref<3200000xi32, #tpu.memory_space<hbm>> -> memref<6248xi32, #tpu.memory_space<hbm>>
        %dma_start3A_88 = arith.constant 0 : i32
        %dma_start3A_89 = tpu.memref_slice %arg9[%dma_start3A_88] : memref<6256xi32, #tpu.memory_space<vmem>> -> memref<6248xi32, #tpu.memory_space<vmem>>
        %dma_start3A_90 = tpu.memref_slice %arg2[%add3A_16] : memref<3200000xi32, #tpu.memory_space<hbm>> -> memref<6248xi32, #tpu.memory_space<hbm>>
        tpu.enqueue_dma source(%dma_start3A_90 : memref<6248xi32, #tpu.memory_space<hbm>>) target(%dma_start3A_89 : memref<6248xi32, #tpu.memory_space<vmem>>) target_semaphore(%run_scoped3A : memref<!tpu.dma_semaphore, #tpu.memory_space<semaphore_mem>>)
        %dma_wait3A = arith.constant 0 : i32
        %dma_wait3A_91 = tpu.memref_slice %arg9[%dma_wait3A] : memref<6256xi32, #tpu.memory_space<vmem>> -> memref<6248xi32, #tpu.memory_space<vmem>>
        %dma_wait3A_92 = tpu.memref_slice %arg2[%add3A_16] : memref<3200000xi32, #tpu.memory_space<hbm>> -> memref<6248xi32, #tpu.memory_space<hbm>>
        %dma_wait3A_93 = arith.constant 0 : i32
        %dma_wait3A_94 = tpu.memref_slice %arg9[%dma_wait3A_93] : memref<6256xi32, #tpu.memory_space<vmem>> -> memref<6248xi32, #tpu.memory_space<vmem>>
        %dma_wait3A_95 = tpu.memref_slice %arg2[%add3A_16] : memref<3200000xi32, #tpu.memory_space<hbm>> -> memref<6248xi32, #tpu.memory_space<hbm>>
        tpu.wait_dma2 semaphore(%run_scoped3A : memref<!tpu.dma_semaphore, #tpu.memory_space<semaphore_mem>>) src(%dma_wait3A_95 : memref<6248xi32, #tpu.memory_space<hbm>>) dst(%dma_wait3A_94 : memref<6248xi32, #tpu.memory_space<vmem>>)
        tpu.yield
      }) : () -> ()
      %add3A_17 = arith.constant 1600000 : i32
      %add3A_18 = arith.addi %add3A_17, %mul3A_8 : i32
      "tpu.region"() ({
        %run_scoped3A = tpu.sem_alloc : memref<!tpu.dma_semaphore, #tpu.memory_space<semaphore_mem>>
        %dma_start3A = arith.constant 0 : i32
        %dma_start3A_86 = tpu.memref_slice %arg10[%dma_start3A] : memref<6256xi32, #tpu.memory_space<vmem>> -> memref<6248xi32, #tpu.memory_space<vmem>>
        %dma_start3A_87 = tpu.memref_slice %arg2[%add3A_18] : memref<3200000xi32, #tpu.memory_space<hbm>> -> memref<6248xi32, #tpu.memory_space<hbm>>
        %dma_start3A_88 = arith.constant 0 : i32
        %dma_start3A_89 = tpu.memref_slice %arg10[%dma_start3A_88] : memref<6256xi32, #tpu.memory_space<vmem>> -> memref<6248xi32, #tpu.memory_space<vmem>>
        %dma_start3A_90 = tpu.memref_slice %arg2[%add3A_18] : memref<3200000xi32, #tpu.memory_space<hbm>> -> memref<6248xi32, #tpu.memory_space<hbm>>
        tpu.enqueue_dma source(%dma_start3A_90 : memref<6248xi32, #tpu.memory_space<hbm>>) target(%dma_start3A_89 : memref<6248xi32, #tpu.memory_space<vmem>>) target_semaphore(%run_scoped3A : memref<!tpu.dma_semaphore, #tpu.memory_space<semaphore_mem>>)
        %dma_wait3A = arith.constant 0 : i32
        %dma_wait3A_91 = tpu.memref_slice %arg10[%dma_wait3A] : memref<6256xi32, #tpu.memory_space<vmem>> -> memref<6248xi32, #tpu.memory_space<vmem>>
        %dma_wait3A_92 = tpu.memref_slice %arg2[%add3A_18] : memref<3200000xi32, #tpu.memory_space<hbm>> -> memref<6248xi32, #tpu.memory_space<hbm>>
        %dma_wait3A_93 = arith.constant 0 : i32
        %dma_wait3A_94 = tpu.memref_slice %arg10[%dma_wait3A_93] : memref<6256xi32, #tpu.memory_space<vmem>> -> memref<6248xi32, #tpu.memory_space<vmem>>
        %dma_wait3A_95 = tpu.memref_slice %arg2[%add3A_18] : memref<3200000xi32, #tpu.memory_space<hbm>> -> memref<6248xi32, #tpu.memory_space<hbm>>
        tpu.wait_dma2 semaphore(%run_scoped3A : memref<!tpu.dma_semaphore, #tpu.memory_space<semaphore_mem>>) src(%dma_wait3A_95 : memref<6248xi32, #tpu.memory_space<hbm>>) dst(%dma_wait3A_94 : memref<6248xi32, #tpu.memory_space<vmem>>)
        tpu.yield
      }) : () -> ()
      %add3A_19 = arith.constant 2000000 : i32
      %add3A_20 = arith.addi %add3A_19, %mul3A_8 : i32
      "tpu.region"() ({
        %run_scoped3A = tpu.sem_alloc : memref<!tpu.dma_semaphore, #tpu.memory_space<semaphore_mem>>
        %dma_start3A = arith.constant 0 : i32
        %dma_start3A_86 = tpu.memref_slice %arg11[%dma_start3A] : memref<6256xi32, #tpu.memory_space<vmem>> -> memref<6248xi32, #tpu.memory_space<vmem>>
        %dma_start3A_87 = tpu.memref_slice %arg2[%add3A_20] : memref<3200000xi32, #tpu.memory_space<hbm>> -> memref<6248xi32, #tpu.memory_space<hbm>>
        %dma_start3A_88 = arith.constant 0 : i32
        %dma_start3A_89 = tpu.memref_slice %arg11[%dma_start3A_88] : memref<6256xi32, #tpu.memory_space<vmem>> -> memref<6248xi32, #tpu.memory_space<vmem>>
        %dma_start3A_90 = tpu.memref_slice %arg2[%add3A_20] : memref<3200000xi32, #tpu.memory_space<hbm>> -> memref<6248xi32, #tpu.memory_space<hbm>>
        tpu.enqueue_dma source(%dma_start3A_90 : memref<6248xi32, #tpu.memory_space<hbm>>) target(%dma_start3A_89 : memref<6248xi32, #tpu.memory_space<vmem>>) target_semaphore(%run_scoped3A : memref<!tpu.dma_semaphore, #tpu.memory_space<semaphore_mem>>)
        %dma_wait3A = arith.constant 0 : i32
        %dma_wait3A_91 = tpu.memref_slice %arg11[%dma_wait3A] : memref<6256xi32, #tpu.memory_space<vmem>> -> memref<6248xi32, #tpu.memory_space<vmem>>
        %dma_wait3A_92 = tpu.memref_slice %arg2[%add3A_20] : memref<3200000xi32, #tpu.memory_space<hbm>> -> memref<6248xi32, #tpu.memory_space<hbm>>
        %dma_wait3A_93 = arith.constant 0 : i32
        %dma_wait3A_94 = tpu.memref_slice %arg11[%dma_wait3A_93] : memref<6256xi32, #tpu.memory_space<vmem>> -> memref<6248xi32, #tpu.memory_space<vmem>>
        %dma_wait3A_95 = tpu.memref_slice %arg2[%add3A_20] : memref<3200000xi32, #tpu.memory_space<hbm>> -> memref<6248xi32, #tpu.memory_space<hbm>>
        tpu.wait_dma2 semaphore(%run_scoped3A : memref<!tpu.dma_semaphore, #tpu.memory_space<semaphore_mem>>) src(%dma_wait3A_95 : memref<6248xi32, #tpu.memory_space<hbm>>) dst(%dma_wait3A_94 : memref<6248xi32, #tpu.memory_space<vmem>>)
        tpu.yield
      }) : () -> ()
      %add3A_21 = arith.constant 2400000 : i32
      %add3A_22 = arith.addi %add3A_21, %mul3A_8 : i32
      "tpu.region"() ({
        %run_scoped3A = tpu.sem_alloc : memref<!tpu.dma_semaphore, #tpu.memory_space<semaphore_mem>>
        %dma_start3A = arith.constant 0 : i32
        %dma_start3A_86 = tpu.memref_slice %arg12[%dma_start3A] : memref<6256xi32, #tpu.memory_space<vmem>> -> memref<6248xi32, #tpu.memory_space<vmem>>
        %dma_start3A_87 = tpu.memref_slice %arg2[%add3A_22] : memref<3200000xi32, #tpu.memory_space<hbm>> -> memref<6248xi32, #tpu.memory_space<hbm>>
        %dma_start3A_88 = arith.constant 0 : i32
        %dma_start3A_89 = tpu.memref_slice %arg12[%dma_start3A_88] : memref<6256xi32, #tpu.memory_space<vmem>> -> memref<6248xi32, #tpu.memory_space<vmem>>
        %dma_start3A_90 = tpu.memref_slice %arg2[%add3A_22] : memref<3200000xi32, #tpu.memory_space<hbm>> -> memref<6248xi32, #tpu.memory_space<hbm>>
        tpu.enqueue_dma source(%dma_start3A_90 : memref<6248xi32, #tpu.memory_space<hbm>>) target(%dma_start3A_89 : memref<6248xi32, #tpu.memory_space<vmem>>) target_semaphore(%run_scoped3A : memref<!tpu.dma_semaphore, #tpu.memory_space<semaphore_mem>>)
        %dma_wait3A = arith.constant 0 : i32
        %dma_wait3A_91 = tpu.memref_slice %arg12[%dma_wait3A] : memref<6256xi32, #tpu.memory_space<vmem>> -> memref<6248xi32, #tpu.memory_space<vmem>>
        %dma_wait3A_92 = tpu.memref_slice %arg2[%add3A_22] : memref<3200000xi32, #tpu.memory_space<hbm>> -> memref<6248xi32, #tpu.memory_space<hbm>>
        %dma_wait3A_93 = arith.constant 0 : i32
        %dma_wait3A_94 = tpu.memref_slice %arg12[%dma_wait3A_93] : memref<6256xi32, #tpu.memory_space<vmem>> -> memref<6248xi32, #tpu.memory_space<vmem>>
        %dma_wait3A_95 = tpu.memref_slice %arg2[%add3A_22] : memref<3200000xi32, #tpu.memory_space<hbm>> -> memref<6248xi32, #tpu.memory_space<hbm>>
        tpu.wait_dma2 semaphore(%run_scoped3A : memref<!tpu.dma_semaphore, #tpu.memory_space<semaphore_mem>>) src(%dma_wait3A_95 : memref<6248xi32, #tpu.memory_space<hbm>>) dst(%dma_wait3A_94 : memref<6248xi32, #tpu.memory_space<vmem>>)
        tpu.yield
      }) : () -> ()
      %add3A_23 = arith.constant 2800000 : i32
      %add3A_24 = arith.addi %add3A_23, %mul3A_8 : i32
      "tpu.region"() ({
        %run_scoped3A = tpu.sem_alloc : memref<!tpu.dma_semaphore, #tpu.memory_space<semaphore_mem>>
        %dma_start3A = arith.constant 0 : i32
        %dma_start3A_86 = tpu.memref_slice %arg13[%dma_start3A] : memref<6256xi32, #tpu.memory_space<vmem>> -> memref<6248xi32, #tpu.memory_space<vmem>>
        %dma_start3A_87 = tpu.memref_slice %arg2[%add3A_24] : memref<3200000xi32, #tpu.memory_space<hbm>> -> memref<6248xi32, #tpu.memory_space<hbm>>
        %dma_start3A_88 = arith.constant 0 : i32
        %dma_start3A_89 = tpu.memref_slice %arg13[%dma_start3A_88] : memref<6256xi32, #tpu.memory_space<vmem>> -> memref<6248xi32, #tpu.memory_space<vmem>>
        %dma_start3A_90 = tpu.memref_slice %arg2[%add3A_24] : memref<3200000xi32, #tpu.memory_space<hbm>> -> memref<6248xi32, #tpu.memory_space<hbm>>
        tpu.enqueue_dma source(%dma_start3A_90 : memref<6248xi32, #tpu.memory_space<hbm>>) target(%dma_start3A_89 : memref<6248xi32, #tpu.memory_space<vmem>>) target_semaphore(%run_scoped3A : memref<!tpu.dma_semaphore, #tpu.memory_space<semaphore_mem>>)
        %dma_wait3A = arith.constant 0 : i32
        %dma_wait3A_91 = tpu.memref_slice %arg13[%dma_wait3A] : memref<6256xi32, #tpu.memory_space<vmem>> -> memref<6248xi32, #tpu.memory_space<vmem>>
        %dma_wait3A_92 = tpu.memref_slice %arg2[%add3A_24] : memref<3200000xi32, #tpu.memory_space<hbm>> -> memref<6248xi32, #tpu.memory_space<hbm>>
        %dma_wait3A_93 = arith.constant 0 : i32
        %dma_wait3A_94 = tpu.memref_slice %arg13[%dma_wait3A_93] : memref<6256xi32, #tpu.memory_space<vmem>> -> memref<6248xi32, #tpu.memory_space<vmem>>
        %dma_wait3A_95 = tpu.memref_slice %arg2[%add3A_24] : memref<3200000xi32, #tpu.memory_space<hbm>> -> memref<6248xi32, #tpu.memory_space<hbm>>
        tpu.wait_dma2 semaphore(%run_scoped3A : memref<!tpu.dma_semaphore, #tpu.memory_space<semaphore_mem>>) src(%dma_wait3A_95 : memref<6248xi32, #tpu.memory_space<hbm>>) dst(%dma_wait3A_94 : memref<6248xi32, #tpu.memory_space<vmem>>)
        tpu.yield
      }) : () -> ()
      %scan3A = arith.constant 0 : i32
      %scan3A_25 = arith.constant 0 : i32
      %scan3A_26 = arith.constant 391 : i32
      %scan3A_27 = arith.addi %scan3A_25, %scan3A_26 : i32
      %scan3A_28 = arith.constant 1 : i32
      scf.for %scan3A_86 = %scan3A_25 to %scan3A_27 step %scan3A_28  : i32 {
        %mul3A_87 = arith.constant 16 : i32
        %mul3A_88 = arith.muli %scan3A_86, %mul3A_87 : i32
        %get3A = arith.index_cast %mul3A_88 : i32 to index
        %get3A_89 = tpu.vector_load %arg6[%get3A] {strides = array<i32>} : memref<6256xi32, #tpu.memory_space<vmem>>, vector<16xi32>,
        %get3A_90 = arith.index_cast %mul3A_88 : i32 to index
        %get3A_91 = tpu.vector_load %arg12[%get3A_90] {strides = array<i32>} : memref<6256xi32, #tpu.memory_space<vmem>>, vector<16xi32>,
        %get3A_92 = arith.index_cast %mul3A_88 : i32 to index
        %get3A_93 = tpu.vector_load %arg13[%get3A_92] {strides = array<i32>} : memref<6256xi32, #tpu.memory_space<vmem>>, vector<16xi32>,
        %mul3A_94 = arith.constant 128 : i32
        %mul3A_95 = vector.broadcast %mul3A_94 : i32 to vector<16xi32>
        %mul3A_96 = arith.muli %get3A_89, %mul3A_95 : vector<16xi32>
        %add3A_97 = arith.addi %mul3A_96, %get3A_93 : vector<16xi32>
        %and3A = arith.constant 16383 : i32
        %and3A_98 = vector.broadcast %and3A : i32 to vector<16xi32>
        %and3A_99 = arith.andi %add3A_97, %and3A_98 : vector<16xi32>
        %gather3A = tpu.vector_load_idx %arg5[%and3A_99] : memref<16384xi32, #tpu.memory_space<vmem>>[vector<16xi32>], vector<16xi32>,
        %shift_right_arithmetic3A = arith.constant 14 : i32
        %shift_right_arithmetic3A_100 = vector.broadcast %shift_right_arithmetic3A : i32 to vector<16xi32>
        %shift_right_arithmetic3A_101 = arith.shrsi %add3A_97, %shift_right_arithmetic3A_100 : vector<16xi32>
        %and3A_102 = arith.constant 7 : i32
        %and3A_103 = vector.broadcast %and3A_102 : i32 to vector<16xi32>
        %and3A_104 = arith.andi %shift_right_arithmetic3A_101, %and3A_103 : vector<16xi32>
        %shift_left3A = arith.constant 2 : i32
        %shift_left3A_105 = vector.broadcast %shift_left3A : i32 to vector<16xi32>
        %shift_left3A_106 = arith.shli %and3A_104, %shift_left3A_105 : vector<16xi32>
        %shift_right_arithmetic3A_107 = arith.shrsi %gather3A, %shift_left3A_106 : vector<16xi32>
        %and3A_108 = arith.constant 15 : i32
        %and3A_109 = vector.broadcast %and3A_108 : i32 to vector<16xi32>
        %and3A_110 = arith.andi %shift_right_arithmetic3A_107, %and3A_109 : vector<16xi32>
        %ne3A = arith.constant 0 : i32
        %ne3A_111 = vector.broadcast %ne3A : i32 to vector<16xi32>
        %ne3A_112 = arith.cmpi ne, %get3A_91, %ne3A_111 : vector<16xi32>
        %ne3A_113 = arith.constant 1 : i32
        %ne3A_114 = vector.broadcast %ne3A_113 : i32 to vector<16xi32>
        %ne3A_115 = arith.cmpi ne, %get3A_91, %ne3A_114 : vector<16xi32>
        %and3A_116 = arith.andi %ne3A_112, %ne3A_115 : vector<16xi1>
        %and3A_117 = arith.constant 3 : i32
        %and3A_118 = vector.broadcast %and3A_117 : i32 to vector<16xi32>
        %and3A_119 = arith.andi %and3A_110, %and3A_118 : vector<16xi32>
        %sub3A = arith.constant 1 : i32
        %sub3A_120 = vector.broadcast %sub3A : i32 to vector<16xi32>
        %sub3A_121 = arith.subi %and3A_119, %sub3A_120 : vector<16xi32>
        %jit3A = arith.constant 0 : i32
        %broadcast_in_dim3A = vector.broadcast %jit3A : i32 to vector<16xi32>
        %select_n3A = arith.select %and3A_116, %sub3A_121, %broadcast_in_dim3A : vector<16xi1>, vector<16xi32>
        %shift_right_arithmetic3A_122 = arith.constant 2 : i32
        %shift_right_arithmetic3A_123 = vector.broadcast %shift_right_arithmetic3A_122 : i32 to vector<16xi32>
        %shift_right_arithmetic3A_124 = arith.shrsi %and3A_110, %shift_right_arithmetic3A_123 : vector<16xi32>
        %sub3A_125 = arith.constant 1 : i32
        %sub3A_126 = vector.broadcast %sub3A_125 : i32 to vector<16xi32>
        %sub3A_127 = arith.subi %shift_right_arithmetic3A_124, %sub3A_126 : vector<16xi32>
        %jit3A_128 = arith.constant 0 : i32
        %broadcast_in_dim3A_129 = vector.broadcast %jit3A_128 : i32 to vector<16xi32>
        %select_n3A_130 = arith.select %and3A_116, %sub3A_127, %broadcast_in_dim3A_129 : vector<16xi1>, vector<16xi32>
        %get3A_131 = arith.index_cast %mul3A_88 : i32 to index
        %get3A_132 = tpu.vector_load %arg7[%get3A_131] {strides = array<i32>} : memref<6256xi32, #tpu.memory_space<vmem>>, vector<16xi32>,
        %add3A_133 = arith.addi %get3A_132, %select_n3A : vector<16xi32>
        %swap3A = arith.index_cast %mul3A_88 : i32 to index
        %swap3A_134 = tpu.vector_load %arg7[%swap3A] {strides = array<i32>} : memref<6256xi32, #tpu.memory_space<vmem>>, vector<16xi32>,
        tpu.vector_store %arg7[%swap3A], %add3A_133 {strides = array<i32>} : memref<6256xi32, #tpu.memory_space<vmem>>, vector<16xi32>,
        %get3A_135 = arith.index_cast %mul3A_88 : i32 to index
        %get3A_136 = tpu.vector_load %arg8[%get3A_135] {strides = array<i32>} : memref<6256xi32, #tpu.memory_space<vmem>>, vector<16xi32>,
        %add3A_137 = arith.addi %get3A_136, %select_n3A_130 : vector<16xi32>
        %swap3A_138 = arith.index_cast %mul3A_88 : i32 to index
        %swap3A_139 = tpu.vector_load %arg8[%swap3A_138] {strides = array<i32>} : memref<6256xi32, #tpu.memory_space<vmem>>, vector<16xi32>,
        tpu.vector_store %arg8[%swap3A_138], %add3A_137 {strides = array<i32>} : memref<6256xi32, #tpu.memory_space<vmem>>, vector<16xi32>,
      }
      %scan3A_29 = arith.constant 391 : i32
      %add3A_30 = arith.constant 0 : i32
      %add3A_31 = arith.addi %add3A_30, %mul3A_8 : i32
      "tpu.region"() ({
        %run_scoped3A = tpu.sem_alloc : memref<!tpu.dma_semaphore, #tpu.memory_space<semaphore_mem>>
        %dma_start3A = arith.constant 0 : i32
        %dma_start3A_86 = tpu.memref_slice %arg6[%dma_start3A] : memref<6256xi32, #tpu.memory_space<vmem>> -> memref<6248xi32, #tpu.memory_space<vmem>>
        %dma_start3A_87 = tpu.memref_slice %arg4[%add3A_31] : memref<3200000xi32, #tpu.memory_space<hbm>> -> memref<6248xi32, #tpu.memory_space<hbm>>
        %dma_start3A_88 = tpu.memref_slice %arg4[%add3A_31] : memref<3200000xi32, #tpu.memory_space<hbm>> -> memref<6248xi32, #tpu.memory_space<hbm>>
        %dma_start3A_89 = arith.constant 0 : i32
        %dma_start3A_90 = tpu.memref_slice %arg6[%dma_start3A_89] : memref<6256xi32, #tpu.memory_space<vmem>> -> memref<6248xi32, #tpu.memory_space<vmem>>
        tpu.enqueue_dma source(%dma_start3A_90 : memref<6248xi32, #tpu.memory_space<vmem>>) target(%dma_start3A_88 : memref<6248xi32, #tpu.memory_space<hbm>>) target_semaphore(%run_scoped3A : memref<!tpu.dma_semaphore, #tpu.memory_space<semaphore_mem>>)
        %dma_wait3A = arith.constant 0 : i32
        %dma_wait3A_91 = tpu.memref_slice %arg6[%dma_wait3A] : memref<6256xi32, #tpu.memory_space<vmem>> -> memref<6248xi32, #tpu.memory_space<vmem>>
        %dma_wait3A_92 = tpu.memref_slice %arg4[%add3A_31] : memref<3200000xi32, #tpu.memory_space<hbm>> -> memref<6248xi32, #tpu.memory_space<hbm>>
        %dma_wait3A_93 = tpu.memref_slice %arg4[%add3A_31] : memref<3200000xi32, #tpu.memory_space<hbm>> -> memref<6248xi32, #tpu.memory_space<hbm>>
        %dma_wait3A_94 = arith.constant 0 : i32
        %dma_wait3A_95 = tpu.memref_slice %arg6[%dma_wait3A_94] : memref<6256xi32, #tpu.memory_space<vmem>> -> memref<6248xi32, #tpu.memory_space<vmem>>
        tpu.wait_dma2 semaphore(%run_scoped3A : memref<!tpu.dma_semaphore, #tpu.memory_space<semaphore_mem>>) src(%dma_wait3A_95 : memref<6248xi32, #tpu.memory_space<vmem>>) dst(%dma_wait3A_93 : memref<6248xi32, #tpu.memory_space<hbm>>)
        tpu.yield
      }) : () -> ()
      %add3A_32 = arith.constant 400000 : i32
      %add3A_33 = arith.addi %add3A_32, %mul3A_8 : i32
      "tpu.region"() ({
        %run_scoped3A = tpu.sem_alloc : memref<!tpu.dma_semaphore, #tpu.memory_space<semaphore_mem>>
        %dma_start3A = arith.constant 0 : i32
        %dma_start3A_86 = tpu.memref_slice %arg7[%dma_start3A] : memref<6256xi32, #tpu.memory_space<vmem>> -> memref<6248xi32, #tpu.memory_space<vmem>>
        %dma_start3A_87 = tpu.memref_slice %arg4[%add3A_33] : memref<3200000xi32, #tpu.memory_space<hbm>> -> memref<6248xi32, #tpu.memory_space<hbm>>
        %dma_start3A_88 = tpu.memref_slice %arg4[%add3A_33] : memref<3200000xi32, #tpu.memory_space<hbm>> -> memref<6248xi32, #tpu.memory_space<hbm>>
        %dma_start3A_89 = arith.constant 0 : i32
        %dma_start3A_90 = tpu.memref_slice %arg7[%dma_start3A_89] : memref<6256xi32, #tpu.memory_space<vmem>> -> memref<6248xi32, #tpu.memory_space<vmem>>
        tpu.enqueue_dma source(%dma_start3A_90 : memref<6248xi32, #tpu.memory_space<vmem>>) target(%dma_start3A_88 : memref<6248xi32, #tpu.memory_space<hbm>>) target_semaphore(%run_scoped3A : memref<!tpu.dma_semaphore, #tpu.memory_space<semaphore_mem>>)
        %dma_wait3A = arith.constant 0 : i32
        %dma_wait3A_91 = tpu.memref_slice %arg7[%dma_wait3A] : memref<6256xi32, #tpu.memory_space<vmem>> -> memref<6248xi32, #tpu.memory_space<vmem>>
        %dma_wait3A_92 = tpu.memref_slice %arg4[%add3A_33] : memref<3200000xi32, #tpu.memory_space<hbm>> -> memref<6248xi32, #tpu.memory_space<hbm>>
        %dma_wait3A_93 = tpu.memref_slice %arg4[%add3A_33] : memref<3200000xi32, #tpu.memory_space<hbm>> -> memref<6248xi32, #tpu.memory_space<hbm>>
        %dma_wait3A_94 = arith.constant 0 : i32
        %dma_wait3A_95 = tpu.memref_slice %arg7[%dma_wait3A_94] : memref<6256xi32, #tpu.memory_space<vmem>> -> memref<6248xi32, #tpu.memory_space<vmem>>
        tpu.wait_dma2 semaphore(%run_scoped3A : memref<!tpu.dma_semaphore, #tpu.memory_space<semaphore_mem>>) src(%dma_wait3A_95 : memref<6248xi32, #tpu.memory_space<vmem>>) dst(%dma_wait3A_93 : memref<6248xi32, #tpu.memory_space<hbm>>)
        tpu.yield
      }) : () -> ()
      %add3A_34 = arith.constant 800000 : i32
      %add3A_35 = arith.addi %add3A_34, %mul3A_8 : i32
      "tpu.region"() ({
        %run_scoped3A = tpu.sem_alloc : memref<!tpu.dma_semaphore, #tpu.memory_space<semaphore_mem>>
        %dma_start3A = arith.constant 0 : i32
        %dma_start3A_86 = tpu.memref_slice %arg8[%dma_start3A] : memref<6256xi32, #tpu.memory_space<vmem>> -> memref<6248xi32, #tpu.memory_space<vmem>>
        %dma_start3A_87 = tpu.memref_slice %arg4[%add3A_35] : memref<3200000xi32, #tpu.memory_space<hbm>> -> memref<6248xi32, #tpu.memory_space<hbm>>
        %dma_start3A_88 = tpu.memref_slice %arg4[%add3A_35] : memref<3200000xi32, #tpu.memory_space<hbm>> -> memref<6248xi32, #tpu.memory_space<hbm>>
        %dma_start3A_89 = arith.constant 0 : i32
        %dma_start3A_90 = tpu.memref_slice %arg8[%dma_start3A_89] : memref<6256xi32, #tpu.memory_space<vmem>> -> memref<6248xi32, #tpu.memory_space<vmem>>
        tpu.enqueue_dma source(%dma_start3A_90 : memref<6248xi32, #tpu.memory_space<vmem>>) target(%dma_start3A_88 : memref<6248xi32, #tpu.memory_space<hbm>>) target_semaphore(%run_scoped3A : memref<!tpu.dma_semaphore, #tpu.memory_space<semaphore_mem>>)
        %dma_wait3A = arith.constant 0 : i32
        %dma_wait3A_91 = tpu.memref_slice %arg8[%dma_wait3A] : memref<6256xi32, #tpu.memory_space<vmem>> -> memref<6248xi32, #tpu.memory_space<vmem>>
        %dma_wait3A_92 = tpu.memref_slice %arg4[%add3A_35] : memref<3200000xi32, #tpu.memory_space<hbm>> -> memref<6248xi32, #tpu.memory_space<hbm>>
        %dma_wait3A_93 = tpu.memref_slice %arg4[%add3A_35] : memref<3200000xi32, #tpu.memory_space<hbm>> -> memref<6248xi32, #tpu.memory_space<hbm>>
        %dma_wait3A_94 = arith.constant 0 : i32
        %dma_wait3A_95 = tpu.memref_slice %arg8[%dma_wait3A_94] : memref<6256xi32, #tpu.memory_space<vmem>> -> memref<6248xi32, #tpu.memory_space<vmem>>
        tpu.wait_dma2 semaphore(%run_scoped3A : memref<!tpu.dma_semaphore, #tpu.memory_space<semaphore_mem>>) src(%dma_wait3A_95 : memref<6248xi32, #tpu.memory_space<vmem>>) dst(%dma_wait3A_93 : memref<6248xi32, #tpu.memory_space<hbm>>)
        tpu.yield
      }) : () -> ()
      %add3A_36 = arith.constant 1200000 : i32
      %add3A_37 = arith.addi %add3A_36, %mul3A_8 : i32
      "tpu.region"() ({
        %run_scoped3A = tpu.sem_alloc : memref<!tpu.dma_semaphore, #tpu.memory_space<semaphore_mem>>
        %dma_start3A = arith.constant 0 : i32
        %dma_start3A_86 = tpu.memref_slice %arg9[%dma_start3A] : memref<6256xi32, #tpu.memory_space<vmem>> -> memref<6248xi32, #tpu.memory_space<vmem>>
        %dma_start3A_87 = tpu.memref_slice %arg4[%add3A_37] : memref<3200000xi32, #tpu.memory_space<hbm>> -> memref<6248xi32, #tpu.memory_space<hbm>>
        %dma_start3A_88 = tpu.memref_slice %arg4[%add3A_37] : memref<3200000xi32, #tpu.memory_space<hbm>> -> memref<6248xi32, #tpu.memory_space<hbm>>
        %dma_start3A_89 = arith.constant 0 : i32
        %dma_start3A_90 = tpu.memref_slice %arg9[%dma_start3A_89] : memref<6256xi32, #tpu.memory_space<vmem>> -> memref<6248xi32, #tpu.memory_space<vmem>>
        tpu.enqueue_dma source(%dma_start3A_90 : memref<6248xi32, #tpu.memory_space<vmem>>) target(%dma_start3A_88 : memref<6248xi32, #tpu.memory_space<hbm>>) target_semaphore(%run_scoped3A : memref<!tpu.dma_semaphore, #tpu.memory_space<semaphore_mem>>)
        %dma_wait3A = arith.constant 0 : i32
        %dma_wait3A_91 = tpu.memref_slice %arg9[%dma_wait3A] : memref<6256xi32, #tpu.memory_space<vmem>> -> memref<6248xi32, #tpu.memory_space<vmem>>
        %dma_wait3A_92 = tpu.memref_slice %arg4[%add3A_37] : memref<3200000xi32, #tpu.memory_space<hbm>> -> memref<6248xi32, #tpu.memory_space<hbm>>
        %dma_wait3A_93 = tpu.memref_slice %arg4[%add3A_37] : memref<3200000xi32, #tpu.memory_space<hbm>> -> memref<6248xi32, #tpu.memory_space<hbm>>
        %dma_wait3A_94 = arith.constant 0 : i32
        %dma_wait3A_95 = tpu.memref_slice %arg9[%dma_wait3A_94] : memref<6256xi32, #tpu.memory_space<vmem>> -> memref<6248xi32, #tpu.memory_space<vmem>>
        tpu.wait_dma2 semaphore(%run_scoped3A : memref<!tpu.dma_semaphore, #tpu.memory_space<semaphore_mem>>) src(%dma_wait3A_95 : memref<6248xi32, #tpu.memory_space<vmem>>) dst(%dma_wait3A_93 : memref<6248xi32, #tpu.memory_space<hbm>>)
        tpu.yield
      }) : () -> ()
      %add3A_38 = arith.constant 1600000 : i32
      %add3A_39 = arith.addi %add3A_38, %mul3A_8 : i32
      "tpu.region"() ({
        %run_scoped3A = tpu.sem_alloc : memref<!tpu.dma_semaphore, #tpu.memory_space<semaphore_mem>>
        %dma_start3A = arith.constant 0 : i32
        %dma_start3A_86 = tpu.memref_slice %arg10[%dma_start3A] : memref<6256xi32, #tpu.memory_space<vmem>> -> memref<6248xi32, #tpu.memory_space<vmem>>
        %dma_start3A_87 = tpu.memref_slice %arg4[%add3A_39] : memref<3200000xi32, #tpu.memory_space<hbm>> -> memref<6248xi32, #tpu.memory_space<hbm>>
        %dma_start3A_88 = tpu.memref_slice %arg4[%add3A_39] : memref<3200000xi32, #tpu.memory_space<hbm>> -> memref<6248xi32, #tpu.memory_space<hbm>>
        %dma_start3A_89 = arith.constant 0 : i32
        %dma_start3A_90 = tpu.memref_slice %arg10[%dma_start3A_89] : memref<6256xi32, #tpu.memory_space<vmem>> -> memref<6248xi32, #tpu.memory_space<vmem>>
        tpu.enqueue_dma source(%dma_start3A_90 : memref<6248xi32, #tpu.memory_space<vmem>>) target(%dma_start3A_88 : memref<6248xi32, #tpu.memory_space<hbm>>) target_semaphore(%run_scoped3A : memref<!tpu.dma_semaphore, #tpu.memory_space<semaphore_mem>>)
        %dma_wait3A = arith.constant 0 : i32
        %dma_wait3A_91 = tpu.memref_slice %arg10[%dma_wait3A] : memref<6256xi32, #tpu.memory_space<vmem>> -> memref<6248xi32, #tpu.memory_space<vmem>>
        %dma_wait3A_92 = tpu.memref_slice %arg4[%add3A_39] : memref<3200000xi32, #tpu.memory_space<hbm>> -> memref<6248xi32, #tpu.memory_space<hbm>>
        %dma_wait3A_93 = tpu.memref_slice %arg4[%add3A_39] : memref<3200000xi32, #tpu.memory_space<hbm>> -> memref<6248xi32, #tpu.memory_space<hbm>>
        %dma_wait3A_94 = arith.constant 0 : i32
        %dma_wait3A_95 = tpu.memref_slice %arg10[%dma_wait3A_94] : memref<6256xi32, #tpu.memory_space<vmem>> -> memref<6248xi32, #tpu.memory_space<vmem>>
        tpu.wait_dma2 semaphore(%run_scoped3A : memref<!tpu.dma_semaphore, #tpu.memory_space<semaphore_mem>>) src(%dma_wait3A_95 : memref<6248xi32, #tpu.memory_space<vmem>>) dst(%dma_wait3A_93 : memref<6248xi32, #tpu.memory_space<hbm>>)
        tpu.yield
      }) : () -> ()
      %add3A_40 = arith.constant 2000000 : i32
      %add3A_41 = arith.addi %add3A_40, %mul3A_8 : i32
      "tpu.region"() ({
        %run_scoped3A = tpu.sem_alloc : memref<!tpu.dma_semaphore, #tpu.memory_space<semaphore_mem>>
        %dma_start3A = arith.constant 0 : i32
        %dma_start3A_86 = tpu.memref_slice %arg11[%dma_start3A] : memref<6256xi32, #tpu.memory_space<vmem>> -> memref<6248xi32, #tpu.memory_space<vmem>>
        %dma_start3A_87 = tpu.memref_slice %arg4[%add3A_41] : memref<3200000xi32, #tpu.memory_space<hbm>> -> memref<6248xi32, #tpu.memory_space<hbm>>
        %dma_start3A_88 = tpu.memref_slice %arg4[%add3A_41] : memref<3200000xi32, #tpu.memory_space<hbm>> -> memref<6248xi32, #tpu.memory_space<hbm>>
        %dma_start3A_89 = arith.constant 0 : i32
        %dma_start3A_90 = tpu.memref_slice %arg11[%dma_start3A_89] : memref<6256xi32, #tpu.memory_space<vmem>> -> memref<6248xi32, #tpu.memory_space<vmem>>
        tpu.enqueue_dma source(%dma_start3A_90 : memref<6248xi32, #tpu.memory_space<vmem>>) target(%dma_start3A_88 : memref<6248xi32, #tpu.memory_space<hbm>>) target_semaphore(%run_scoped3A : memref<!tpu.dma_semaphore, #tpu.memory_space<semaphore_mem>>)
        %dma_wait3A = arith.constant 0 : i32
        %dma_wait3A_91 = tpu.memref_slice %arg11[%dma_wait3A] : memref<6256xi32, #tpu.memory_space<vmem>> -> memref<6248xi32, #tpu.memory_space<vmem>>
        %dma_wait3A_92 = tpu.memref_slice %arg4[%add3A_41] : memref<3200000xi32, #tpu.memory_space<hbm>> -> memref<6248xi32, #tpu.memory_space<hbm>>
        %dma_wait3A_93 = tpu.memref_slice %arg4[%add3A_41] : memref<3200000xi32, #tpu.memory_space<hbm>> -> memref<6248xi32, #tpu.memory_space<hbm>>
        %dma_wait3A_94 = arith.constant 0 : i32
        %dma_wait3A_95 = tpu.memref_slice %arg11[%dma_wait3A_94] : memref<6256xi32, #tpu.memory_space<vmem>> -> memref<6248xi32, #tpu.memory_space<vmem>>
        tpu.wait_dma2 semaphore(%run_scoped3A : memref<!tpu.dma_semaphore, #tpu.memory_space<semaphore_mem>>) src(%dma_wait3A_95 : memref<6248xi32, #tpu.memory_space<vmem>>) dst(%dma_wait3A_93 : memref<6248xi32, #tpu.memory_space<hbm>>)
        tpu.yield
      }) : () -> ()
      %add3A_42 = arith.constant 2400000 : i32
      %add3A_43 = arith.addi %add3A_42, %mul3A_8 : i32
      "tpu.region"() ({
        %run_scoped3A = tpu.sem_alloc : memref<!tpu.dma_semaphore, #tpu.memory_space<semaphore_mem>>
        %dma_start3A = arith.constant 0 : i32
        %dma_start3A_86 = tpu.memref_slice %arg12[%dma_start3A] : memref<6256xi32, #tpu.memory_space<vmem>> -> memref<6248xi32, #tpu.memory_space<vmem>>
        %dma_start3A_87 = tpu.memref_slice %arg4[%add3A_43] : memref<3200000xi32, #tpu.memory_space<hbm>> -> memref<6248xi32, #tpu.memory_space<hbm>>
        %dma_start3A_88 = tpu.memref_slice %arg4[%add3A_43] : memref<3200000xi32, #tpu.memory_space<hbm>> -> memref<6248xi32, #tpu.memory_space<hbm>>
        %dma_start3A_89 = arith.constant 0 : i32
        %dma_start3A_90 = tpu.memref_slice %arg12[%dma_start3A_89] : memref<6256xi32, #tpu.memory_space<vmem>> -> memref<6248xi32, #tpu.memory_space<vmem>>
        tpu.enqueue_dma source(%dma_start3A_90 : memref<6248xi32, #tpu.memory_space<vmem>>) target(%dma_start3A_88 : memref<6248xi32, #tpu.memory_space<hbm>>) target_semaphore(%run_scoped3A : memref<!tpu.dma_semaphore, #tpu.memory_space<semaphore_mem>>)
        %dma_wait3A = arith.constant 0 : i32
        %dma_wait3A_91 = tpu.memref_slice %arg12[%dma_wait3A] : memref<6256xi32, #tpu.memory_space<vmem>> -> memref<6248xi32, #tpu.memory_space<vmem>>
        %dma_wait3A_92 = tpu.memref_slice %arg4[%add3A_43] : memref<3200000xi32, #tpu.memory_space<hbm>> -> memref<6248xi32, #tpu.memory_space<hbm>>
        %dma_wait3A_93 = tpu.memref_slice %arg4[%add3A_43] : memref<3200000xi32, #tpu.memory_space<hbm>> -> memref<6248xi32, #tpu.memory_space<hbm>>
        %dma_wait3A_94 = arith.constant 0 : i32
        %dma_wait3A_95 = tpu.memref_slice %arg12[%dma_wait3A_94] : memref<6256xi32, #tpu.memory_space<vmem>> -> memref<6248xi32, #tpu.memory_space<vmem>>
        tpu.wait_dma2 semaphore(%run_scoped3A : memref<!tpu.dma_semaphore, #tpu.memory_space<semaphore_mem>>) src(%dma_wait3A_95 : memref<6248xi32, #tpu.memory_space<vmem>>) dst(%dma_wait3A_93 : memref<6248xi32, #tpu.memory_space<hbm>>)
        tpu.yield
      }) : () -> ()
      %add3A_44 = arith.constant 2800000 : i32
      %add3A_45 = arith.addi %add3A_44, %mul3A_8 : i32
      "tpu.region"() ({
        %run_scoped3A = tpu.sem_alloc : memref<!tpu.dma_semaphore, #tpu.memory_space<semaphore_mem>>
        %dma_start3A = arith.constant 0 : i32
        %dma_start3A_86 = tpu.memref_slice %arg13[%dma_start3A] : memref<6256xi32, #tpu.memory_space<vmem>> -> memref<6248xi32, #tpu.memory_space<vmem>>
        %dma_start3A_87 = tpu.memref_slice %arg4[%add3A_45] : memref<3200000xi32, #tpu.memory_space<hbm>> -> memref<6248xi32, #tpu.memory_space<hbm>>
        %dma_start3A_88 = tpu.memref_slice %arg4[%add3A_45] : memref<3200000xi32, #tpu.memory_space<hbm>> -> memref<6248xi32, #tpu.memory_space<hbm>>
        %dma_start3A_89 = arith.constant 0 : i32
        %dma_start3A_90 = tpu.memref_slice %arg13[%dma_start3A_89] : memref<6256xi32, #tpu.memory_space<vmem>> -> memref<6248xi32, #tpu.memory_space<vmem>>
        tpu.enqueue_dma source(%dma_start3A_90 : memref<6248xi32, #tpu.memory_space<vmem>>) target(%dma_start3A_88 : memref<6248xi32, #tpu.memory_space<hbm>>) target_semaphore(%run_scoped3A : memref<!tpu.dma_semaphore, #tpu.memory_space<semaphore_mem>>)
        %dma_wait3A = arith.constant 0 : i32
        %dma_wait3A_91 = tpu.memref_slice %arg13[%dma_wait3A] : memref<6256xi32, #tpu.memory_space<vmem>> -> memref<6248xi32, #tpu.memory_space<vmem>>
        %dma_wait3A_92 = tpu.memref_slice %arg4[%add3A_45] : memref<3200000xi32, #tpu.memory_space<hbm>> -> memref<6248xi32, #tpu.memory_space<hbm>>
        %dma_wait3A_93 = tpu.memref_slice %arg4[%add3A_45] : memref<3200000xi32, #tpu.memory_space<hbm>> -> memref<6248xi32, #tpu.memory_space<hbm>>
        %dma_wait3A_94 = arith.constant 0 : i32
        %dma_wait3A_95 = tpu.memref_slice %arg13[%dma_wait3A_94] : memref<6256xi32, #tpu.memory_space<vmem>> -> memref<6248xi32, #tpu.memory_space<vmem>>
        tpu.wait_dma2 semaphore(%run_scoped3A : memref<!tpu.dma_semaphore, #tpu.memory_space<semaphore_mem>>) src(%dma_wait3A_95 : memref<6248xi32, #tpu.memory_space<vmem>>) dst(%dma_wait3A_93 : memref<6248xi32, #tpu.memory_space<hbm>>)
        tpu.yield
      }) : () -> ()
      %add3A_46 = arith.constant 6248 : i32
      %add3A_47 = arith.addi %mul3A_8, %add3A_46 : i32
      %add3A_48 = arith.constant 0 : i32
      %add3A_49 = arith.addi %add3A_48, %add3A_47 : i32
      "tpu.region"() ({
        %run_scoped3A = tpu.sem_alloc : memref<!tpu.dma_semaphore, #tpu.memory_space<semaphore_mem>>
        %dma_start3A = arith.constant 0 : i32
        %dma_start3A_86 = tpu.memref_slice %arg6[%dma_start3A] : memref<6256xi32, #tpu.memory_space<vmem>> -> memref<6248xi32, #tpu.memory_space<vmem>>
        %dma_start3A_87 = tpu.memref_slice %arg2[%add3A_49] : memref<3200000xi32, #tpu.memory_space<hbm>> -> memref<6248xi32, #tpu.memory_space<hbm>>
        %dma_start3A_88 = arith.constant 0 : i32
        %dma_start3A_89 = tpu.memref_slice %arg6[%dma_start3A_88] : memref<6256xi32, #tpu.memory_space<vmem>> -> memref<6248xi32, #tpu.memory_space<vmem>>
        %dma_start3A_90 = tpu.memref_slice %arg2[%add3A_49] : memref<3200000xi32, #tpu.memory_space<hbm>> -> memref<6248xi32, #tpu.memory_space<hbm>>
        tpu.enqueue_dma source(%dma_start3A_90 : memref<6248xi32, #tpu.memory_space<hbm>>) target(%dma_start3A_89 : memref<6248xi32, #tpu.memory_space<vmem>>) target_semaphore(%run_scoped3A : memref<!tpu.dma_semaphore, #tpu.memory_space<semaphore_mem>>)
        %dma_wait3A = arith.constant 0 : i32
        %dma_wait3A_91 = tpu.memref_slice %arg6[%dma_wait3A] : memref<6256xi32, #tpu.memory_space<vmem>> -> memref<6248xi32, #tpu.memory_space<vmem>>
        %dma_wait3A_92 = tpu.memref_slice %arg2[%add3A_49] : memref<3200000xi32, #tpu.memory_space<hbm>> -> memref<6248xi32, #tpu.memory_space<hbm>>
        %dma_wait3A_93 = arith.constant 0 : i32
        %dma_wait3A_94 = tpu.memref_slice %arg6[%dma_wait3A_93] : memref<6256xi32, #tpu.memory_space<vmem>> -> memref<6248xi32, #tpu.memory_space<vmem>>
        %dma_wait3A_95 = tpu.memref_slice %arg2[%add3A_49] : memref<3200000xi32, #tpu.memory_space<hbm>> -> memref<6248xi32, #tpu.memory_space<hbm>>
        tpu.wait_dma2 semaphore(%run_scoped3A : memref<!tpu.dma_semaphore, #tpu.memory_space<semaphore_mem>>) src(%dma_wait3A_95 : memref<6248xi32, #tpu.memory_space<hbm>>) dst(%dma_wait3A_94 : memref<6248xi32, #tpu.memory_space<vmem>>)
        tpu.yield
      }) : () -> ()
      %add3A_50 = arith.constant 400000 : i32
      %add3A_51 = arith.addi %add3A_50, %add3A_47 : i32
      "tpu.region"() ({
        %run_scoped3A = tpu.sem_alloc : memref<!tpu.dma_semaphore, #tpu.memory_space<semaphore_mem>>
        %dma_start3A = arith.constant 0 : i32
        %dma_start3A_86 = tpu.memref_slice %arg7[%dma_start3A] : memref<6256xi32, #tpu.memory_space<vmem>> -> memref<6248xi32, #tpu.memory_space<vmem>>
        %dma_start3A_87 = tpu.memref_slice %arg2[%add3A_51] : memref<3200000xi32, #tpu.memory_space<hbm>> -> memref<6248xi32, #tpu.memory_space<hbm>>
        %dma_start3A_88 = arith.constant 0 : i32
        %dma_start3A_89 = tpu.memref_slice %arg7[%dma_start3A_88] : memref<6256xi32, #tpu.memory_space<vmem>> -> memref<6248xi32, #tpu.memory_space<vmem>>
        %dma_start3A_90 = tpu.memref_slice %arg2[%add3A_51] : memref<3200000xi32, #tpu.memory_space<hbm>> -> memref<6248xi32, #tpu.memory_space<hbm>>
        tpu.enqueue_dma source(%dma_start3A_90 : memref<6248xi32, #tpu.memory_space<hbm>>) target(%dma_start3A_89 : memref<6248xi32, #tpu.memory_space<vmem>>) target_semaphore(%run_scoped3A : memref<!tpu.dma_semaphore, #tpu.memory_space<semaphore_mem>>)
        %dma_wait3A = arith.constant 0 : i32
        %dma_wait3A_91 = tpu.memref_slice %arg7[%dma_wait3A] : memref<6256xi32, #tpu.memory_space<vmem>> -> memref<6248xi32, #tpu.memory_space<vmem>>
        %dma_wait3A_92 = tpu.memref_slice %arg2[%add3A_51] : memref<3200000xi32, #tpu.memory_space<hbm>> -> memref<6248xi32, #tpu.memory_space<hbm>>
        %dma_wait3A_93 = arith.constant 0 : i32
        %dma_wait3A_94 = tpu.memref_slice %arg7[%dma_wait3A_93] : memref<6256xi32, #tpu.memory_space<vmem>> -> memref<6248xi32, #tpu.memory_space<vmem>>
        %dma_wait3A_95 = tpu.memref_slice %arg2[%add3A_51] : memref<3200000xi32, #tpu.memory_space<hbm>> -> memref<6248xi32, #tpu.memory_space<hbm>>
        tpu.wait_dma2 semaphore(%run_scoped3A : memref<!tpu.dma_semaphore, #tpu.memory_space<semaphore_mem>>) src(%dma_wait3A_95 : memref<6248xi32, #tpu.memory_space<hbm>>) dst(%dma_wait3A_94 : memref<6248xi32, #tpu.memory_space<vmem>>)
        tpu.yield
      }) : () -> ()
      %add3A_52 = arith.constant 800000 : i32
      %add3A_53 = arith.addi %add3A_52, %add3A_47 : i32
      "tpu.region"() ({
        %run_scoped3A = tpu.sem_alloc : memref<!tpu.dma_semaphore, #tpu.memory_space<semaphore_mem>>
        %dma_start3A = arith.constant 0 : i32
        %dma_start3A_86 = tpu.memref_slice %arg8[%dma_start3A] : memref<6256xi32, #tpu.memory_space<vmem>> -> memref<6248xi32, #tpu.memory_space<vmem>>
        %dma_start3A_87 = tpu.memref_slice %arg2[%add3A_53] : memref<3200000xi32, #tpu.memory_space<hbm>> -> memref<6248xi32, #tpu.memory_space<hbm>>
        %dma_start3A_88 = arith.constant 0 : i32
        %dma_start3A_89 = tpu.memref_slice %arg8[%dma_start3A_88] : memref<6256xi32, #tpu.memory_space<vmem>> -> memref<6248xi32, #tpu.memory_space<vmem>>
        %dma_start3A_90 = tpu.memref_slice %arg2[%add3A_53] : memref<3200000xi32, #tpu.memory_space<hbm>> -> memref<6248xi32, #tpu.memory_space<hbm>>
        tpu.enqueue_dma source(%dma_start3A_90 : memref<6248xi32, #tpu.memory_space<hbm>>) target(%dma_start3A_89 : memref<6248xi32, #tpu.memory_space<vmem>>) target_semaphore(%run_scoped3A : memref<!tpu.dma_semaphore, #tpu.memory_space<semaphore_mem>>)
        %dma_wait3A = arith.constant 0 : i32
        %dma_wait3A_91 = tpu.memref_slice %arg8[%dma_wait3A] : memref<6256xi32, #tpu.memory_space<vmem>> -> memref<6248xi32, #tpu.memory_space<vmem>>
        %dma_wait3A_92 = tpu.memref_slice %arg2[%add3A_53] : memref<3200000xi32, #tpu.memory_space<hbm>> -> memref<6248xi32, #tpu.memory_space<hbm>>
        %dma_wait3A_93 = arith.constant 0 : i32
        %dma_wait3A_94 = tpu.memref_slice %arg8[%dma_wait3A_93] : memref<6256xi32, #tpu.memory_space<vmem>> -> memref<6248xi32, #tpu.memory_space<vmem>>
        %dma_wait3A_95 = tpu.memref_slice %arg2[%add3A_53] : memref<3200000xi32, #tpu.memory_space<hbm>> -> memref<6248xi32, #tpu.memory_space<hbm>>
        tpu.wait_dma2 semaphore(%run_scoped3A : memref<!tpu.dma_semaphore, #tpu.memory_space<semaphore_mem>>) src(%dma_wait3A_95 : memref<6248xi32, #tpu.memory_space<hbm>>) dst(%dma_wait3A_94 : memref<6248xi32, #tpu.memory_space<vmem>>)
        tpu.yield
      }) : () -> ()
      %add3A_54 = arith.constant 1200000 : i32
      %add3A_55 = arith.addi %add3A_54, %add3A_47 : i32
      "tpu.region"() ({
        %run_scoped3A = tpu.sem_alloc : memref<!tpu.dma_semaphore, #tpu.memory_space<semaphore_mem>>
        %dma_start3A = arith.constant 0 : i32
        %dma_start3A_86 = tpu.memref_slice %arg9[%dma_start3A] : memref<6256xi32, #tpu.memory_space<vmem>> -> memref<6248xi32, #tpu.memory_space<vmem>>
        %dma_start3A_87 = tpu.memref_slice %arg2[%add3A_55] : memref<3200000xi32, #tpu.memory_space<hbm>> -> memref<6248xi32, #tpu.memory_space<hbm>>
        %dma_start3A_88 = arith.constant 0 : i32
        %dma_start3A_89 = tpu.memref_slice %arg9[%dma_start3A_88] : memref<6256xi32, #tpu.memory_space<vmem>> -> memref<6248xi32, #tpu.memory_space<vmem>>
        %dma_start3A_90 = tpu.memref_slice %arg2[%add3A_55] : memref<3200000xi32, #tpu.memory_space<hbm>> -> memref<6248xi32, #tpu.memory_space<hbm>>
        tpu.enqueue_dma source(%dma_start3A_90 : memref<6248xi32, #tpu.memory_space<hbm>>) target(%dma_start3A_89 : memref<6248xi32, #tpu.memory_space<vmem>>) target_semaphore(%run_scoped3A : memref<!tpu.dma_semaphore, #tpu.memory_space<semaphore_mem>>)
        %dma_wait3A = arith.constant 0 : i32
        %dma_wait3A_91 = tpu.memref_slice %arg9[%dma_wait3A] : memref<6256xi32, #tpu.memory_space<vmem>> -> memref<6248xi32, #tpu.memory_space<vmem>>
        %dma_wait3A_92 = tpu.memref_slice %arg2[%add3A_55] : memref<3200000xi32, #tpu.memory_space<hbm>> -> memref<6248xi32, #tpu.memory_space<hbm>>
        %dma_wait3A_93 = arith.constant 0 : i32
        %dma_wait3A_94 = tpu.memref_slice %arg9[%dma_wait3A_93] : memref<6256xi32, #tpu.memory_space<vmem>> -> memref<6248xi32, #tpu.memory_space<vmem>>
        %dma_wait3A_95 = tpu.memref_slice %arg2[%add3A_55] : memref<3200000xi32, #tpu.memory_space<hbm>> -> memref<6248xi32, #tpu.memory_space<hbm>>
        tpu.wait_dma2 semaphore(%run_scoped3A : memref<!tpu.dma_semaphore, #tpu.memory_space<semaphore_mem>>) src(%dma_wait3A_95 : memref<6248xi32, #tpu.memory_space<hbm>>) dst(%dma_wait3A_94 : memref<6248xi32, #tpu.memory_space<vmem>>)
        tpu.yield
      }) : () -> ()
      %add3A_56 = arith.constant 1600000 : i32
      %add3A_57 = arith.addi %add3A_56, %add3A_47 : i32
      "tpu.region"() ({
        %run_scoped3A = tpu.sem_alloc : memref<!tpu.dma_semaphore, #tpu.memory_space<semaphore_mem>>
        %dma_start3A = arith.constant 0 : i32
        %dma_start3A_86 = tpu.memref_slice %arg10[%dma_start3A] : memref<6256xi32, #tpu.memory_space<vmem>> -> memref<6248xi32, #tpu.memory_space<vmem>>
        %dma_start3A_87 = tpu.memref_slice %arg2[%add3A_57] : memref<3200000xi32, #tpu.memory_space<hbm>> -> memref<6248xi32, #tpu.memory_space<hbm>>
        %dma_start3A_88 = arith.constant 0 : i32
        %dma_start3A_89 = tpu.memref_slice %arg10[%dma_start3A_88] : memref<6256xi32, #tpu.memory_space<vmem>> -> memref<6248xi32, #tpu.memory_space<vmem>>
        %dma_start3A_90 = tpu.memref_slice %arg2[%add3A_57] : memref<3200000xi32, #tpu.memory_space<hbm>> -> memref<6248xi32, #tpu.memory_space<hbm>>
        tpu.enqueue_dma source(%dma_start3A_90 : memref<6248xi32, #tpu.memory_space<hbm>>) target(%dma_start3A_89 : memref<6248xi32, #tpu.memory_space<vmem>>) target_semaphore(%run_scoped3A : memref<!tpu.dma_semaphore, #tpu.memory_space<semaphore_mem>>)
        %dma_wait3A = arith.constant 0 : i32
        %dma_wait3A_91 = tpu.memref_slice %arg10[%dma_wait3A] : memref<6256xi32, #tpu.memory_space<vmem>> -> memref<6248xi32, #tpu.memory_space<vmem>>
        %dma_wait3A_92 = tpu.memref_slice %arg2[%add3A_57] : memref<3200000xi32, #tpu.memory_space<hbm>> -> memref<6248xi32, #tpu.memory_space<hbm>>
        %dma_wait3A_93 = arith.constant 0 : i32
        %dma_wait3A_94 = tpu.memref_slice %arg10[%dma_wait3A_93] : memref<6256xi32, #tpu.memory_space<vmem>> -> memref<6248xi32, #tpu.memory_space<vmem>>
        %dma_wait3A_95 = tpu.memref_slice %arg2[%add3A_57] : memref<3200000xi32, #tpu.memory_space<hbm>> -> memref<6248xi32, #tpu.memory_space<hbm>>
        tpu.wait_dma2 semaphore(%run_scoped3A : memref<!tpu.dma_semaphore, #tpu.memory_space<semaphore_mem>>) src(%dma_wait3A_95 : memref<6248xi32, #tpu.memory_space<hbm>>) dst(%dma_wait3A_94 : memref<6248xi32, #tpu.memory_space<vmem>>)
        tpu.yield
      }) : () -> ()
      %add3A_58 = arith.constant 2000000 : i32
      %add3A_59 = arith.addi %add3A_58, %add3A_47 : i32
      "tpu.region"() ({
        %run_scoped3A = tpu.sem_alloc : memref<!tpu.dma_semaphore, #tpu.memory_space<semaphore_mem>>
        %dma_start3A = arith.constant 0 : i32
        %dma_start3A_86 = tpu.memref_slice %arg11[%dma_start3A] : memref<6256xi32, #tpu.memory_space<vmem>> -> memref<6248xi32, #tpu.memory_space<vmem>>
        %dma_start3A_87 = tpu.memref_slice %arg2[%add3A_59] : memref<3200000xi32, #tpu.memory_space<hbm>> -> memref<6248xi32, #tpu.memory_space<hbm>>
        %dma_start3A_88 = arith.constant 0 : i32
        %dma_start3A_89 = tpu.memref_slice %arg11[%dma_start3A_88] : memref<6256xi32, #tpu.memory_space<vmem>> -> memref<6248xi32, #tpu.memory_space<vmem>>
        %dma_start3A_90 = tpu.memref_slice %arg2[%add3A_59] : memref<3200000xi32, #tpu.memory_space<hbm>> -> memref<6248xi32, #tpu.memory_space<hbm>>
        tpu.enqueue_dma source(%dma_start3A_90 : memref<6248xi32, #tpu.memory_space<hbm>>) target(%dma_start3A_89 : memref<6248xi32, #tpu.memory_space<vmem>>) target_semaphore(%run_scoped3A : memref<!tpu.dma_semaphore, #tpu.memory_space<semaphore_mem>>)
        %dma_wait3A = arith.constant 0 : i32
        %dma_wait3A_91 = tpu.memref_slice %arg11[%dma_wait3A] : memref<6256xi32, #tpu.memory_space<vmem>> -> memref<6248xi32, #tpu.memory_space<vmem>>
        %dma_wait3A_92 = tpu.memref_slice %arg2[%add3A_59] : memref<3200000xi32, #tpu.memory_space<hbm>> -> memref<6248xi32, #tpu.memory_space<hbm>>
        %dma_wait3A_93 = arith.constant 0 : i32
        %dma_wait3A_94 = tpu.memref_slice %arg11[%dma_wait3A_93] : memref<6256xi32, #tpu.memory_space<vmem>> -> memref<6248xi32, #tpu.memory_space<vmem>>
        %dma_wait3A_95 = tpu.memref_slice %arg2[%add3A_59] : memref<3200000xi32, #tpu.memory_space<hbm>> -> memref<6248xi32, #tpu.memory_space<hbm>>
        tpu.wait_dma2 semaphore(%run_scoped3A : memref<!tpu.dma_semaphore, #tpu.memory_space<semaphore_mem>>) src(%dma_wait3A_95 : memref<6248xi32, #tpu.memory_space<hbm>>) dst(%dma_wait3A_94 : memref<6248xi32, #tpu.memory_space<vmem>>)
        tpu.yield
      }) : () -> ()
      %add3A_60 = arith.constant 2400000 : i32
      %add3A_61 = arith.addi %add3A_60, %add3A_47 : i32
      "tpu.region"() ({
        %run_scoped3A = tpu.sem_alloc : memref<!tpu.dma_semaphore, #tpu.memory_space<semaphore_mem>>
        %dma_start3A = arith.constant 0 : i32
        %dma_start3A_86 = tpu.memref_slice %arg12[%dma_start3A] : memref<6256xi32, #tpu.memory_space<vmem>> -> memref<6248xi32, #tpu.memory_space<vmem>>
        %dma_start3A_87 = tpu.memref_slice %arg2[%add3A_61] : memref<3200000xi32, #tpu.memory_space<hbm>> -> memref<6248xi32, #tpu.memory_space<hbm>>
        %dma_start3A_88 = arith.constant 0 : i32
        %dma_start3A_89 = tpu.memref_slice %arg12[%dma_start3A_88] : memref<6256xi32, #tpu.memory_space<vmem>> -> memref<6248xi32, #tpu.memory_space<vmem>>
        %dma_start3A_90 = tpu.memref_slice %arg2[%add3A_61] : memref<3200000xi32, #tpu.memory_space<hbm>> -> memref<6248xi32, #tpu.memory_space<hbm>>
        tpu.enqueue_dma source(%dma_start3A_90 : memref<6248xi32, #tpu.memory_space<hbm>>) target(%dma_start3A_89 : memref<6248xi32, #tpu.memory_space<vmem>>) target_semaphore(%run_scoped3A : memref<!tpu.dma_semaphore, #tpu.memory_space<semaphore_mem>>)
        %dma_wait3A = arith.constant 0 : i32
        %dma_wait3A_91 = tpu.memref_slice %arg12[%dma_wait3A] : memref<6256xi32, #tpu.memory_space<vmem>> -> memref<6248xi32, #tpu.memory_space<vmem>>
        %dma_wait3A_92 = tpu.memref_slice %arg2[%add3A_61] : memref<3200000xi32, #tpu.memory_space<hbm>> -> memref<6248xi32, #tpu.memory_space<hbm>>
        %dma_wait3A_93 = arith.constant 0 : i32
        %dma_wait3A_94 = tpu.memref_slice %arg12[%dma_wait3A_93] : memref<6256xi32, #tpu.memory_space<vmem>> -> memref<6248xi32, #tpu.memory_space<vmem>>
        %dma_wait3A_95 = tpu.memref_slice %arg2[%add3A_61] : memref<3200000xi32, #tpu.memory_space<hbm>> -> memref<6248xi32, #tpu.memory_space<hbm>>
        tpu.wait_dma2 semaphore(%run_scoped3A : memref<!tpu.dma_semaphore, #tpu.memory_space<semaphore_mem>>) src(%dma_wait3A_95 : memref<6248xi32, #tpu.memory_space<hbm>>) dst(%dma_wait3A_94 : memref<6248xi32, #tpu.memory_space<vmem>>)
        tpu.yield
      }) : () -> ()
      %add3A_62 = arith.constant 2800000 : i32
      %add3A_63 = arith.addi %add3A_62, %add3A_47 : i32
      "tpu.region"() ({
        %run_scoped3A = tpu.sem_alloc : memref<!tpu.dma_semaphore, #tpu.memory_space<semaphore_mem>>
        %dma_start3A = arith.constant 0 : i32
        %dma_start3A_86 = tpu.memref_slice %arg13[%dma_start3A] : memref<6256xi32, #tpu.memory_space<vmem>> -> memref<6248xi32, #tpu.memory_space<vmem>>
        %dma_start3A_87 = tpu.memref_slice %arg2[%add3A_63] : memref<3200000xi32, #tpu.memory_space<hbm>> -> memref<6248xi32, #tpu.memory_space<hbm>>
        %dma_start3A_88 = arith.constant 0 : i32
        %dma_start3A_89 = tpu.memref_slice %arg13[%dma_start3A_88] : memref<6256xi32, #tpu.memory_space<vmem>> -> memref<6248xi32, #tpu.memory_space<vmem>>
        %dma_start3A_90 = tpu.memref_slice %arg2[%add3A_63] : memref<3200000xi32, #tpu.memory_space<hbm>> -> memref<6248xi32, #tpu.memory_space<hbm>>
        tpu.enqueue_dma source(%dma_start3A_90 : memref<6248xi32, #tpu.memory_space<hbm>>) target(%dma_start3A_89 : memref<6248xi32, #tpu.memory_space<vmem>>) target_semaphore(%run_scoped3A : memref<!tpu.dma_semaphore, #tpu.memory_space<semaphore_mem>>)
        %dma_wait3A = arith.constant 0 : i32
        %dma_wait3A_91 = tpu.memref_slice %arg13[%dma_wait3A] : memref<6256xi32, #tpu.memory_space<vmem>> -> memref<6248xi32, #tpu.memory_space<vmem>>
        %dma_wait3A_92 = tpu.memref_slice %arg2[%add3A_63] : memref<3200000xi32, #tpu.memory_space<hbm>> -> memref<6248xi32, #tpu.memory_space<hbm>>
        %dma_wait3A_93 = arith.constant 0 : i32
        %dma_wait3A_94 = tpu.memref_slice %arg13[%dma_wait3A_93] : memref<6256xi32, #tpu.memory_space<vmem>> -> memref<6248xi32, #tpu.memory_space<vmem>>
        %dma_wait3A_95 = tpu.memref_slice %arg2[%add3A_63] : memref<3200000xi32, #tpu.memory_space<hbm>> -> memref<6248xi32, #tpu.memory_space<hbm>>
        tpu.wait_dma2 semaphore(%run_scoped3A : memref<!tpu.dma_semaphore, #tpu.memory_space<semaphore_mem>>) src(%dma_wait3A_95 : memref<6248xi32, #tpu.memory_space<hbm>>) dst(%dma_wait3A_94 : memref<6248xi32, #tpu.memory_space<vmem>>)
        tpu.yield
      }) : () -> ()
      %scan3A_64 = arith.constant 0 : i32
      %scan3A_65 = arith.constant 0 : i32
      %scan3A_66 = arith.constant 391 : i32
      %scan3A_67 = arith.addi %scan3A_65, %scan3A_66 : i32
      %scan3A_68 = arith.constant 1 : i32
      scf.for %scan3A_86 = %scan3A_65 to %scan3A_67 step %scan3A_68  : i32 {
        %mul3A_87 = arith.constant 16 : i32
        %mul3A_88 = arith.muli %scan3A_86, %mul3A_87 : i32
        %get3A = arith.index_cast %mul3A_88 : i32 to index
        %get3A_89 = tpu.vector_load %arg6[%get3A] {strides = array<i32>} : memref<6256xi32, #tpu.memory_space<vmem>>, vector<16xi32>,
        %get3A_90 = arith.index_cast %mul3A_88 : i32 to index
        %get3A_91 = tpu.vector_load %arg12[%get3A_90] {strides = array<i32>} : memref<6256xi32, #tpu.memory_space<vmem>>, vector<16xi32>,
        %get3A_92 = arith.index_cast %mul3A_88 : i32 to index
        %get3A_93 = tpu.vector_load %arg13[%get3A_92] {strides = array<i32>} : memref<6256xi32, #tpu.memory_space<vmem>>, vector<16xi32>,
        %mul3A_94 = arith.constant 128 : i32
        %mul3A_95 = vector.broadcast %mul3A_94 : i32 to vector<16xi32>
        %mul3A_96 = arith.muli %get3A_89, %mul3A_95 : vector<16xi32>
        %add3A_97 = arith.addi %mul3A_96, %get3A_93 : vector<16xi32>
        %and3A = arith.constant 16383 : i32
        %and3A_98 = vector.broadcast %and3A : i32 to vector<16xi32>
        %and3A_99 = arith.andi %add3A_97, %and3A_98 : vector<16xi32>
        %gather3A = tpu.vector_load_idx %arg5[%and3A_99] : memref<16384xi32, #tpu.memory_space<vmem>>[vector<16xi32>], vector<16xi32>,
        %shift_right_arithmetic3A = arith.constant 14 : i32
        %shift_right_arithmetic3A_100 = vector.broadcast %shift_right_arithmetic3A : i32 to vector<16xi32>
        %shift_right_arithmetic3A_101 = arith.shrsi %add3A_97, %shift_right_arithmetic3A_100 : vector<16xi32>
        %and3A_102 = arith.constant 7 : i32
        %and3A_103 = vector.broadcast %and3A_102 : i32 to vector<16xi32>
        %and3A_104 = arith.andi %shift_right_arithmetic3A_101, %and3A_103 : vector<16xi32>
        %shift_left3A = arith.constant 2 : i32
        %shift_left3A_105 = vector.broadcast %shift_left3A : i32 to vector<16xi32>
        %shift_left3A_106 = arith.shli %and3A_104, %shift_left3A_105 : vector<16xi32>
        %shift_right_arithmetic3A_107 = arith.shrsi %gather3A, %shift_left3A_106 : vector<16xi32>
        %and3A_108 = arith.constant 15 : i32
        %and3A_109 = vector.broadcast %and3A_108 : i32 to vector<16xi32>
        %and3A_110 = arith.andi %shift_right_arithmetic3A_107, %and3A_109 : vector<16xi32>
        %ne3A = arith.constant 0 : i32
        %ne3A_111 = vector.broadcast %ne3A : i32 to vector<16xi32>
        %ne3A_112 = arith.cmpi ne, %get3A_91, %ne3A_111 : vector<16xi32>
        %ne3A_113 = arith.constant 1 : i32
        %ne3A_114 = vector.broadcast %ne3A_113 : i32 to vector<16xi32>
        %ne3A_115 = arith.cmpi ne, %get3A_91, %ne3A_114 : vector<16xi32>
        %and3A_116 = arith.andi %ne3A_112, %ne3A_115 : vector<16xi1>
        %and3A_117 = arith.constant 3 : i32
        %and3A_118 = vector.broadcast %and3A_117 : i32 to vector<16xi32>
        %and3A_119 = arith.andi %and3A_110, %and3A_118 : vector<16xi32>
        %sub3A = arith.constant 1 : i32
        %sub3A_120 = vector.broadcast %sub3A : i32 to vector<16xi32>
        %sub3A_121 = arith.subi %and3A_119, %sub3A_120 : vector<16xi32>
        %jit3A = arith.constant 0 : i32
        %broadcast_in_dim3A = vector.broadcast %jit3A : i32 to vector<16xi32>
        %select_n3A = arith.select %and3A_116, %sub3A_121, %broadcast_in_dim3A : vector<16xi1>, vector<16xi32>
        %shift_right_arithmetic3A_122 = arith.constant 2 : i32
        %shift_right_arithmetic3A_123 = vector.broadcast %shift_right_arithmetic3A_122 : i32 to vector<16xi32>
        %shift_right_arithmetic3A_124 = arith.shrsi %and3A_110, %shift_right_arithmetic3A_123 : vector<16xi32>
        %sub3A_125 = arith.constant 1 : i32
        %sub3A_126 = vector.broadcast %sub3A_125 : i32 to vector<16xi32>
        %sub3A_127 = arith.subi %shift_right_arithmetic3A_124, %sub3A_126 : vector<16xi32>
        %jit3A_128 = arith.constant 0 : i32
        %broadcast_in_dim3A_129 = vector.broadcast %jit3A_128 : i32 to vector<16xi32>
        %select_n3A_130 = arith.select %and3A_116, %sub3A_127, %broadcast_in_dim3A_129 : vector<16xi1>, vector<16xi32>
        %get3A_131 = arith.index_cast %mul3A_88 : i32 to index
        %get3A_132 = tpu.vector_load %arg7[%get3A_131] {strides = array<i32>} : memref<6256xi32, #tpu.memory_space<vmem>>, vector<16xi32>,
        %add3A_133 = arith.addi %get3A_132, %select_n3A : vector<16xi32>
        %swap3A = arith.index_cast %mul3A_88 : i32 to index
        %swap3A_134 = tpu.vector_load %arg7[%swap3A] {strides = array<i32>} : memref<6256xi32, #tpu.memory_space<vmem>>, vector<16xi32>,
        tpu.vector_store %arg7[%swap3A], %add3A_133 {strides = array<i32>} : memref<6256xi32, #tpu.memory_space<vmem>>, vector<16xi32>,
        %get3A_135 = arith.index_cast %mul3A_88 : i32 to index
        %get3A_136 = tpu.vector_load %arg8[%get3A_135] {strides = array<i32>} : memref<6256xi32, #tpu.memory_space<vmem>>, vector<16xi32>,
        %add3A_137 = arith.addi %get3A_136, %select_n3A_130 : vector<16xi32>
        %swap3A_138 = arith.index_cast %mul3A_88 : i32 to index
        %swap3A_139 = tpu.vector_load %arg8[%swap3A_138] {strides = array<i32>} : memref<6256xi32, #tpu.memory_space<vmem>>, vector<16xi32>,
        tpu.vector_store %arg8[%swap3A_138], %add3A_137 {strides = array<i32>} : memref<6256xi32, #tpu.memory_space<vmem>>, vector<16xi32>,
      }
      %scan3A_69 = arith.constant 391 : i32
      %add3A_70 = arith.constant 0 : i32
      %add3A_71 = arith.addi %add3A_70, %add3A_47 : i32
      "tpu.region"() ({
        %run_scoped3A = tpu.sem_alloc : memref<!tpu.dma_semaphore, #tpu.memory_space<semaphore_mem>>
        %dma_start3A = arith.constant 0 : i32
        %dma_start3A_86 = tpu.memref_slice %arg6[%dma_start3A] : memref<6256xi32, #tpu.memory_space<vmem>> -> memref<6248xi32, #tpu.memory_space<vmem>>
        %dma_start3A_87 = tpu.memref_slice %arg4[%add3A_71] : memref<3200000xi32, #tpu.memory_space<hbm>> -> memref<6248xi32, #tpu.memory_space<hbm>>
        %dma_start3A_88 = tpu.memref_slice %arg4[%add3A_71] : memref<3200000xi32, #tpu.memory_space<hbm>> -> memref<6248xi32, #tpu.memory_space<hbm>>
        %dma_start3A_89 = arith.constant 0 : i32
        %dma_start3A_90 = tpu.memref_slice %arg6[%dma_start3A_89] : memref<6256xi32, #tpu.memory_space<vmem>> -> memref<6248xi32, #tpu.memory_space<vmem>>
        tpu.enqueue_dma source(%dma_start3A_90 : memref<6248xi32, #tpu.memory_space<vmem>>) target(%dma_start3A_88 : memref<6248xi32, #tpu.memory_space<hbm>>) target_semaphore(%run_scoped3A : memref<!tpu.dma_semaphore, #tpu.memory_space<semaphore_mem>>)
        %dma_wait3A = arith.constant 0 : i32
        %dma_wait3A_91 = tpu.memref_slice %arg6[%dma_wait3A] : memref<6256xi32, #tpu.memory_space<vmem>> -> memref<6248xi32, #tpu.memory_space<vmem>>
        %dma_wait3A_92 = tpu.memref_slice %arg4[%add3A_71] : memref<3200000xi32, #tpu.memory_space<hbm>> -> memref<6248xi32, #tpu.memory_space<hbm>>
        %dma_wait3A_93 = tpu.memref_slice %arg4[%add3A_71] : memref<3200000xi32, #tpu.memory_space<hbm>> -> memref<6248xi32, #tpu.memory_space<hbm>>
        %dma_wait3A_94 = arith.constant 0 : i32
        %dma_wait3A_95 = tpu.memref_slice %arg6[%dma_wait3A_94] : memref<6256xi32, #tpu.memory_space<vmem>> -> memref<6248xi32, #tpu.memory_space<vmem>>
        tpu.wait_dma2 semaphore(%run_scoped3A : memref<!tpu.dma_semaphore, #tpu.memory_space<semaphore_mem>>) src(%dma_wait3A_95 : memref<6248xi32, #tpu.memory_space<vmem>>) dst(%dma_wait3A_93 : memref<6248xi32, #tpu.memory_space<hbm>>)
        tpu.yield
      }) : () -> ()
      %add3A_72 = arith.constant 400000 : i32
      %add3A_73 = arith.addi %add3A_72, %add3A_47 : i32
      "tpu.region"() ({
        %run_scoped3A = tpu.sem_alloc : memref<!tpu.dma_semaphore, #tpu.memory_space<semaphore_mem>>
        %dma_start3A = arith.constant 0 : i32
        %dma_start3A_86 = tpu.memref_slice %arg7[%dma_start3A] : memref<6256xi32, #tpu.memory_space<vmem>> -> memref<6248xi32, #tpu.memory_space<vmem>>
        %dma_start3A_87 = tpu.memref_slice %arg4[%add3A_73] : memref<3200000xi32, #tpu.memory_space<hbm>> -> memref<6248xi32, #tpu.memory_space<hbm>>
        %dma_start3A_88 = tpu.memref_slice %arg4[%add3A_73] : memref<3200000xi32, #tpu.memory_space<hbm>> -> memref<6248xi32, #tpu.memory_space<hbm>>
        %dma_start3A_89 = arith.constant 0 : i32
        %dma_start3A_90 = tpu.memref_slice %arg7[%dma_start3A_89] : memref<6256xi32, #tpu.memory_space<vmem>> -> memref<6248xi32, #tpu.memory_space<vmem>>
        tpu.enqueue_dma source(%dma_start3A_90 : memref<6248xi32, #tpu.memory_space<vmem>>) target(%dma_start3A_88 : memref<6248xi32, #tpu.memory_space<hbm>>) target_semaphore(%run_scoped3A : memref<!tpu.dma_semaphore, #tpu.memory_space<semaphore_mem>>)
        %dma_wait3A = arith.constant 0 : i32
        %dma_wait3A_91 = tpu.memref_slice %arg7[%dma_wait3A] : memref<6256xi32, #tpu.memory_space<vmem>> -> memref<6248xi32, #tpu.memory_space<vmem>>
        %dma_wait3A_92 = tpu.memref_slice %arg4[%add3A_73] : memref<3200000xi32, #tpu.memory_space<hbm>> -> memref<6248xi32, #tpu.memory_space<hbm>>
        %dma_wait3A_93 = tpu.memref_slice %arg4[%add3A_73] : memref<3200000xi32, #tpu.memory_space<hbm>> -> memref<6248xi32, #tpu.memory_space<hbm>>
        %dma_wait3A_94 = arith.constant 0 : i32
        %dma_wait3A_95 = tpu.memref_slice %arg7[%dma_wait3A_94] : memref<6256xi32, #tpu.memory_space<vmem>> -> memref<6248xi32, #tpu.memory_space<vmem>>
        tpu.wait_dma2 semaphore(%run_scoped3A : memref<!tpu.dma_semaphore, #tpu.memory_space<semaphore_mem>>) src(%dma_wait3A_95 : memref<6248xi32, #tpu.memory_space<vmem>>) dst(%dma_wait3A_93 : memref<6248xi32, #tpu.memory_space<hbm>>)
        tpu.yield
      }) : () -> ()
      %add3A_74 = arith.constant 800000 : i32
      %add3A_75 = arith.addi %add3A_74, %add3A_47 : i32
      "tpu.region"() ({
        %run_scoped3A = tpu.sem_alloc : memref<!tpu.dma_semaphore, #tpu.memory_space<semaphore_mem>>
        %dma_start3A = arith.constant 0 : i32
        %dma_start3A_86 = tpu.memref_slice %arg8[%dma_start3A] : memref<6256xi32, #tpu.memory_space<vmem>> -> memref<6248xi32, #tpu.memory_space<vmem>>
        %dma_start3A_87 = tpu.memref_slice %arg4[%add3A_75] : memref<3200000xi32, #tpu.memory_space<hbm>> -> memref<6248xi32, #tpu.memory_space<hbm>>
        %dma_start3A_88 = tpu.memref_slice %arg4[%add3A_75] : memref<3200000xi32, #tpu.memory_space<hbm>> -> memref<6248xi32, #tpu.memory_space<hbm>>
        %dma_start3A_89 = arith.constant 0 : i32
        %dma_start3A_90 = tpu.memref_slice %arg8[%dma_start3A_89] : memref<6256xi32, #tpu.memory_space<vmem>> -> memref<6248xi32, #tpu.memory_space<vmem>>
        tpu.enqueue_dma source(%dma_start3A_90 : memref<6248xi32, #tpu.memory_space<vmem>>) target(%dma_start3A_88 : memref<6248xi32, #tpu.memory_space<hbm>>) target_semaphore(%run_scoped3A : memref<!tpu.dma_semaphore, #tpu.memory_space<semaphore_mem>>)
        %dma_wait3A = arith.constant 0 : i32
        %dma_wait3A_91 = tpu.memref_slice %arg8[%dma_wait3A] : memref<6256xi32, #tpu.memory_space<vmem>> -> memref<6248xi32, #tpu.memory_space<vmem>>
        %dma_wait3A_92 = tpu.memref_slice %arg4[%add3A_75] : memref<3200000xi32, #tpu.memory_space<hbm>> -> memref<6248xi32, #tpu.memory_space<hbm>>
        %dma_wait3A_93 = tpu.memref_slice %arg4[%add3A_75] : memref<3200000xi32, #tpu.memory_space<hbm>> -> memref<6248xi32, #tpu.memory_space<hbm>>
        %dma_wait3A_94 = arith.constant 0 : i32
        %dma_wait3A_95 = tpu.memref_slice %arg8[%dma_wait3A_94] : memref<6256xi32, #tpu.memory_space<vmem>> -> memref<6248xi32, #tpu.memory_space<vmem>>
        tpu.wait_dma2 semaphore(%run_scoped3A : memref<!tpu.dma_semaphore, #tpu.memory_space<semaphore_mem>>) src(%dma_wait3A_95 : memref<6248xi32, #tpu.memory_space<vmem>>) dst(%dma_wait3A_93 : memref<6248xi32, #tpu.memory_space<hbm>>)
        tpu.yield
      }) : () -> ()
      %add3A_76 = arith.constant 1200000 : i32
      %add3A_77 = arith.addi %add3A_76, %add3A_47 : i32
      "tpu.region"() ({
        %run_scoped3A = tpu.sem_alloc : memref<!tpu.dma_semaphore, #tpu.memory_space<semaphore_mem>>
        %dma_start3A = arith.constant 0 : i32
        %dma_start3A_86 = tpu.memref_slice %arg9[%dma_start3A] : memref<6256xi32, #tpu.memory_space<vmem>> -> memref<6248xi32, #tpu.memory_space<vmem>>
        %dma_start3A_87 = tpu.memref_slice %arg4[%add3A_77] : memref<3200000xi32, #tpu.memory_space<hbm>> -> memref<6248xi32, #tpu.memory_space<hbm>>
        %dma_start3A_88 = tpu.memref_slice %arg4[%add3A_77] : memref<3200000xi32, #tpu.memory_space<hbm>> -> memref<6248xi32, #tpu.memory_space<hbm>>
        %dma_start3A_89 = arith.constant 0 : i32
        %dma_start3A_90 = tpu.memref_slice %arg9[%dma_start3A_89] : memref<6256xi32, #tpu.memory_space<vmem>> -> memref<6248xi32, #tpu.memory_space<vmem>>
        tpu.enqueue_dma source(%dma_start3A_90 : memref<6248xi32, #tpu.memory_space<vmem>>) target(%dma_start3A_88 : memref<6248xi32, #tpu.memory_space<hbm>>) target_semaphore(%run_scoped3A : memref<!tpu.dma_semaphore, #tpu.memory_space<semaphore_mem>>)
        %dma_wait3A = arith.constant 0 : i32
        %dma_wait3A_91 = tpu.memref_slice %arg9[%dma_wait3A] : memref<6256xi32, #tpu.memory_space<vmem>> -> memref<6248xi32, #tpu.memory_space<vmem>>
        %dma_wait3A_92 = tpu.memref_slice %arg4[%add3A_77] : memref<3200000xi32, #tpu.memory_space<hbm>> -> memref<6248xi32, #tpu.memory_space<hbm>>
        %dma_wait3A_93 = tpu.memref_slice %arg4[%add3A_77] : memref<3200000xi32, #tpu.memory_space<hbm>> -> memref<6248xi32, #tpu.memory_space<hbm>>
        %dma_wait3A_94 = arith.constant 0 : i32
        %dma_wait3A_95 = tpu.memref_slice %arg9[%dma_wait3A_94] : memref<6256xi32, #tpu.memory_space<vmem>> -> memref<6248xi32, #tpu.memory_space<vmem>>
        tpu.wait_dma2 semaphore(%run_scoped3A : memref<!tpu.dma_semaphore, #tpu.memory_space<semaphore_mem>>) src(%dma_wait3A_95 : memref<6248xi32, #tpu.memory_space<vmem>>) dst(%dma_wait3A_93 : memref<6248xi32, #tpu.memory_space<hbm>>)
        tpu.yield
      }) : () -> ()
      %add3A_78 = arith.constant 1600000 : i32
      %add3A_79 = arith.addi %add3A_78, %add3A_47 : i32
      "tpu.region"() ({
        %run_scoped3A = tpu.sem_alloc : memref<!tpu.dma_semaphore, #tpu.memory_space<semaphore_mem>>
        %dma_start3A = arith.constant 0 : i32
        %dma_start3A_86 = tpu.memref_slice %arg10[%dma_start3A] : memref<6256xi32, #tpu.memory_space<vmem>> -> memref<6248xi32, #tpu.memory_space<vmem>>
        %dma_start3A_87 = tpu.memref_slice %arg4[%add3A_79] : memref<3200000xi32, #tpu.memory_space<hbm>> -> memref<6248xi32, #tpu.memory_space<hbm>>
        %dma_start3A_88 = tpu.memref_slice %arg4[%add3A_79] : memref<3200000xi32, #tpu.memory_space<hbm>> -> memref<6248xi32, #tpu.memory_space<hbm>>
        %dma_start3A_89 = arith.constant 0 : i32
        %dma_start3A_90 = tpu.memref_slice %arg10[%dma_start3A_89] : memref<6256xi32, #tpu.memory_space<vmem>> -> memref<6248xi32, #tpu.memory_space<vmem>>
        tpu.enqueue_dma source(%dma_start3A_90 : memref<6248xi32, #tpu.memory_space<vmem>>) target(%dma_start3A_88 : memref<6248xi32, #tpu.memory_space<hbm>>) target_semaphore(%run_scoped3A : memref<!tpu.dma_semaphore, #tpu.memory_space<semaphore_mem>>)
        %dma_wait3A = arith.constant 0 : i32
        %dma_wait3A_91 = tpu.memref_slice %arg10[%dma_wait3A] : memref<6256xi32, #tpu.memory_space<vmem>> -> memref<6248xi32, #tpu.memory_space<vmem>>
        %dma_wait3A_92 = tpu.memref_slice %arg4[%add3A_79] : memref<3200000xi32, #tpu.memory_space<hbm>> -> memref<6248xi32, #tpu.memory_space<hbm>>
        %dma_wait3A_93 = tpu.memref_slice %arg4[%add3A_79] : memref<3200000xi32, #tpu.memory_space<hbm>> -> memref<6248xi32, #tpu.memory_space<hbm>>
        %dma_wait3A_94 = arith.constant 0 : i32
        %dma_wait3A_95 = tpu.memref_slice %arg10[%dma_wait3A_94] : memref<6256xi32, #tpu.memory_space<vmem>> -> memref<6248xi32, #tpu.memory_space<vmem>>
        tpu.wait_dma2 semaphore(%run_scoped3A : memref<!tpu.dma_semaphore, #tpu.memory_space<semaphore_mem>>) src(%dma_wait3A_95 : memref<6248xi32, #tpu.memory_space<vmem>>) dst(%dma_wait3A_93 : memref<6248xi32, #tpu.memory_space<hbm>>)
        tpu.yield
      }) : () -> ()
      %add3A_80 = arith.constant 2000000 : i32
      %add3A_81 = arith.addi %add3A_80, %add3A_47 : i32
      "tpu.region"() ({
        %run_scoped3A = tpu.sem_alloc : memref<!tpu.dma_semaphore, #tpu.memory_space<semaphore_mem>>
        %dma_start3A = arith.constant 0 : i32
        %dma_start3A_86 = tpu.memref_slice %arg11[%dma_start3A] : memref<6256xi32, #tpu.memory_space<vmem>> -> memref<6248xi32, #tpu.memory_space<vmem>>
        %dma_start3A_87 = tpu.memref_slice %arg4[%add3A_81] : memref<3200000xi32, #tpu.memory_space<hbm>> -> memref<6248xi32, #tpu.memory_space<hbm>>
        %dma_start3A_88 = tpu.memref_slice %arg4[%add3A_81] : memref<3200000xi32, #tpu.memory_space<hbm>> -> memref<6248xi32, #tpu.memory_space<hbm>>
        %dma_start3A_89 = arith.constant 0 : i32
        %dma_start3A_90 = tpu.memref_slice %arg11[%dma_start3A_89] : memref<6256xi32, #tpu.memory_space<vmem>> -> memref<6248xi32, #tpu.memory_space<vmem>>
        tpu.enqueue_dma source(%dma_start3A_90 : memref<6248xi32, #tpu.memory_space<vmem>>) target(%dma_start3A_88 : memref<6248xi32, #tpu.memory_space<hbm>>) target_semaphore(%run_scoped3A : memref<!tpu.dma_semaphore, #tpu.memory_space<semaphore_mem>>)
        %dma_wait3A = arith.constant 0 : i32
        %dma_wait3A_91 = tpu.memref_slice %arg11[%dma_wait3A] : memref<6256xi32, #tpu.memory_space<vmem>> -> memref<6248xi32, #tpu.memory_space<vmem>>
        %dma_wait3A_92 = tpu.memref_slice %arg4[%add3A_81] : memref<3200000xi32, #tpu.memory_space<hbm>> -> memref<6248xi32, #tpu.memory_space<hbm>>
        %dma_wait3A_93 = tpu.memref_slice %arg4[%add3A_81] : memref<3200000xi32, #tpu.memory_space<hbm>> -> memref<6248xi32, #tpu.memory_space<hbm>>
        %dma_wait3A_94 = arith.constant 0 : i32
        %dma_wait3A_95 = tpu.memref_slice %arg11[%dma_wait3A_94] : memref<6256xi32, #tpu.memory_space<vmem>> -> memref<6248xi32, #tpu.memory_space<vmem>>
        tpu.wait_dma2 semaphore(%run_scoped3A : memref<!tpu.dma_semaphore, #tpu.memory_space<semaphore_mem>>) src(%dma_wait3A_95 : memref<6248xi32, #tpu.memory_space<vmem>>) dst(%dma_wait3A_93 : memref<6248xi32, #tpu.memory_space<hbm>>)
        tpu.yield
      }) : () -> ()
      %add3A_82 = arith.constant 2400000 : i32
      %add3A_83 = arith.addi %add3A_82, %add3A_47 : i32
      "tpu.region"() ({
        %run_scoped3A = tpu.sem_alloc : memref<!tpu.dma_semaphore, #tpu.memory_space<semaphore_mem>>
        %dma_start3A = arith.constant 0 : i32
        %dma_start3A_86 = tpu.memref_slice %arg12[%dma_start3A] : memref<6256xi32, #tpu.memory_space<vmem>> -> memref<6248xi32, #tpu.memory_space<vmem>>
        %dma_start3A_87 = tpu.memref_slice %arg4[%add3A_83] : memref<3200000xi32, #tpu.memory_space<hbm>> -> memref<6248xi32, #tpu.memory_space<hbm>>
        %dma_start3A_88 = tpu.memref_slice %arg4[%add3A_83] : memref<3200000xi32, #tpu.memory_space<hbm>> -> memref<6248xi32, #tpu.memory_space<hbm>>
        %dma_start3A_89 = arith.constant 0 : i32
        %dma_start3A_90 = tpu.memref_slice %arg12[%dma_start3A_89] : memref<6256xi32, #tpu.memory_space<vmem>> -> memref<6248xi32, #tpu.memory_space<vmem>>
        tpu.enqueue_dma source(%dma_start3A_90 : memref<6248xi32, #tpu.memory_space<vmem>>) target(%dma_start3A_88 : memref<6248xi32, #tpu.memory_space<hbm>>) target_semaphore(%run_scoped3A : memref<!tpu.dma_semaphore, #tpu.memory_space<semaphore_mem>>)
        %dma_wait3A = arith.constant 0 : i32
        %dma_wait3A_91 = tpu.memref_slice %arg12[%dma_wait3A] : memref<6256xi32, #tpu.memory_space<vmem>> -> memref<6248xi32, #tpu.memory_space<vmem>>
        %dma_wait3A_92 = tpu.memref_slice %arg4[%add3A_83] : memref<3200000xi32, #tpu.memory_space<hbm>> -> memref<6248xi32, #tpu.memory_space<hbm>>
        %dma_wait3A_93 = tpu.memref_slice %arg4[%add3A_83] : memref<3200000xi32, #tpu.memory_space<hbm>> -> memref<6248xi32, #tpu.memory_space<hbm>>
        %dma_wait3A_94 = arith.constant 0 : i32
        %dma_wait3A_95 = tpu.memref_slice %arg12[%dma_wait3A_94] : memref<6256xi32, #tpu.memory_space<vmem>> -> memref<6248xi32, #tpu.memory_space<vmem>>
        tpu.wait_dma2 semaphore(%run_scoped3A : memref<!tpu.dma_semaphore, #tpu.memory_space<semaphore_mem>>) src(%dma_wait3A_95 : memref<6248xi32, #tpu.memory_space<vmem>>) dst(%dma_wait3A_93 : memref<6248xi32, #tpu.memory_space<hbm>>)
        tpu.yield
      }) : () -> ()
      %add3A_84 = arith.constant 2800000 : i32
      %add3A_85 = arith.addi %add3A_84, %add3A_47 : i32
      "tpu.region"() ({
        %run_scoped3A = tpu.sem_alloc : memref<!tpu.dma_semaphore, #tpu.memory_space<semaphore_mem>>
        %dma_start3A = arith.constant 0 : i32
        %dma_start3A_86 = tpu.memref_slice %arg13[%dma_start3A] : memref<6256xi32, #tpu.memory_space<vmem>> -> memref<6248xi32, #tpu.memory_space<vmem>>
        %dma_start3A_87 = tpu.memref_slice %arg4[%add3A_85] : memref<3200000xi32, #tpu.memory_space<hbm>> -> memref<6248xi32, #tpu.memory_space<hbm>>
        %dma_start3A_88 = tpu.memref_slice %arg4[%add3A_85] : memref<3200000xi32, #tpu.memory_space<hbm>> -> memref<6248xi32, #tpu.memory_space<hbm>>
        %dma_start3A_89 = arith.constant 0 : i32
        %dma_start3A_90 = tpu.memref_slice %arg13[%dma_start3A_89] : memref<6256xi32, #tpu.memory_space<vmem>> -> memref<6248xi32, #tpu.memory_space<vmem>>
        tpu.enqueue_dma source(%dma_start3A_90 : memref<6248xi32, #tpu.memory_space<vmem>>) target(%dma_start3A_88 : memref<6248xi32, #tpu.memory_space<hbm>>) target_semaphore(%run_scoped3A : memref<!tpu.dma_semaphore, #tpu.memory_space<semaphore_mem>>)
        %dma_wait3A = arith.constant 0 : i32
        %dma_wait3A_91 = tpu.memref_slice %arg13[%dma_wait3A] : memref<6256xi32, #tpu.memory_space<vmem>> -> memref<6248xi32, #tpu.memory_space<vmem>>
        %dma_wait3A_92 = tpu.memref_slice %arg4[%add3A_85] : memref<3200000xi32, #tpu.memory_space<hbm>> -> memref<6248xi32, #tpu.memory_space<hbm>>
        %dma_wait3A_93 = tpu.memref_slice %arg4[%add3A_85] : memref<3200000xi32, #tpu.memory_space<hbm>> -> memref<6248xi32, #tpu.memory_space<hbm>>
        %dma_wait3A_94 = arith.constant 0 : i32
        %dma_wait3A_95 = tpu.memref_slice %arg13[%dma_wait3A_94] : memref<6256xi32, #tpu.memory_space<vmem>> -> memref<6248xi32, #tpu.memory_space<vmem>>
        tpu.wait_dma2 semaphore(%run_scoped3A : memref<!tpu.dma_semaphore, #tpu.memory_space<semaphore_mem>>) src(%dma_wait3A_95 : memref<6248xi32, #tpu.memory_space<vmem>>) dst(%dma_wait3A_93 : memref<6248xi32, #tpu.memory_space<hbm>>)
        tpu.yield
      }) : () -> ()
    } else {
    }
    %ge3A = arith.constant 16 : i32
    %ge3A_3 = arith.cmpi sge, %add3A, %ge3A : i32
    %convert_element_type3A_4 = arith.extui %ge3A_3 : i1 to i32
    %cond3A_5 = arith.constant 0 : i32
    %cond3A_6 = arith.cmpi ne, %convert_element_type3A_4, %cond3A_5 : i32
    scf.if %cond3A_6 {
      %sub3A = arith.constant 16 : i32
      %sub3A_7 = arith.subi %add3A, %sub3A : i32
      %mul3A_8 = arith.constant 12504 : i32
      %mul3A_9 = arith.muli %sub3A_7, %mul3A_8 : i32
      %add3A_10 = arith.constant 199936 : i32
      %add3A_11 = arith.addi %add3A_10, %mul3A_9 : i32
      %add3A_12 = arith.constant 0 : i32
      %add3A_13 = arith.addi %add3A_12, %add3A_11 : i32
      "tpu.region"() ({
        %run_scoped3A = tpu.sem_alloc : memref<!tpu.dma_semaphore, #tpu.memory_space<semaphore_mem>>
        %dma_start3A = arith.constant 0 : i32
        %dma_start3A_89 = tpu.memref_slice %arg6[%dma_start3A] : memref<6256xi32, #tpu.memory_space<vmem>> -> memref<6248xi32, #tpu.memory_space<vmem>>
        %dma_start3A_90 = tpu.memref_slice %arg2[%add3A_13] : memref<3200000xi32, #tpu.memory_space<hbm>> -> memref<6248xi32, #tpu.memory_space<hbm>>
        %dma_start3A_91 = arith.constant 0 : i32
        %dma_start3A_92 = tpu.memref_slice %arg6[%dma_start3A_91] : memref<6256xi32, #tpu.memory_space<vmem>> -> memref<6248xi32, #tpu.memory_space<vmem>>
        %dma_start3A_93 = tpu.memref_slice %arg2[%add3A_13] : memref<3200000xi32, #tpu.memory_space<hbm>> -> memref<6248xi32, #tpu.memory_space<hbm>>
        tpu.enqueue_dma source(%dma_start3A_93 : memref<6248xi32, #tpu.memory_space<hbm>>) target(%dma_start3A_92 : memref<6248xi32, #tpu.memory_space<vmem>>) target_semaphore(%run_scoped3A : memref<!tpu.dma_semaphore, #tpu.memory_space<semaphore_mem>>)
        %dma_wait3A = arith.constant 0 : i32
        %dma_wait3A_94 = tpu.memref_slice %arg6[%dma_wait3A] : memref<6256xi32, #tpu.memory_space<vmem>> -> memref<6248xi32, #tpu.memory_space<vmem>>
        %dma_wait3A_95 = tpu.memref_slice %arg2[%add3A_13] : memref<3200000xi32, #tpu.memory_space<hbm>> -> memref<6248xi32, #tpu.memory_space<hbm>>
        %dma_wait3A_96 = arith.constant 0 : i32
        %dma_wait3A_97 = tpu.memref_slice %arg6[%dma_wait3A_96] : memref<6256xi32, #tpu.memory_space<vmem>> -> memref<6248xi32, #tpu.memory_space<vmem>>
        %dma_wait3A_98 = tpu.memref_slice %arg2[%add3A_13] : memref<3200000xi32, #tpu.memory_space<hbm>> -> memref<6248xi32, #tpu.memory_space<hbm>>
        tpu.wait_dma2 semaphore(%run_scoped3A : memref<!tpu.dma_semaphore, #tpu.memory_space<semaphore_mem>>) src(%dma_wait3A_98 : memref<6248xi32, #tpu.memory_space<hbm>>) dst(%dma_wait3A_97 : memref<6248xi32, #tpu.memory_space<vmem>>)
        tpu.yield
      }) : () -> ()
      %add3A_14 = arith.constant 400000 : i32
      %add3A_15 = arith.addi %add3A_14, %add3A_11 : i32
      "tpu.region"() ({
        %run_scoped3A = tpu.sem_alloc : memref<!tpu.dma_semaphore, #tpu.memory_space<semaphore_mem>>
        %dma_start3A = arith.constant 0 : i32
        %dma_start3A_89 = tpu.memref_slice %arg7[%dma_start3A] : memref<6256xi32, #tpu.memory_space<vmem>> -> memref<6248xi32, #tpu.memory_space<vmem>>
        %dma_start3A_90 = tpu.memref_slice %arg2[%add3A_15] : memref<3200000xi32, #tpu.memory_space<hbm>> -> memref<6248xi32, #tpu.memory_space<hbm>>
        %dma_start3A_91 = arith.constant 0 : i32
        %dma_start3A_92 = tpu.memref_slice %arg7[%dma_start3A_91] : memref<6256xi32, #tpu.memory_space<vmem>> -> memref<6248xi32, #tpu.memory_space<vmem>>
        %dma_start3A_93 = tpu.memref_slice %arg2[%add3A_15] : memref<3200000xi32, #tpu.memory_space<hbm>> -> memref<6248xi32, #tpu.memory_space<hbm>>
        tpu.enqueue_dma source(%dma_start3A_93 : memref<6248xi32, #tpu.memory_space<hbm>>) target(%dma_start3A_92 : memref<6248xi32, #tpu.memory_space<vmem>>) target_semaphore(%run_scoped3A : memref<!tpu.dma_semaphore, #tpu.memory_space<semaphore_mem>>)
        %dma_wait3A = arith.constant 0 : i32
        %dma_wait3A_94 = tpu.memref_slice %arg7[%dma_wait3A] : memref<6256xi32, #tpu.memory_space<vmem>> -> memref<6248xi32, #tpu.memory_space<vmem>>
        %dma_wait3A_95 = tpu.memref_slice %arg2[%add3A_15] : memref<3200000xi32, #tpu.memory_space<hbm>> -> memref<6248xi32, #tpu.memory_space<hbm>>
        %dma_wait3A_96 = arith.constant 0 : i32
        %dma_wait3A_97 = tpu.memref_slice %arg7[%dma_wait3A_96] : memref<6256xi32, #tpu.memory_space<vmem>> -> memref<6248xi32, #tpu.memory_space<vmem>>
        %dma_wait3A_98 = tpu.memref_slice %arg2[%add3A_15] : memref<3200000xi32, #tpu.memory_space<hbm>> -> memref<6248xi32, #tpu.memory_space<hbm>>
        tpu.wait_dma2 semaphore(%run_scoped3A : memref<!tpu.dma_semaphore, #tpu.memory_space<semaphore_mem>>) src(%dma_wait3A_98 : memref<6248xi32, #tpu.memory_space<hbm>>) dst(%dma_wait3A_97 : memref<6248xi32, #tpu.memory_space<vmem>>)
        tpu.yield
      }) : () -> ()
      %add3A_16 = arith.constant 800000 : i32
      %add3A_17 = arith.addi %add3A_16, %add3A_11 : i32
      "tpu.region"() ({
        %run_scoped3A = tpu.sem_alloc : memref<!tpu.dma_semaphore, #tpu.memory_space<semaphore_mem>>
        %dma_start3A = arith.constant 0 : i32
        %dma_start3A_89 = tpu.memref_slice %arg8[%dma_start3A] : memref<6256xi32, #tpu.memory_space<vmem>> -> memref<6248xi32, #tpu.memory_space<vmem>>
        %dma_start3A_90 = tpu.memref_slice %arg2[%add3A_17] : memref<3200000xi32, #tpu.memory_space<hbm>> -> memref<6248xi32, #tpu.memory_space<hbm>>
        %dma_start3A_91 = arith.constant 0 : i32
        %dma_start3A_92 = tpu.memref_slice %arg8[%dma_start3A_91] : memref<6256xi32, #tpu.memory_space<vmem>> -> memref<6248xi32, #tpu.memory_space<vmem>>
        %dma_start3A_93 = tpu.memref_slice %arg2[%add3A_17] : memref<3200000xi32, #tpu.memory_space<hbm>> -> memref<6248xi32, #tpu.memory_space<hbm>>
        tpu.enqueue_dma source(%dma_start3A_93 : memref<6248xi32, #tpu.memory_space<hbm>>) target(%dma_start3A_92 : memref<6248xi32, #tpu.memory_space<vmem>>) target_semaphore(%run_scoped3A : memref<!tpu.dma_semaphore, #tpu.memory_space<semaphore_mem>>)
        %dma_wait3A = arith.constant 0 : i32
        %dma_wait3A_94 = tpu.memref_slice %arg8[%dma_wait3A] : memref<6256xi32, #tpu.memory_space<vmem>> -> memref<6248xi32, #tpu.memory_space<vmem>>
        %dma_wait3A_95 = tpu.memref_slice %arg2[%add3A_17] : memref<3200000xi32, #tpu.memory_space<hbm>> -> memref<6248xi32, #tpu.memory_space<hbm>>
        %dma_wait3A_96 = arith.constant 0 : i32
        %dma_wait3A_97 = tpu.memref_slice %arg8[%dma_wait3A_96] : memref<6256xi32, #tpu.memory_space<vmem>> -> memref<6248xi32, #tpu.memory_space<vmem>>
        %dma_wait3A_98 = tpu.memref_slice %arg2[%add3A_17] : memref<3200000xi32, #tpu.memory_space<hbm>> -> memref<6248xi32, #tpu.memory_space<hbm>>
        tpu.wait_dma2 semaphore(%run_scoped3A : memref<!tpu.dma_semaphore, #tpu.memory_space<semaphore_mem>>) src(%dma_wait3A_98 : memref<6248xi32, #tpu.memory_space<hbm>>) dst(%dma_wait3A_97 : memref<6248xi32, #tpu.memory_space<vmem>>)
        tpu.yield
      }) : () -> ()
      %add3A_18 = arith.constant 1200000 : i32
      %add3A_19 = arith.addi %add3A_18, %add3A_11 : i32
      "tpu.region"() ({
        %run_scoped3A = tpu.sem_alloc : memref<!tpu.dma_semaphore, #tpu.memory_space<semaphore_mem>>
        %dma_start3A = arith.constant 0 : i32
        %dma_start3A_89 = tpu.memref_slice %arg9[%dma_start3A] : memref<6256xi32, #tpu.memory_space<vmem>> -> memref<6248xi32, #tpu.memory_space<vmem>>
        %dma_start3A_90 = tpu.memref_slice %arg2[%add3A_19] : memref<3200000xi32, #tpu.memory_space<hbm>> -> memref<6248xi32, #tpu.memory_space<hbm>>
        %dma_start3A_91 = arith.constant 0 : i32
        %dma_start3A_92 = tpu.memref_slice %arg9[%dma_start3A_91] : memref<6256xi32, #tpu.memory_space<vmem>> -> memref<6248xi32, #tpu.memory_space<vmem>>
        %dma_start3A_93 = tpu.memref_slice %arg2[%add3A_19] : memref<3200000xi32, #tpu.memory_space<hbm>> -> memref<6248xi32, #tpu.memory_space<hbm>>
        tpu.enqueue_dma source(%dma_start3A_93 : memref<6248xi32, #tpu.memory_space<hbm>>) target(%dma_start3A_92 : memref<6248xi32, #tpu.memory_space<vmem>>) target_semaphore(%run_scoped3A : memref<!tpu.dma_semaphore, #tpu.memory_space<semaphore_mem>>)
        %dma_wait3A = arith.constant 0 : i32
        %dma_wait3A_94 = tpu.memref_slice %arg9[%dma_wait3A] : memref<6256xi32, #tpu.memory_space<vmem>> -> memref<6248xi32, #tpu.memory_space<vmem>>
        %dma_wait3A_95 = tpu.memref_slice %arg2[%add3A_19] : memref<3200000xi32, #tpu.memory_space<hbm>> -> memref<6248xi32, #tpu.memory_space<hbm>>
        %dma_wait3A_96 = arith.constant 0 : i32
        %dma_wait3A_97 = tpu.memref_slice %arg9[%dma_wait3A_96] : memref<6256xi32, #tpu.memory_space<vmem>> -> memref<6248xi32, #tpu.memory_space<vmem>>
        %dma_wait3A_98 = tpu.memref_slice %arg2[%add3A_19] : memref<3200000xi32, #tpu.memory_space<hbm>> -> memref<6248xi32, #tpu.memory_space<hbm>>
        tpu.wait_dma2 semaphore(%run_scoped3A : memref<!tpu.dma_semaphore, #tpu.memory_space<semaphore_mem>>) src(%dma_wait3A_98 : memref<6248xi32, #tpu.memory_space<hbm>>) dst(%dma_wait3A_97 : memref<6248xi32, #tpu.memory_space<vmem>>)
        tpu.yield
      }) : () -> ()
      %add3A_20 = arith.constant 1600000 : i32
      %add3A_21 = arith.addi %add3A_20, %add3A_11 : i32
      "tpu.region"() ({
        %run_scoped3A = tpu.sem_alloc : memref<!tpu.dma_semaphore, #tpu.memory_space<semaphore_mem>>
        %dma_start3A = arith.constant 0 : i32
        %dma_start3A_89 = tpu.memref_slice %arg10[%dma_start3A] : memref<6256xi32, #tpu.memory_space<vmem>> -> memref<6248xi32, #tpu.memory_space<vmem>>
        %dma_start3A_90 = tpu.memref_slice %arg2[%add3A_21] : memref<3200000xi32, #tpu.memory_space<hbm>> -> memref<6248xi32, #tpu.memory_space<hbm>>
        %dma_start3A_91 = arith.constant 0 : i32
        %dma_start3A_92 = tpu.memref_slice %arg10[%dma_start3A_91] : memref<6256xi32, #tpu.memory_space<vmem>> -> memref<6248xi32, #tpu.memory_space<vmem>>
        %dma_start3A_93 = tpu.memref_slice %arg2[%add3A_21] : memref<3200000xi32, #tpu.memory_space<hbm>> -> memref<6248xi32, #tpu.memory_space<hbm>>
        tpu.enqueue_dma source(%dma_start3A_93 : memref<6248xi32, #tpu.memory_space<hbm>>) target(%dma_start3A_92 : memref<6248xi32, #tpu.memory_space<vmem>>) target_semaphore(%run_scoped3A : memref<!tpu.dma_semaphore, #tpu.memory_space<semaphore_mem>>)
        %dma_wait3A = arith.constant 0 : i32
        %dma_wait3A_94 = tpu.memref_slice %arg10[%dma_wait3A] : memref<6256xi32, #tpu.memory_space<vmem>> -> memref<6248xi32, #tpu.memory_space<vmem>>
        %dma_wait3A_95 = tpu.memref_slice %arg2[%add3A_21] : memref<3200000xi32, #tpu.memory_space<hbm>> -> memref<6248xi32, #tpu.memory_space<hbm>>
        %dma_wait3A_96 = arith.constant 0 : i32
        %dma_wait3A_97 = tpu.memref_slice %arg10[%dma_wait3A_96] : memref<6256xi32, #tpu.memory_space<vmem>> -> memref<6248xi32, #tpu.memory_space<vmem>>
        %dma_wait3A_98 = tpu.memref_slice %arg2[%add3A_21] : memref<3200000xi32, #tpu.memory_space<hbm>> -> memref<6248xi32, #tpu.memory_space<hbm>>
        tpu.wait_dma2 semaphore(%run_scoped3A : memref<!tpu.dma_semaphore, #tpu.memory_space<semaphore_mem>>) src(%dma_wait3A_98 : memref<6248xi32, #tpu.memory_space<hbm>>) dst(%dma_wait3A_97 : memref<6248xi32, #tpu.memory_space<vmem>>)
        tpu.yield
      }) : () -> ()
      %add3A_22 = arith.constant 2000000 : i32
      %add3A_23 = arith.addi %add3A_22, %add3A_11 : i32
      "tpu.region"() ({
        %run_scoped3A = tpu.sem_alloc : memref<!tpu.dma_semaphore, #tpu.memory_space<semaphore_mem>>
        %dma_start3A = arith.constant 0 : i32
        %dma_start3A_89 = tpu.memref_slice %arg11[%dma_start3A] : memref<6256xi32, #tpu.memory_space<vmem>> -> memref<6248xi32, #tpu.memory_space<vmem>>
        %dma_start3A_90 = tpu.memref_slice %arg2[%add3A_23] : memref<3200000xi32, #tpu.memory_space<hbm>> -> memref<6248xi32, #tpu.memory_space<hbm>>
        %dma_start3A_91 = arith.constant 0 : i32
        %dma_start3A_92 = tpu.memref_slice %arg11[%dma_start3A_91] : memref<6256xi32, #tpu.memory_space<vmem>> -> memref<6248xi32, #tpu.memory_space<vmem>>
        %dma_start3A_93 = tpu.memref_slice %arg2[%add3A_23] : memref<3200000xi32, #tpu.memory_space<hbm>> -> memref<6248xi32, #tpu.memory_space<hbm>>
        tpu.enqueue_dma source(%dma_start3A_93 : memref<6248xi32, #tpu.memory_space<hbm>>) target(%dma_start3A_92 : memref<6248xi32, #tpu.memory_space<vmem>>) target_semaphore(%run_scoped3A : memref<!tpu.dma_semaphore, #tpu.memory_space<semaphore_mem>>)
        %dma_wait3A = arith.constant 0 : i32
        %dma_wait3A_94 = tpu.memref_slice %arg11[%dma_wait3A] : memref<6256xi32, #tpu.memory_space<vmem>> -> memref<6248xi32, #tpu.memory_space<vmem>>
        %dma_wait3A_95 = tpu.memref_slice %arg2[%add3A_23] : memref<3200000xi32, #tpu.memory_space<hbm>> -> memref<6248xi32, #tpu.memory_space<hbm>>
        %dma_wait3A_96 = arith.constant 0 : i32
        %dma_wait3A_97 = tpu.memref_slice %arg11[%dma_wait3A_96] : memref<6256xi32, #tpu.memory_space<vmem>> -> memref<6248xi32, #tpu.memory_space<vmem>>
        %dma_wait3A_98 = tpu.memref_slice %arg2[%add3A_23] : memref<3200000xi32, #tpu.memory_space<hbm>> -> memref<6248xi32, #tpu.memory_space<hbm>>
        tpu.wait_dma2 semaphore(%run_scoped3A : memref<!tpu.dma_semaphore, #tpu.memory_space<semaphore_mem>>) src(%dma_wait3A_98 : memref<6248xi32, #tpu.memory_space<hbm>>) dst(%dma_wait3A_97 : memref<6248xi32, #tpu.memory_space<vmem>>)
        tpu.yield
      }) : () -> ()
      %add3A_24 = arith.constant 2400000 : i32
      %add3A_25 = arith.addi %add3A_24, %add3A_11 : i32
      "tpu.region"() ({
        %run_scoped3A = tpu.sem_alloc : memref<!tpu.dma_semaphore, #tpu.memory_space<semaphore_mem>>
        %dma_start3A = arith.constant 0 : i32
        %dma_start3A_89 = tpu.memref_slice %arg12[%dma_start3A] : memref<6256xi32, #tpu.memory_space<vmem>> -> memref<6248xi32, #tpu.memory_space<vmem>>
        %dma_start3A_90 = tpu.memref_slice %arg2[%add3A_25] : memref<3200000xi32, #tpu.memory_space<hbm>> -> memref<6248xi32, #tpu.memory_space<hbm>>
        %dma_start3A_91 = arith.constant 0 : i32
        %dma_start3A_92 = tpu.memref_slice %arg12[%dma_start3A_91] : memref<6256xi32, #tpu.memory_space<vmem>> -> memref<6248xi32, #tpu.memory_space<vmem>>
        %dma_start3A_93 = tpu.memref_slice %arg2[%add3A_25] : memref<3200000xi32, #tpu.memory_space<hbm>> -> memref<6248xi32, #tpu.memory_space<hbm>>
        tpu.enqueue_dma source(%dma_start3A_93 : memref<6248xi32, #tpu.memory_space<hbm>>) target(%dma_start3A_92 : memref<6248xi32, #tpu.memory_space<vmem>>) target_semaphore(%run_scoped3A : memref<!tpu.dma_semaphore, #tpu.memory_space<semaphore_mem>>)
        %dma_wait3A = arith.constant 0 : i32
        %dma_wait3A_94 = tpu.memref_slice %arg12[%dma_wait3A] : memref<6256xi32, #tpu.memory_space<vmem>> -> memref<6248xi32, #tpu.memory_space<vmem>>
        %dma_wait3A_95 = tpu.memref_slice %arg2[%add3A_25] : memref<3200000xi32, #tpu.memory_space<hbm>> -> memref<6248xi32, #tpu.memory_space<hbm>>
        %dma_wait3A_96 = arith.constant 0 : i32
        %dma_wait3A_97 = tpu.memref_slice %arg12[%dma_wait3A_96] : memref<6256xi32, #tpu.memory_space<vmem>> -> memref<6248xi32, #tpu.memory_space<vmem>>
        %dma_wait3A_98 = tpu.memref_slice %arg2[%add3A_25] : memref<3200000xi32, #tpu.memory_space<hbm>> -> memref<6248xi32, #tpu.memory_space<hbm>>
        tpu.wait_dma2 semaphore(%run_scoped3A : memref<!tpu.dma_semaphore, #tpu.memory_space<semaphore_mem>>) src(%dma_wait3A_98 : memref<6248xi32, #tpu.memory_space<hbm>>) dst(%dma_wait3A_97 : memref<6248xi32, #tpu.memory_space<vmem>>)
        tpu.yield
      }) : () -> ()
      %add3A_26 = arith.constant 2800000 : i32
      %add3A_27 = arith.addi %add3A_26, %add3A_11 : i32
      "tpu.region"() ({
        %run_scoped3A = tpu.sem_alloc : memref<!tpu.dma_semaphore, #tpu.memory_space<semaphore_mem>>
        %dma_start3A = arith.constant 0 : i32
        %dma_start3A_89 = tpu.memref_slice %arg13[%dma_start3A] : memref<6256xi32, #tpu.memory_space<vmem>> -> memref<6248xi32, #tpu.memory_space<vmem>>
        %dma_start3A_90 = tpu.memref_slice %arg2[%add3A_27] : memref<3200000xi32, #tpu.memory_space<hbm>> -> memref<6248xi32, #tpu.memory_space<hbm>>
        %dma_start3A_91 = arith.constant 0 : i32
        %dma_start3A_92 = tpu.memref_slice %arg13[%dma_start3A_91] : memref<6256xi32, #tpu.memory_space<vmem>> -> memref<6248xi32, #tpu.memory_space<vmem>>
        %dma_start3A_93 = tpu.memref_slice %arg2[%add3A_27] : memref<3200000xi32, #tpu.memory_space<hbm>> -> memref<6248xi32, #tpu.memory_space<hbm>>
        tpu.enqueue_dma source(%dma_start3A_93 : memref<6248xi32, #tpu.memory_space<hbm>>) target(%dma_start3A_92 : memref<6248xi32, #tpu.memory_space<vmem>>) target_semaphore(%run_scoped3A : memref<!tpu.dma_semaphore, #tpu.memory_space<semaphore_mem>>)
        %dma_wait3A = arith.constant 0 : i32
        %dma_wait3A_94 = tpu.memref_slice %arg13[%dma_wait3A] : memref<6256xi32, #tpu.memory_space<vmem>> -> memref<6248xi32, #tpu.memory_space<vmem>>
        %dma_wait3A_95 = tpu.memref_slice %arg2[%add3A_27] : memref<3200000xi32, #tpu.memory_space<hbm>> -> memref<6248xi32, #tpu.memory_space<hbm>>
        %dma_wait3A_96 = arith.constant 0 : i32
        %dma_wait3A_97 = tpu.memref_slice %arg13[%dma_wait3A_96] : memref<6256xi32, #tpu.memory_space<vmem>> -> memref<6248xi32, #tpu.memory_space<vmem>>
        %dma_wait3A_98 = tpu.memref_slice %arg2[%add3A_27] : memref<3200000xi32, #tpu.memory_space<hbm>> -> memref<6248xi32, #tpu.memory_space<hbm>>
        tpu.wait_dma2 semaphore(%run_scoped3A : memref<!tpu.dma_semaphore, #tpu.memory_space<semaphore_mem>>) src(%dma_wait3A_98 : memref<6248xi32, #tpu.memory_space<hbm>>) dst(%dma_wait3A_97 : memref<6248xi32, #tpu.memory_space<vmem>>)
        tpu.yield
      }) : () -> ()
      %scan3A = arith.constant 0 : i32
      %scan3A_28 = arith.constant 0 : i32
      %scan3A_29 = arith.constant 391 : i32
      %scan3A_30 = arith.addi %scan3A_28, %scan3A_29 : i32
      %scan3A_31 = arith.constant 1 : i32
      scf.for %scan3A_89 = %scan3A_28 to %scan3A_30 step %scan3A_31  : i32 {
        %mul3A_90 = arith.constant 16 : i32
        %mul3A_91 = arith.muli %scan3A_89, %mul3A_90 : i32
        %get3A = arith.index_cast %mul3A_91 : i32 to index
        %get3A_92 = tpu.vector_load %arg6[%get3A] {strides = array<i32>} : memref<6256xi32, #tpu.memory_space<vmem>>, vector<16xi32>,
        %get3A_93 = arith.index_cast %mul3A_91 : i32 to index
        %get3A_94 = tpu.vector_load %arg12[%get3A_93] {strides = array<i32>} : memref<6256xi32, #tpu.memory_space<vmem>>, vector<16xi32>,
        %get3A_95 = arith.index_cast %mul3A_91 : i32 to index
        %get3A_96 = tpu.vector_load %arg13[%get3A_95] {strides = array<i32>} : memref<6256xi32, #tpu.memory_space<vmem>>, vector<16xi32>,
        %mul3A_97 = arith.constant 128 : i32
        %mul3A_98 = vector.broadcast %mul3A_97 : i32 to vector<16xi32>
        %mul3A_99 = arith.muli %get3A_92, %mul3A_98 : vector<16xi32>
        %add3A_100 = arith.addi %mul3A_99, %get3A_96 : vector<16xi32>
        %and3A = arith.constant 16383 : i32
        %and3A_101 = vector.broadcast %and3A : i32 to vector<16xi32>
        %and3A_102 = arith.andi %add3A_100, %and3A_101 : vector<16xi32>
        %gather3A = tpu.vector_load_idx %arg5[%and3A_102] : memref<16384xi32, #tpu.memory_space<vmem>>[vector<16xi32>], vector<16xi32>,
        %shift_right_arithmetic3A = arith.constant 14 : i32
        %shift_right_arithmetic3A_103 = vector.broadcast %shift_right_arithmetic3A : i32 to vector<16xi32>
        %shift_right_arithmetic3A_104 = arith.shrsi %add3A_100, %shift_right_arithmetic3A_103 : vector<16xi32>
        %and3A_105 = arith.constant 7 : i32
        %and3A_106 = vector.broadcast %and3A_105 : i32 to vector<16xi32>
        %and3A_107 = arith.andi %shift_right_arithmetic3A_104, %and3A_106 : vector<16xi32>
        %shift_left3A = arith.constant 2 : i32
        %shift_left3A_108 = vector.broadcast %shift_left3A : i32 to vector<16xi32>
        %shift_left3A_109 = arith.shli %and3A_107, %shift_left3A_108 : vector<16xi32>
        %shift_right_arithmetic3A_110 = arith.shrsi %gather3A, %shift_left3A_109 : vector<16xi32>
        %and3A_111 = arith.constant 15 : i32
        %and3A_112 = vector.broadcast %and3A_111 : i32 to vector<16xi32>
        %and3A_113 = arith.andi %shift_right_arithmetic3A_110, %and3A_112 : vector<16xi32>
        %ne3A = arith.constant 0 : i32
        %ne3A_114 = vector.broadcast %ne3A : i32 to vector<16xi32>
        %ne3A_115 = arith.cmpi ne, %get3A_94, %ne3A_114 : vector<16xi32>
        %ne3A_116 = arith.constant 1 : i32
        %ne3A_117 = vector.broadcast %ne3A_116 : i32 to vector<16xi32>
        %ne3A_118 = arith.cmpi ne, %get3A_94, %ne3A_117 : vector<16xi32>
        %and3A_119 = arith.andi %ne3A_115, %ne3A_118 : vector<16xi1>
        %and3A_120 = arith.constant 3 : i32
        %and3A_121 = vector.broadcast %and3A_120 : i32 to vector<16xi32>
        %and3A_122 = arith.andi %and3A_113, %and3A_121 : vector<16xi32>
        %sub3A_123 = arith.constant 1 : i32
        %sub3A_124 = vector.broadcast %sub3A_123 : i32 to vector<16xi32>
        %sub3A_125 = arith.subi %and3A_122, %sub3A_124 : vector<16xi32>
        %jit3A = arith.constant 0 : i32
        %broadcast_in_dim3A = vector.broadcast %jit3A : i32 to vector<16xi32>
        %select_n3A = arith.select %and3A_119, %sub3A_125, %broadcast_in_dim3A : vector<16xi1>, vector<16xi32>
        %shift_right_arithmetic3A_126 = arith.constant 2 : i32
        %shift_right_arithmetic3A_127 = vector.broadcast %shift_right_arithmetic3A_126 : i32 to vector<16xi32>
        %shift_right_arithmetic3A_128 = arith.shrsi %and3A_113, %shift_right_arithmetic3A_127 : vector<16xi32>
        %sub3A_129 = arith.constant 1 : i32
        %sub3A_130 = vector.broadcast %sub3A_129 : i32 to vector<16xi32>
        %sub3A_131 = arith.subi %shift_right_arithmetic3A_128, %sub3A_130 : vector<16xi32>
        %jit3A_132 = arith.constant 0 : i32
        %broadcast_in_dim3A_133 = vector.broadcast %jit3A_132 : i32 to vector<16xi32>
        %select_n3A_134 = arith.select %and3A_119, %sub3A_131, %broadcast_in_dim3A_133 : vector<16xi1>, vector<16xi32>
        %get3A_135 = arith.index_cast %mul3A_91 : i32 to index
        %get3A_136 = tpu.vector_load %arg7[%get3A_135] {strides = array<i32>} : memref<6256xi32, #tpu.memory_space<vmem>>, vector<16xi32>,
        %add3A_137 = arith.addi %get3A_136, %select_n3A : vector<16xi32>
        %swap3A = arith.index_cast %mul3A_91 : i32 to index
        %swap3A_138 = tpu.vector_load %arg7[%swap3A] {strides = array<i32>} : memref<6256xi32, #tpu.memory_space<vmem>>, vector<16xi32>,
        tpu.vector_store %arg7[%swap3A], %add3A_137 {strides = array<i32>} : memref<6256xi32, #tpu.memory_space<vmem>>, vector<16xi32>,
        %get3A_139 = arith.index_cast %mul3A_91 : i32 to index
        %get3A_140 = tpu.vector_load %arg8[%get3A_139] {strides = array<i32>} : memref<6256xi32, #tpu.memory_space<vmem>>, vector<16xi32>,
        %add3A_141 = arith.addi %get3A_140, %select_n3A_134 : vector<16xi32>
        %swap3A_142 = arith.index_cast %mul3A_91 : i32 to index
        %swap3A_143 = tpu.vector_load %arg8[%swap3A_142] {strides = array<i32>} : memref<6256xi32, #tpu.memory_space<vmem>>, vector<16xi32>,
        tpu.vector_store %arg8[%swap3A_142], %add3A_141 {strides = array<i32>} : memref<6256xi32, #tpu.memory_space<vmem>>, vector<16xi32>,
      }
      %scan3A_32 = arith.constant 391 : i32
      %add3A_33 = arith.constant 0 : i32
      %add3A_34 = arith.addi %add3A_33, %add3A_11 : i32
      "tpu.region"() ({
        %run_scoped3A = tpu.sem_alloc : memref<!tpu.dma_semaphore, #tpu.memory_space<semaphore_mem>>
        %dma_start3A = arith.constant 0 : i32
        %dma_start3A_89 = tpu.memref_slice %arg6[%dma_start3A] : memref<6256xi32, #tpu.memory_space<vmem>> -> memref<6248xi32, #tpu.memory_space<vmem>>
        %dma_start3A_90 = tpu.memref_slice %arg4[%add3A_34] : memref<3200000xi32, #tpu.memory_space<hbm>> -> memref<6248xi32, #tpu.memory_space<hbm>>
        %dma_start3A_91 = tpu.memref_slice %arg4[%add3A_34] : memref<3200000xi32, #tpu.memory_space<hbm>> -> memref<6248xi32, #tpu.memory_space<hbm>>
        %dma_start3A_92 = arith.constant 0 : i32
        %dma_start3A_93 = tpu.memref_slice %arg6[%dma_start3A_92] : memref<6256xi32, #tpu.memory_space<vmem>> -> memref<6248xi32, #tpu.memory_space<vmem>>
        tpu.enqueue_dma source(%dma_start3A_93 : memref<6248xi32, #tpu.memory_space<vmem>>) target(%dma_start3A_91 : memref<6248xi32, #tpu.memory_space<hbm>>) target_semaphore(%run_scoped3A : memref<!tpu.dma_semaphore, #tpu.memory_space<semaphore_mem>>)
        %dma_wait3A = arith.constant 0 : i32
        %dma_wait3A_94 = tpu.memref_slice %arg6[%dma_wait3A] : memref<6256xi32, #tpu.memory_space<vmem>> -> memref<6248xi32, #tpu.memory_space<vmem>>
        %dma_wait3A_95 = tpu.memref_slice %arg4[%add3A_34] : memref<3200000xi32, #tpu.memory_space<hbm>> -> memref<6248xi32, #tpu.memory_space<hbm>>
        %dma_wait3A_96 = tpu.memref_slice %arg4[%add3A_34] : memref<3200000xi32, #tpu.memory_space<hbm>> -> memref<6248xi32, #tpu.memory_space<hbm>>
        %dma_wait3A_97 = arith.constant 0 : i32
        %dma_wait3A_98 = tpu.memref_slice %arg6[%dma_wait3A_97] : memref<6256xi32, #tpu.memory_space<vmem>> -> memref<6248xi32, #tpu.memory_space<vmem>>
        tpu.wait_dma2 semaphore(%run_scoped3A : memref<!tpu.dma_semaphore, #tpu.memory_space<semaphore_mem>>) src(%dma_wait3A_98 : memref<6248xi32, #tpu.memory_space<vmem>>) dst(%dma_wait3A_96 : memref<6248xi32, #tpu.memory_space<hbm>>)
        tpu.yield
      }) : () -> ()
      %add3A_35 = arith.constant 400000 : i32
      %add3A_36 = arith.addi %add3A_35, %add3A_11 : i32
      "tpu.region"() ({
        %run_scoped3A = tpu.sem_alloc : memref<!tpu.dma_semaphore, #tpu.memory_space<semaphore_mem>>
        %dma_start3A = arith.constant 0 : i32
        %dma_start3A_89 = tpu.memref_slice %arg7[%dma_start3A] : memref<6256xi32, #tpu.memory_space<vmem>> -> memref<6248xi32, #tpu.memory_space<vmem>>
        %dma_start3A_90 = tpu.memref_slice %arg4[%add3A_36] : memref<3200000xi32, #tpu.memory_space<hbm>> -> memref<6248xi32, #tpu.memory_space<hbm>>
        %dma_start3A_91 = tpu.memref_slice %arg4[%add3A_36] : memref<3200000xi32, #tpu.memory_space<hbm>> -> memref<6248xi32, #tpu.memory_space<hbm>>
        %dma_start3A_92 = arith.constant 0 : i32
        %dma_start3A_93 = tpu.memref_slice %arg7[%dma_start3A_92] : memref<6256xi32, #tpu.memory_space<vmem>> -> memref<6248xi32, #tpu.memory_space<vmem>>
        tpu.enqueue_dma source(%dma_start3A_93 : memref<6248xi32, #tpu.memory_space<vmem>>) target(%dma_start3A_91 : memref<6248xi32, #tpu.memory_space<hbm>>) target_semaphore(%run_scoped3A : memref<!tpu.dma_semaphore, #tpu.memory_space<semaphore_mem>>)
        %dma_wait3A = arith.constant 0 : i32
        %dma_wait3A_94 = tpu.memref_slice %arg7[%dma_wait3A] : memref<6256xi32, #tpu.memory_space<vmem>> -> memref<6248xi32, #tpu.memory_space<vmem>>
        %dma_wait3A_95 = tpu.memref_slice %arg4[%add3A_36] : memref<3200000xi32, #tpu.memory_space<hbm>> -> memref<6248xi32, #tpu.memory_space<hbm>>
        %dma_wait3A_96 = tpu.memref_slice %arg4[%add3A_36] : memref<3200000xi32, #tpu.memory_space<hbm>> -> memref<6248xi32, #tpu.memory_space<hbm>>
        %dma_wait3A_97 = arith.constant 0 : i32
        %dma_wait3A_98 = tpu.memref_slice %arg7[%dma_wait3A_97] : memref<6256xi32, #tpu.memory_space<vmem>> -> memref<6248xi32, #tpu.memory_space<vmem>>
        tpu.wait_dma2 semaphore(%run_scoped3A : memref<!tpu.dma_semaphore, #tpu.memory_space<semaphore_mem>>) src(%dma_wait3A_98 : memref<6248xi32, #tpu.memory_space<vmem>>) dst(%dma_wait3A_96 : memref<6248xi32, #tpu.memory_space<hbm>>)
        tpu.yield
      }) : () -> ()
      %add3A_37 = arith.constant 800000 : i32
      %add3A_38 = arith.addi %add3A_37, %add3A_11 : i32
      "tpu.region"() ({
        %run_scoped3A = tpu.sem_alloc : memref<!tpu.dma_semaphore, #tpu.memory_space<semaphore_mem>>
        %dma_start3A = arith.constant 0 : i32
        %dma_start3A_89 = tpu.memref_slice %arg8[%dma_start3A] : memref<6256xi32, #tpu.memory_space<vmem>> -> memref<6248xi32, #tpu.memory_space<vmem>>
        %dma_start3A_90 = tpu.memref_slice %arg4[%add3A_38] : memref<3200000xi32, #tpu.memory_space<hbm>> -> memref<6248xi32, #tpu.memory_space<hbm>>
        %dma_start3A_91 = tpu.memref_slice %arg4[%add3A_38] : memref<3200000xi32, #tpu.memory_space<hbm>> -> memref<6248xi32, #tpu.memory_space<hbm>>
        %dma_start3A_92 = arith.constant 0 : i32
        %dma_start3A_93 = tpu.memref_slice %arg8[%dma_start3A_92] : memref<6256xi32, #tpu.memory_space<vmem>> -> memref<6248xi32, #tpu.memory_space<vmem>>
        tpu.enqueue_dma source(%dma_start3A_93 : memref<6248xi32, #tpu.memory_space<vmem>>) target(%dma_start3A_91 : memref<6248xi32, #tpu.memory_space<hbm>>) target_semaphore(%run_scoped3A : memref<!tpu.dma_semaphore, #tpu.memory_space<semaphore_mem>>)
        %dma_wait3A = arith.constant 0 : i32
        %dma_wait3A_94 = tpu.memref_slice %arg8[%dma_wait3A] : memref<6256xi32, #tpu.memory_space<vmem>> -> memref<6248xi32, #tpu.memory_space<vmem>>
        %dma_wait3A_95 = tpu.memref_slice %arg4[%add3A_38] : memref<3200000xi32, #tpu.memory_space<hbm>> -> memref<6248xi32, #tpu.memory_space<hbm>>
        %dma_wait3A_96 = tpu.memref_slice %arg4[%add3A_38] : memref<3200000xi32, #tpu.memory_space<hbm>> -> memref<6248xi32, #tpu.memory_space<hbm>>
        %dma_wait3A_97 = arith.constant 0 : i32
        %dma_wait3A_98 = tpu.memref_slice %arg8[%dma_wait3A_97] : memref<6256xi32, #tpu.memory_space<vmem>> -> memref<6248xi32, #tpu.memory_space<vmem>>
        tpu.wait_dma2 semaphore(%run_scoped3A : memref<!tpu.dma_semaphore, #tpu.memory_space<semaphore_mem>>) src(%dma_wait3A_98 : memref<6248xi32, #tpu.memory_space<vmem>>) dst(%dma_wait3A_96 : memref<6248xi32, #tpu.memory_space<hbm>>)
        tpu.yield
      }) : () -> ()
      %add3A_39 = arith.constant 1200000 : i32
      %add3A_40 = arith.addi %add3A_39, %add3A_11 : i32
      "tpu.region"() ({
        %run_scoped3A = tpu.sem_alloc : memref<!tpu.dma_semaphore, #tpu.memory_space<semaphore_mem>>
        %dma_start3A = arith.constant 0 : i32
        %dma_start3A_89 = tpu.memref_slice %arg9[%dma_start3A] : memref<6256xi32, #tpu.memory_space<vmem>> -> memref<6248xi32, #tpu.memory_space<vmem>>
        %dma_start3A_90 = tpu.memref_slice %arg4[%add3A_40] : memref<3200000xi32, #tpu.memory_space<hbm>> -> memref<6248xi32, #tpu.memory_space<hbm>>
        %dma_start3A_91 = tpu.memref_slice %arg4[%add3A_40] : memref<3200000xi32, #tpu.memory_space<hbm>> -> memref<6248xi32, #tpu.memory_space<hbm>>
        %dma_start3A_92 = arith.constant 0 : i32
        %dma_start3A_93 = tpu.memref_slice %arg9[%dma_start3A_92] : memref<6256xi32, #tpu.memory_space<vmem>> -> memref<6248xi32, #tpu.memory_space<vmem>>
        tpu.enqueue_dma source(%dma_start3A_93 : memref<6248xi32, #tpu.memory_space<vmem>>) target(%dma_start3A_91 : memref<6248xi32, #tpu.memory_space<hbm>>) target_semaphore(%run_scoped3A : memref<!tpu.dma_semaphore, #tpu.memory_space<semaphore_mem>>)
        %dma_wait3A = arith.constant 0 : i32
        %dma_wait3A_94 = tpu.memref_slice %arg9[%dma_wait3A] : memref<6256xi32, #tpu.memory_space<vmem>> -> memref<6248xi32, #tpu.memory_space<vmem>>
        %dma_wait3A_95 = tpu.memref_slice %arg4[%add3A_40] : memref<3200000xi32, #tpu.memory_space<hbm>> -> memref<6248xi32, #tpu.memory_space<hbm>>
        %dma_wait3A_96 = tpu.memref_slice %arg4[%add3A_40] : memref<3200000xi32, #tpu.memory_space<hbm>> -> memref<6248xi32, #tpu.memory_space<hbm>>
        %dma_wait3A_97 = arith.constant 0 : i32
        %dma_wait3A_98 = tpu.memref_slice %arg9[%dma_wait3A_97] : memref<6256xi32, #tpu.memory_space<vmem>> -> memref<6248xi32, #tpu.memory_space<vmem>>
        tpu.wait_dma2 semaphore(%run_scoped3A : memref<!tpu.dma_semaphore, #tpu.memory_space<semaphore_mem>>) src(%dma_wait3A_98 : memref<6248xi32, #tpu.memory_space<vmem>>) dst(%dma_wait3A_96 : memref<6248xi32, #tpu.memory_space<hbm>>)
        tpu.yield
      }) : () -> ()
      %add3A_41 = arith.constant 1600000 : i32
      %add3A_42 = arith.addi %add3A_41, %add3A_11 : i32
      "tpu.region"() ({
        %run_scoped3A = tpu.sem_alloc : memref<!tpu.dma_semaphore, #tpu.memory_space<semaphore_mem>>
        %dma_start3A = arith.constant 0 : i32
        %dma_start3A_89 = tpu.memref_slice %arg10[%dma_start3A] : memref<6256xi32, #tpu.memory_space<vmem>> -> memref<6248xi32, #tpu.memory_space<vmem>>
        %dma_start3A_90 = tpu.memref_slice %arg4[%add3A_42] : memref<3200000xi32, #tpu.memory_space<hbm>> -> memref<6248xi32, #tpu.memory_space<hbm>>
        %dma_start3A_91 = tpu.memref_slice %arg4[%add3A_42] : memref<3200000xi32, #tpu.memory_space<hbm>> -> memref<6248xi32, #tpu.memory_space<hbm>>
        %dma_start3A_92 = arith.constant 0 : i32
        %dma_start3A_93 = tpu.memref_slice %arg10[%dma_start3A_92] : memref<6256xi32, #tpu.memory_space<vmem>> -> memref<6248xi32, #tpu.memory_space<vmem>>
        tpu.enqueue_dma source(%dma_start3A_93 : memref<6248xi32, #tpu.memory_space<vmem>>) target(%dma_start3A_91 : memref<6248xi32, #tpu.memory_space<hbm>>) target_semaphore(%run_scoped3A : memref<!tpu.dma_semaphore, #tpu.memory_space<semaphore_mem>>)
        %dma_wait3A = arith.constant 0 : i32
        %dma_wait3A_94 = tpu.memref_slice %arg10[%dma_wait3A] : memref<6256xi32, #tpu.memory_space<vmem>> -> memref<6248xi32, #tpu.memory_space<vmem>>
        %dma_wait3A_95 = tpu.memref_slice %arg4[%add3A_42] : memref<3200000xi32, #tpu.memory_space<hbm>> -> memref<6248xi32, #tpu.memory_space<hbm>>
        %dma_wait3A_96 = tpu.memref_slice %arg4[%add3A_42] : memref<3200000xi32, #tpu.memory_space<hbm>> -> memref<6248xi32, #tpu.memory_space<hbm>>
        %dma_wait3A_97 = arith.constant 0 : i32
        %dma_wait3A_98 = tpu.memref_slice %arg10[%dma_wait3A_97] : memref<6256xi32, #tpu.memory_space<vmem>> -> memref<6248xi32, #tpu.memory_space<vmem>>
        tpu.wait_dma2 semaphore(%run_scoped3A : memref<!tpu.dma_semaphore, #tpu.memory_space<semaphore_mem>>) src(%dma_wait3A_98 : memref<6248xi32, #tpu.memory_space<vmem>>) dst(%dma_wait3A_96 : memref<6248xi32, #tpu.memory_space<hbm>>)
        tpu.yield
      }) : () -> ()
      %add3A_43 = arith.constant 2000000 : i32
      %add3A_44 = arith.addi %add3A_43, %add3A_11 : i32
      "tpu.region"() ({
        %run_scoped3A = tpu.sem_alloc : memref<!tpu.dma_semaphore, #tpu.memory_space<semaphore_mem>>
        %dma_start3A = arith.constant 0 : i32
        %dma_start3A_89 = tpu.memref_slice %arg11[%dma_start3A] : memref<6256xi32, #tpu.memory_space<vmem>> -> memref<6248xi32, #tpu.memory_space<vmem>>
        %dma_start3A_90 = tpu.memref_slice %arg4[%add3A_44] : memref<3200000xi32, #tpu.memory_space<hbm>> -> memref<6248xi32, #tpu.memory_space<hbm>>
        %dma_start3A_91 = tpu.memref_slice %arg4[%add3A_44] : memref<3200000xi32, #tpu.memory_space<hbm>> -> memref<6248xi32, #tpu.memory_space<hbm>>
        %dma_start3A_92 = arith.constant 0 : i32
        %dma_start3A_93 = tpu.memref_slice %arg11[%dma_start3A_92] : memref<6256xi32, #tpu.memory_space<vmem>> -> memref<6248xi32, #tpu.memory_space<vmem>>
        tpu.enqueue_dma source(%dma_start3A_93 : memref<6248xi32, #tpu.memory_space<vmem>>) target(%dma_start3A_91 : memref<6248xi32, #tpu.memory_space<hbm>>) target_semaphore(%run_scoped3A : memref<!tpu.dma_semaphore, #tpu.memory_space<semaphore_mem>>)
        %dma_wait3A = arith.constant 0 : i32
        %dma_wait3A_94 = tpu.memref_slice %arg11[%dma_wait3A] : memref<6256xi32, #tpu.memory_space<vmem>> -> memref<6248xi32, #tpu.memory_space<vmem>>
        %dma_wait3A_95 = tpu.memref_slice %arg4[%add3A_44] : memref<3200000xi32, #tpu.memory_space<hbm>> -> memref<6248xi32, #tpu.memory_space<hbm>>
        %dma_wait3A_96 = tpu.memref_slice %arg4[%add3A_44] : memref<3200000xi32, #tpu.memory_space<hbm>> -> memref<6248xi32, #tpu.memory_space<hbm>>
        %dma_wait3A_97 = arith.constant 0 : i32
        %dma_wait3A_98 = tpu.memref_slice %arg11[%dma_wait3A_97] : memref<6256xi32, #tpu.memory_space<vmem>> -> memref<6248xi32, #tpu.memory_space<vmem>>
        tpu.wait_dma2 semaphore(%run_scoped3A : memref<!tpu.dma_semaphore, #tpu.memory_space<semaphore_mem>>) src(%dma_wait3A_98 : memref<6248xi32, #tpu.memory_space<vmem>>) dst(%dma_wait3A_96 : memref<6248xi32, #tpu.memory_space<hbm>>)
        tpu.yield
      }) : () -> ()
      %add3A_45 = arith.constant 2400000 : i32
      %add3A_46 = arith.addi %add3A_45, %add3A_11 : i32
      "tpu.region"() ({
        %run_scoped3A = tpu.sem_alloc : memref<!tpu.dma_semaphore, #tpu.memory_space<semaphore_mem>>
        %dma_start3A = arith.constant 0 : i32
        %dma_start3A_89 = tpu.memref_slice %arg12[%dma_start3A] : memref<6256xi32, #tpu.memory_space<vmem>> -> memref<6248xi32, #tpu.memory_space<vmem>>
        %dma_start3A_90 = tpu.memref_slice %arg4[%add3A_46] : memref<3200000xi32, #tpu.memory_space<hbm>> -> memref<6248xi32, #tpu.memory_space<hbm>>
        %dma_start3A_91 = tpu.memref_slice %arg4[%add3A_46] : memref<3200000xi32, #tpu.memory_space<hbm>> -> memref<6248xi32, #tpu.memory_space<hbm>>
        %dma_start3A_92 = arith.constant 0 : i32
        %dma_start3A_93 = tpu.memref_slice %arg12[%dma_start3A_92] : memref<6256xi32, #tpu.memory_space<vmem>> -> memref<6248xi32, #tpu.memory_space<vmem>>
        tpu.enqueue_dma source(%dma_start3A_93 : memref<6248xi32, #tpu.memory_space<vmem>>) target(%dma_start3A_91 : memref<6248xi32, #tpu.memory_space<hbm>>) target_semaphore(%run_scoped3A : memref<!tpu.dma_semaphore, #tpu.memory_space<semaphore_mem>>)
        %dma_wait3A = arith.constant 0 : i32
        %dma_wait3A_94 = tpu.memref_slice %arg12[%dma_wait3A] : memref<6256xi32, #tpu.memory_space<vmem>> -> memref<6248xi32, #tpu.memory_space<vmem>>
        %dma_wait3A_95 = tpu.memref_slice %arg4[%add3A_46] : memref<3200000xi32, #tpu.memory_space<hbm>> -> memref<6248xi32, #tpu.memory_space<hbm>>
        %dma_wait3A_96 = tpu.memref_slice %arg4[%add3A_46] : memref<3200000xi32, #tpu.memory_space<hbm>> -> memref<6248xi32, #tpu.memory_space<hbm>>
        %dma_wait3A_97 = arith.constant 0 : i32
        %dma_wait3A_98 = tpu.memref_slice %arg12[%dma_wait3A_97] : memref<6256xi32, #tpu.memory_space<vmem>> -> memref<6248xi32, #tpu.memory_space<vmem>>
        tpu.wait_dma2 semaphore(%run_scoped3A : memref<!tpu.dma_semaphore, #tpu.memory_space<semaphore_mem>>) src(%dma_wait3A_98 : memref<6248xi32, #tpu.memory_space<vmem>>) dst(%dma_wait3A_96 : memref<6248xi32, #tpu.memory_space<hbm>>)
        tpu.yield
      }) : () -> ()
      %add3A_47 = arith.constant 2800000 : i32
      %add3A_48 = arith.addi %add3A_47, %add3A_11 : i32
      "tpu.region"() ({
        %run_scoped3A = tpu.sem_alloc : memref<!tpu.dma_semaphore, #tpu.memory_space<semaphore_mem>>
        %dma_start3A = arith.constant 0 : i32
        %dma_start3A_89 = tpu.memref_slice %arg13[%dma_start3A] : memref<6256xi32, #tpu.memory_space<vmem>> -> memref<6248xi32, #tpu.memory_space<vmem>>
        %dma_start3A_90 = tpu.memref_slice %arg4[%add3A_48] : memref<3200000xi32, #tpu.memory_space<hbm>> -> memref<6248xi32, #tpu.memory_space<hbm>>
        %dma_start3A_91 = tpu.memref_slice %arg4[%add3A_48] : memref<3200000xi32, #tpu.memory_space<hbm>> -> memref<6248xi32, #tpu.memory_space<hbm>>
        %dma_start3A_92 = arith.constant 0 : i32
        %dma_start3A_93 = tpu.memref_slice %arg13[%dma_start3A_92] : memref<6256xi32, #tpu.memory_space<vmem>> -> memref<6248xi32, #tpu.memory_space<vmem>>
        tpu.enqueue_dma source(%dma_start3A_93 : memref<6248xi32, #tpu.memory_space<vmem>>) target(%dma_start3A_91 : memref<6248xi32, #tpu.memory_space<hbm>>) target_semaphore(%run_scoped3A : memref<!tpu.dma_semaphore, #tpu.memory_space<semaphore_mem>>)
        %dma_wait3A = arith.constant 0 : i32
        %dma_wait3A_94 = tpu.memref_slice %arg13[%dma_wait3A] : memref<6256xi32, #tpu.memory_space<vmem>> -> memref<6248xi32, #tpu.memory_space<vmem>>
        %dma_wait3A_95 = tpu.memref_slice %arg4[%add3A_48] : memref<3200000xi32, #tpu.memory_space<hbm>> -> memref<6248xi32, #tpu.memory_space<hbm>>
        %dma_wait3A_96 = tpu.memref_slice %arg4[%add3A_48] : memref<3200000xi32, #tpu.memory_space<hbm>> -> memref<6248xi32, #tpu.memory_space<hbm>>
        %dma_wait3A_97 = arith.constant 0 : i32
        %dma_wait3A_98 = tpu.memref_slice %arg13[%dma_wait3A_97] : memref<6256xi32, #tpu.memory_space<vmem>> -> memref<6248xi32, #tpu.memory_space<vmem>>
        tpu.wait_dma2 semaphore(%run_scoped3A : memref<!tpu.dma_semaphore, #tpu.memory_space<semaphore_mem>>) src(%dma_wait3A_98 : memref<6248xi32, #tpu.memory_space<vmem>>) dst(%dma_wait3A_96 : memref<6248xi32, #tpu.memory_space<hbm>>)
        tpu.yield
      }) : () -> ()
      %add3A_49 = arith.constant 6248 : i32
      %add3A_50 = arith.addi %add3A_11, %add3A_49 : i32
      %add3A_51 = arith.constant 0 : i32
      %add3A_52 = arith.addi %add3A_51, %add3A_50 : i32
      "tpu.region"() ({
        %run_scoped3A = tpu.sem_alloc : memref<!tpu.dma_semaphore, #tpu.memory_space<semaphore_mem>>
        %dma_start3A = arith.constant 0 : i32
        %dma_start3A_89 = tpu.memref_slice %arg6[%dma_start3A] : memref<6256xi32, #tpu.memory_space<vmem>> -> memref<6256xi32, #tpu.memory_space<vmem>>
        %dma_start3A_90 = tpu.memref_slice %arg2[%add3A_52] : memref<3200000xi32, #tpu.memory_space<hbm>> -> memref<6256xi32, #tpu.memory_space<hbm>>
        %dma_start3A_91 = arith.constant 0 : i32
        %dma_start3A_92 = tpu.memref_slice %arg6[%dma_start3A_91] : memref<6256xi32, #tpu.memory_space<vmem>> -> memref<6256xi32, #tpu.memory_space<vmem>>
        %dma_start3A_93 = tpu.memref_slice %arg2[%add3A_52] : memref<3200000xi32, #tpu.memory_space<hbm>> -> memref<6256xi32, #tpu.memory_space<hbm>>
        tpu.enqueue_dma source(%dma_start3A_93 : memref<6256xi32, #tpu.memory_space<hbm>>) target(%dma_start3A_92 : memref<6256xi32, #tpu.memory_space<vmem>>) target_semaphore(%run_scoped3A : memref<!tpu.dma_semaphore, #tpu.memory_space<semaphore_mem>>)
        %dma_wait3A = arith.constant 0 : i32
        %dma_wait3A_94 = tpu.memref_slice %arg6[%dma_wait3A] : memref<6256xi32, #tpu.memory_space<vmem>> -> memref<6256xi32, #tpu.memory_space<vmem>>
        %dma_wait3A_95 = tpu.memref_slice %arg2[%add3A_52] : memref<3200000xi32, #tpu.memory_space<hbm>> -> memref<6256xi32, #tpu.memory_space<hbm>>
        %dma_wait3A_96 = arith.constant 0 : i32
        %dma_wait3A_97 = tpu.memref_slice %arg6[%dma_wait3A_96] : memref<6256xi32, #tpu.memory_space<vmem>> -> memref<6256xi32, #tpu.memory_space<vmem>>
        %dma_wait3A_98 = tpu.memref_slice %arg2[%add3A_52] : memref<3200000xi32, #tpu.memory_space<hbm>> -> memref<6256xi32, #tpu.memory_space<hbm>>
        tpu.wait_dma2 semaphore(%run_scoped3A : memref<!tpu.dma_semaphore, #tpu.memory_space<semaphore_mem>>) src(%dma_wait3A_98 : memref<6256xi32, #tpu.memory_space<hbm>>) dst(%dma_wait3A_97 : memref<6256xi32, #tpu.memory_space<vmem>>)
        tpu.yield
      }) : () -> ()
      %add3A_53 = arith.constant 400000 : i32
      %add3A_54 = arith.addi %add3A_53, %add3A_50 : i32
      "tpu.region"() ({
        %run_scoped3A = tpu.sem_alloc : memref<!tpu.dma_semaphore, #tpu.memory_space<semaphore_mem>>
        %dma_start3A = arith.constant 0 : i32
        %dma_start3A_89 = tpu.memref_slice %arg7[%dma_start3A] : memref<6256xi32, #tpu.memory_space<vmem>> -> memref<6256xi32, #tpu.memory_space<vmem>>
        %dma_start3A_90 = tpu.memref_slice %arg2[%add3A_54] : memref<3200000xi32, #tpu.memory_space<hbm>> -> memref<6256xi32, #tpu.memory_space<hbm>>
        %dma_start3A_91 = arith.constant 0 : i32
        %dma_start3A_92 = tpu.memref_slice %arg7[%dma_start3A_91] : memref<6256xi32, #tpu.memory_space<vmem>> -> memref<6256xi32, #tpu.memory_space<vmem>>
        %dma_start3A_93 = tpu.memref_slice %arg2[%add3A_54] : memref<3200000xi32, #tpu.memory_space<hbm>> -> memref<6256xi32, #tpu.memory_space<hbm>>
        tpu.enqueue_dma source(%dma_start3A_93 : memref<6256xi32, #tpu.memory_space<hbm>>) target(%dma_start3A_92 : memref<6256xi32, #tpu.memory_space<vmem>>) target_semaphore(%run_scoped3A : memref<!tpu.dma_semaphore, #tpu.memory_space<semaphore_mem>>)
        %dma_wait3A = arith.constant 0 : i32
        %dma_wait3A_94 = tpu.memref_slice %arg7[%dma_wait3A] : memref<6256xi32, #tpu.memory_space<vmem>> -> memref<6256xi32, #tpu.memory_space<vmem>>
        %dma_wait3A_95 = tpu.memref_slice %arg2[%add3A_54] : memref<3200000xi32, #tpu.memory_space<hbm>> -> memref<6256xi32, #tpu.memory_space<hbm>>
        %dma_wait3A_96 = arith.constant 0 : i32
        %dma_wait3A_97 = tpu.memref_slice %arg7[%dma_wait3A_96] : memref<6256xi32, #tpu.memory_space<vmem>> -> memref<6256xi32, #tpu.memory_space<vmem>>
        %dma_wait3A_98 = tpu.memref_slice %arg2[%add3A_54] : memref<3200000xi32, #tpu.memory_space<hbm>> -> memref<6256xi32, #tpu.memory_space<hbm>>
        tpu.wait_dma2 semaphore(%run_scoped3A : memref<!tpu.dma_semaphore, #tpu.memory_space<semaphore_mem>>) src(%dma_wait3A_98 : memref<6256xi32, #tpu.memory_space<hbm>>) dst(%dma_wait3A_97 : memref<6256xi32, #tpu.memory_space<vmem>>)
        tpu.yield
      }) : () -> ()
      %add3A_55 = arith.constant 800000 : i32
      %add3A_56 = arith.addi %add3A_55, %add3A_50 : i32
      "tpu.region"() ({
        %run_scoped3A = tpu.sem_alloc : memref<!tpu.dma_semaphore, #tpu.memory_space<semaphore_mem>>
        %dma_start3A = arith.constant 0 : i32
        %dma_start3A_89 = tpu.memref_slice %arg8[%dma_start3A] : memref<6256xi32, #tpu.memory_space<vmem>> -> memref<6256xi32, #tpu.memory_space<vmem>>
        %dma_start3A_90 = tpu.memref_slice %arg2[%add3A_56] : memref<3200000xi32, #tpu.memory_space<hbm>> -> memref<6256xi32, #tpu.memory_space<hbm>>
        %dma_start3A_91 = arith.constant 0 : i32
        %dma_start3A_92 = tpu.memref_slice %arg8[%dma_start3A_91] : memref<6256xi32, #tpu.memory_space<vmem>> -> memref<6256xi32, #tpu.memory_space<vmem>>
        %dma_start3A_93 = tpu.memref_slice %arg2[%add3A_56] : memref<3200000xi32, #tpu.memory_space<hbm>> -> memref<6256xi32, #tpu.memory_space<hbm>>
        tpu.enqueue_dma source(%dma_start3A_93 : memref<6256xi32, #tpu.memory_space<hbm>>) target(%dma_start3A_92 : memref<6256xi32, #tpu.memory_space<vmem>>) target_semaphore(%run_scoped3A : memref<!tpu.dma_semaphore, #tpu.memory_space<semaphore_mem>>)
        %dma_wait3A = arith.constant 0 : i32
        %dma_wait3A_94 = tpu.memref_slice %arg8[%dma_wait3A] : memref<6256xi32, #tpu.memory_space<vmem>> -> memref<6256xi32, #tpu.memory_space<vmem>>
        %dma_wait3A_95 = tpu.memref_slice %arg2[%add3A_56] : memref<3200000xi32, #tpu.memory_space<hbm>> -> memref<6256xi32, #tpu.memory_space<hbm>>
        %dma_wait3A_96 = arith.constant 0 : i32
        %dma_wait3A_97 = tpu.memref_slice %arg8[%dma_wait3A_96] : memref<6256xi32, #tpu.memory_space<vmem>> -> memref<6256xi32, #tpu.memory_space<vmem>>
        %dma_wait3A_98 = tpu.memref_slice %arg2[%add3A_56] : memref<3200000xi32, #tpu.memory_space<hbm>> -> memref<6256xi32, #tpu.memory_space<hbm>>
        tpu.wait_dma2 semaphore(%run_scoped3A : memref<!tpu.dma_semaphore, #tpu.memory_space<semaphore_mem>>) src(%dma_wait3A_98 : memref<6256xi32, #tpu.memory_space<hbm>>) dst(%dma_wait3A_97 : memref<6256xi32, #tpu.memory_space<vmem>>)
        tpu.yield
      }) : () -> ()
      %add3A_57 = arith.constant 1200000 : i32
      %add3A_58 = arith.addi %add3A_57, %add3A_50 : i32
      "tpu.region"() ({
        %run_scoped3A = tpu.sem_alloc : memref<!tpu.dma_semaphore, #tpu.memory_space<semaphore_mem>>
        %dma_start3A = arith.constant 0 : i32
        %dma_start3A_89 = tpu.memref_slice %arg9[%dma_start3A] : memref<6256xi32, #tpu.memory_space<vmem>> -> memref<6256xi32, #tpu.memory_space<vmem>>
        %dma_start3A_90 = tpu.memref_slice %arg2[%add3A_58] : memref<3200000xi32, #tpu.memory_space<hbm>> -> memref<6256xi32, #tpu.memory_space<hbm>>
        %dma_start3A_91 = arith.constant 0 : i32
        %dma_start3A_92 = tpu.memref_slice %arg9[%dma_start3A_91] : memref<6256xi32, #tpu.memory_space<vmem>> -> memref<6256xi32, #tpu.memory_space<vmem>>
        %dma_start3A_93 = tpu.memref_slice %arg2[%add3A_58] : memref<3200000xi32, #tpu.memory_space<hbm>> -> memref<6256xi32, #tpu.memory_space<hbm>>
        tpu.enqueue_dma source(%dma_start3A_93 : memref<6256xi32, #tpu.memory_space<hbm>>) target(%dma_start3A_92 : memref<6256xi32, #tpu.memory_space<vmem>>) target_semaphore(%run_scoped3A : memref<!tpu.dma_semaphore, #tpu.memory_space<semaphore_mem>>)
        %dma_wait3A = arith.constant 0 : i32
        %dma_wait3A_94 = tpu.memref_slice %arg9[%dma_wait3A] : memref<6256xi32, #tpu.memory_space<vmem>> -> memref<6256xi32, #tpu.memory_space<vmem>>
        %dma_wait3A_95 = tpu.memref_slice %arg2[%add3A_58] : memref<3200000xi32, #tpu.memory_space<hbm>> -> memref<6256xi32, #tpu.memory_space<hbm>>
        %dma_wait3A_96 = arith.constant 0 : i32
        %dma_wait3A_97 = tpu.memref_slice %arg9[%dma_wait3A_96] : memref<6256xi32, #tpu.memory_space<vmem>> -> memref<6256xi32, #tpu.memory_space<vmem>>
        %dma_wait3A_98 = tpu.memref_slice %arg2[%add3A_58] : memref<3200000xi32, #tpu.memory_space<hbm>> -> memref<6256xi32, #tpu.memory_space<hbm>>
        tpu.wait_dma2 semaphore(%run_scoped3A : memref<!tpu.dma_semaphore, #tpu.memory_space<semaphore_mem>>) src(%dma_wait3A_98 : memref<6256xi32, #tpu.memory_space<hbm>>) dst(%dma_wait3A_97 : memref<6256xi32, #tpu.memory_space<vmem>>)
        tpu.yield
      }) : () -> ()
      %add3A_59 = arith.constant 1600000 : i32
      %add3A_60 = arith.addi %add3A_59, %add3A_50 : i32
      "tpu.region"() ({
        %run_scoped3A = tpu.sem_alloc : memref<!tpu.dma_semaphore, #tpu.memory_space<semaphore_mem>>
        %dma_start3A = arith.constant 0 : i32
        %dma_start3A_89 = tpu.memref_slice %arg10[%dma_start3A] : memref<6256xi32, #tpu.memory_space<vmem>> -> memref<6256xi32, #tpu.memory_space<vmem>>
        %dma_start3A_90 = tpu.memref_slice %arg2[%add3A_60] : memref<3200000xi32, #tpu.memory_space<hbm>> -> memref<6256xi32, #tpu.memory_space<hbm>>
        %dma_start3A_91 = arith.constant 0 : i32
        %dma_start3A_92 = tpu.memref_slice %arg10[%dma_start3A_91] : memref<6256xi32, #tpu.memory_space<vmem>> -> memref<6256xi32, #tpu.memory_space<vmem>>
        %dma_start3A_93 = tpu.memref_slice %arg2[%add3A_60] : memref<3200000xi32, #tpu.memory_space<hbm>> -> memref<6256xi32, #tpu.memory_space<hbm>>
        tpu.enqueue_dma source(%dma_start3A_93 : memref<6256xi32, #tpu.memory_space<hbm>>) target(%dma_start3A_92 : memref<6256xi32, #tpu.memory_space<vmem>>) target_semaphore(%run_scoped3A : memref<!tpu.dma_semaphore, #tpu.memory_space<semaphore_mem>>)
        %dma_wait3A = arith.constant 0 : i32
        %dma_wait3A_94 = tpu.memref_slice %arg10[%dma_wait3A] : memref<6256xi32, #tpu.memory_space<vmem>> -> memref<6256xi32, #tpu.memory_space<vmem>>
        %dma_wait3A_95 = tpu.memref_slice %arg2[%add3A_60] : memref<3200000xi32, #tpu.memory_space<hbm>> -> memref<6256xi32, #tpu.memory_space<hbm>>
        %dma_wait3A_96 = arith.constant 0 : i32
        %dma_wait3A_97 = tpu.memref_slice %arg10[%dma_wait3A_96] : memref<6256xi32, #tpu.memory_space<vmem>> -> memref<6256xi32, #tpu.memory_space<vmem>>
        %dma_wait3A_98 = tpu.memref_slice %arg2[%add3A_60] : memref<3200000xi32, #tpu.memory_space<hbm>> -> memref<6256xi32, #tpu.memory_space<hbm>>
        tpu.wait_dma2 semaphore(%run_scoped3A : memref<!tpu.dma_semaphore, #tpu.memory_space<semaphore_mem>>) src(%dma_wait3A_98 : memref<6256xi32, #tpu.memory_space<hbm>>) dst(%dma_wait3A_97 : memref<6256xi32, #tpu.memory_space<vmem>>)
        tpu.yield
      }) : () -> ()
      %add3A_61 = arith.constant 2000000 : i32
      %add3A_62 = arith.addi %add3A_61, %add3A_50 : i32
      "tpu.region"() ({
        %run_scoped3A = tpu.sem_alloc : memref<!tpu.dma_semaphore, #tpu.memory_space<semaphore_mem>>
        %dma_start3A = arith.constant 0 : i32
        %dma_start3A_89 = tpu.memref_slice %arg11[%dma_start3A] : memref<6256xi32, #tpu.memory_space<vmem>> -> memref<6256xi32, #tpu.memory_space<vmem>>
        %dma_start3A_90 = tpu.memref_slice %arg2[%add3A_62] : memref<3200000xi32, #tpu.memory_space<hbm>> -> memref<6256xi32, #tpu.memory_space<hbm>>
        %dma_start3A_91 = arith.constant 0 : i32
        %dma_start3A_92 = tpu.memref_slice %arg11[%dma_start3A_91] : memref<6256xi32, #tpu.memory_space<vmem>> -> memref<6256xi32, #tpu.memory_space<vmem>>
        %dma_start3A_93 = tpu.memref_slice %arg2[%add3A_62] : memref<3200000xi32, #tpu.memory_space<hbm>> -> memref<6256xi32, #tpu.memory_space<hbm>>
        tpu.enqueue_dma source(%dma_start3A_93 : memref<6256xi32, #tpu.memory_space<hbm>>) target(%dma_start3A_92 : memref<6256xi32, #tpu.memory_space<vmem>>) target_semaphore(%run_scoped3A : memref<!tpu.dma_semaphore, #tpu.memory_space<semaphore_mem>>)
        %dma_wait3A = arith.constant 0 : i32
        %dma_wait3A_94 = tpu.memref_slice %arg11[%dma_wait3A] : memref<6256xi32, #tpu.memory_space<vmem>> -> memref<6256xi32, #tpu.memory_space<vmem>>
        %dma_wait3A_95 = tpu.memref_slice %arg2[%add3A_62] : memref<3200000xi32, #tpu.memory_space<hbm>> -> memref<6256xi32, #tpu.memory_space<hbm>>
        %dma_wait3A_96 = arith.constant 0 : i32
        %dma_wait3A_97 = tpu.memref_slice %arg11[%dma_wait3A_96] : memref<6256xi32, #tpu.memory_space<vmem>> -> memref<6256xi32, #tpu.memory_space<vmem>>
        %dma_wait3A_98 = tpu.memref_slice %arg2[%add3A_62] : memref<3200000xi32, #tpu.memory_space<hbm>> -> memref<6256xi32, #tpu.memory_space<hbm>>
        tpu.wait_dma2 semaphore(%run_scoped3A : memref<!tpu.dma_semaphore, #tpu.memory_space<semaphore_mem>>) src(%dma_wait3A_98 : memref<6256xi32, #tpu.memory_space<hbm>>) dst(%dma_wait3A_97 : memref<6256xi32, #tpu.memory_space<vmem>>)
        tpu.yield
      }) : () -> ()
      %add3A_63 = arith.constant 2400000 : i32
      %add3A_64 = arith.addi %add3A_63, %add3A_50 : i32
      "tpu.region"() ({
        %run_scoped3A = tpu.sem_alloc : memref<!tpu.dma_semaphore, #tpu.memory_space<semaphore_mem>>
        %dma_start3A = arith.constant 0 : i32
        %dma_start3A_89 = tpu.memref_slice %arg12[%dma_start3A] : memref<6256xi32, #tpu.memory_space<vmem>> -> memref<6256xi32, #tpu.memory_space<vmem>>
        %dma_start3A_90 = tpu.memref_slice %arg2[%add3A_64] : memref<3200000xi32, #tpu.memory_space<hbm>> -> memref<6256xi32, #tpu.memory_space<hbm>>
        %dma_start3A_91 = arith.constant 0 : i32
        %dma_start3A_92 = tpu.memref_slice %arg12[%dma_start3A_91] : memref<6256xi32, #tpu.memory_space<vmem>> -> memref<6256xi32, #tpu.memory_space<vmem>>
        %dma_start3A_93 = tpu.memref_slice %arg2[%add3A_64] : memref<3200000xi32, #tpu.memory_space<hbm>> -> memref<6256xi32, #tpu.memory_space<hbm>>
        tpu.enqueue_dma source(%dma_start3A_93 : memref<6256xi32, #tpu.memory_space<hbm>>) target(%dma_start3A_92 : memref<6256xi32, #tpu.memory_space<vmem>>) target_semaphore(%run_scoped3A : memref<!tpu.dma_semaphore, #tpu.memory_space<semaphore_mem>>)
        %dma_wait3A = arith.constant 0 : i32
        %dma_wait3A_94 = tpu.memref_slice %arg12[%dma_wait3A] : memref<6256xi32, #tpu.memory_space<vmem>> -> memref<6256xi32, #tpu.memory_space<vmem>>
        %dma_wait3A_95 = tpu.memref_slice %arg2[%add3A_64] : memref<3200000xi32, #tpu.memory_space<hbm>> -> memref<6256xi32, #tpu.memory_space<hbm>>
        %dma_wait3A_96 = arith.constant 0 : i32
        %dma_wait3A_97 = tpu.memref_slice %arg12[%dma_wait3A_96] : memref<6256xi32, #tpu.memory_space<vmem>> -> memref<6256xi32, #tpu.memory_space<vmem>>
        %dma_wait3A_98 = tpu.memref_slice %arg2[%add3A_64] : memref<3200000xi32, #tpu.memory_space<hbm>> -> memref<6256xi32, #tpu.memory_space<hbm>>
        tpu.wait_dma2 semaphore(%run_scoped3A : memref<!tpu.dma_semaphore, #tpu.memory_space<semaphore_mem>>) src(%dma_wait3A_98 : memref<6256xi32, #tpu.memory_space<hbm>>) dst(%dma_wait3A_97 : memref<6256xi32, #tpu.memory_space<vmem>>)
        tpu.yield
      }) : () -> ()
      %add3A_65 = arith.constant 2800000 : i32
      %add3A_66 = arith.addi %add3A_65, %add3A_50 : i32
      "tpu.region"() ({
        %run_scoped3A = tpu.sem_alloc : memref<!tpu.dma_semaphore, #tpu.memory_space<semaphore_mem>>
        %dma_start3A = arith.constant 0 : i32
        %dma_start3A_89 = tpu.memref_slice %arg13[%dma_start3A] : memref<6256xi32, #tpu.memory_space<vmem>> -> memref<6256xi32, #tpu.memory_space<vmem>>
        %dma_start3A_90 = tpu.memref_slice %arg2[%add3A_66] : memref<3200000xi32, #tpu.memory_space<hbm>> -> memref<6256xi32, #tpu.memory_space<hbm>>
        %dma_start3A_91 = arith.constant 0 : i32
        %dma_start3A_92 = tpu.memref_slice %arg13[%dma_start3A_91] : memref<6256xi32, #tpu.memory_space<vmem>> -> memref<6256xi32, #tpu.memory_space<vmem>>
        %dma_start3A_93 = tpu.memref_slice %arg2[%add3A_66] : memref<3200000xi32, #tpu.memory_space<hbm>> -> memref<6256xi32, #tpu.memory_space<hbm>>
        tpu.enqueue_dma source(%dma_start3A_93 : memref<6256xi32, #tpu.memory_space<hbm>>) target(%dma_start3A_92 : memref<6256xi32, #tpu.memory_space<vmem>>) target_semaphore(%run_scoped3A : memref<!tpu.dma_semaphore, #tpu.memory_space<semaphore_mem>>)
        %dma_wait3A = arith.constant 0 : i32
        %dma_wait3A_94 = tpu.memref_slice %arg13[%dma_wait3A] : memref<6256xi32, #tpu.memory_space<vmem>> -> memref<6256xi32, #tpu.memory_space<vmem>>
        %dma_wait3A_95 = tpu.memref_slice %arg2[%add3A_66] : memref<3200000xi32, #tpu.memory_space<hbm>> -> memref<6256xi32, #tpu.memory_space<hbm>>
        %dma_wait3A_96 = arith.constant 0 : i32
        %dma_wait3A_97 = tpu.memref_slice %arg13[%dma_wait3A_96] : memref<6256xi32, #tpu.memory_space<vmem>> -> memref<6256xi32, #tpu.memory_space<vmem>>
        %dma_wait3A_98 = tpu.memref_slice %arg2[%add3A_66] : memref<3200000xi32, #tpu.memory_space<hbm>> -> memref<6256xi32, #tpu.memory_space<hbm>>
        tpu.wait_dma2 semaphore(%run_scoped3A : memref<!tpu.dma_semaphore, #tpu.memory_space<semaphore_mem>>) src(%dma_wait3A_98 : memref<6256xi32, #tpu.memory_space<hbm>>) dst(%dma_wait3A_97 : memref<6256xi32, #tpu.memory_space<vmem>>)
        tpu.yield
      }) : () -> ()
      %scan3A_67 = arith.constant 0 : i32
      %scan3A_68 = arith.constant 0 : i32
      %scan3A_69 = arith.constant 391 : i32
      %scan3A_70 = arith.addi %scan3A_68, %scan3A_69 : i32
      %scan3A_71 = arith.constant 1 : i32
      scf.for %scan3A_89 = %scan3A_68 to %scan3A_70 step %scan3A_71  : i32 {
        %mul3A_90 = arith.constant 16 : i32
        %mul3A_91 = arith.muli %scan3A_89, %mul3A_90 : i32
        %get3A = arith.index_cast %mul3A_91 : i32 to index
        %get3A_92 = tpu.vector_load %arg6[%get3A] {strides = array<i32>} : memref<6256xi32, #tpu.memory_space<vmem>>, vector<16xi32>,
        %get3A_93 = arith.index_cast %mul3A_91 : i32 to index
        %get3A_94 = tpu.vector_load %arg12[%get3A_93] {strides = array<i32>} : memref<6256xi32, #tpu.memory_space<vmem>>, vector<16xi32>,
        %get3A_95 = arith.index_cast %mul3A_91 : i32 to index
        %get3A_96 = tpu.vector_load %arg13[%get3A_95] {strides = array<i32>} : memref<6256xi32, #tpu.memory_space<vmem>>, vector<16xi32>,
        %mul3A_97 = arith.constant 128 : i32
        %mul3A_98 = vector.broadcast %mul3A_97 : i32 to vector<16xi32>
        %mul3A_99 = arith.muli %get3A_92, %mul3A_98 : vector<16xi32>
        %add3A_100 = arith.addi %mul3A_99, %get3A_96 : vector<16xi32>
        %and3A = arith.constant 16383 : i32
        %and3A_101 = vector.broadcast %and3A : i32 to vector<16xi32>
        %and3A_102 = arith.andi %add3A_100, %and3A_101 : vector<16xi32>
        %gather3A = tpu.vector_load_idx %arg5[%and3A_102] : memref<16384xi32, #tpu.memory_space<vmem>>[vector<16xi32>], vector<16xi32>,
        %shift_right_arithmetic3A = arith.constant 14 : i32
        %shift_right_arithmetic3A_103 = vector.broadcast %shift_right_arithmetic3A : i32 to vector<16xi32>
        %shift_right_arithmetic3A_104 = arith.shrsi %add3A_100, %shift_right_arithmetic3A_103 : vector<16xi32>
        %and3A_105 = arith.constant 7 : i32
        %and3A_106 = vector.broadcast %and3A_105 : i32 to vector<16xi32>
        %and3A_107 = arith.andi %shift_right_arithmetic3A_104, %and3A_106 : vector<16xi32>
        %shift_left3A = arith.constant 2 : i32
        %shift_left3A_108 = vector.broadcast %shift_left3A : i32 to vector<16xi32>
        %shift_left3A_109 = arith.shli %and3A_107, %shift_left3A_108 : vector<16xi32>
        %shift_right_arithmetic3A_110 = arith.shrsi %gather3A, %shift_left3A_109 : vector<16xi32>
        %and3A_111 = arith.constant 15 : i32
        %and3A_112 = vector.broadcast %and3A_111 : i32 to vector<16xi32>
        %and3A_113 = arith.andi %shift_right_arithmetic3A_110, %and3A_112 : vector<16xi32>
        %ne3A = arith.constant 0 : i32
        %ne3A_114 = vector.broadcast %ne3A : i32 to vector<16xi32>
        %ne3A_115 = arith.cmpi ne, %get3A_94, %ne3A_114 : vector<16xi32>
        %ne3A_116 = arith.constant 1 : i32
        %ne3A_117 = vector.broadcast %ne3A_116 : i32 to vector<16xi32>
        %ne3A_118 = arith.cmpi ne, %get3A_94, %ne3A_117 : vector<16xi32>
        %and3A_119 = arith.andi %ne3A_115, %ne3A_118 : vector<16xi1>
        %and3A_120 = arith.constant 3 : i32
        %and3A_121 = vector.broadcast %and3A_120 : i32 to vector<16xi32>
        %and3A_122 = arith.andi %and3A_113, %and3A_121 : vector<16xi32>
        %sub3A_123 = arith.constant 1 : i32
        %sub3A_124 = vector.broadcast %sub3A_123 : i32 to vector<16xi32>
        %sub3A_125 = arith.subi %and3A_122, %sub3A_124 : vector<16xi32>
        %jit3A = arith.constant 0 : i32
        %broadcast_in_dim3A = vector.broadcast %jit3A : i32 to vector<16xi32>
        %select_n3A = arith.select %and3A_119, %sub3A_125, %broadcast_in_dim3A : vector<16xi1>, vector<16xi32>
        %shift_right_arithmetic3A_126 = arith.constant 2 : i32
        %shift_right_arithmetic3A_127 = vector.broadcast %shift_right_arithmetic3A_126 : i32 to vector<16xi32>
        %shift_right_arithmetic3A_128 = arith.shrsi %and3A_113, %shift_right_arithmetic3A_127 : vector<16xi32>
        %sub3A_129 = arith.constant 1 : i32
        %sub3A_130 = vector.broadcast %sub3A_129 : i32 to vector<16xi32>
        %sub3A_131 = arith.subi %shift_right_arithmetic3A_128, %sub3A_130 : vector<16xi32>
        %jit3A_132 = arith.constant 0 : i32
        %broadcast_in_dim3A_133 = vector.broadcast %jit3A_132 : i32 to vector<16xi32>
        %select_n3A_134 = arith.select %and3A_119, %sub3A_131, %broadcast_in_dim3A_133 : vector<16xi1>, vector<16xi32>
        %get3A_135 = arith.index_cast %mul3A_91 : i32 to index
        %get3A_136 = tpu.vector_load %arg7[%get3A_135] {strides = array<i32>} : memref<6256xi32, #tpu.memory_space<vmem>>, vector<16xi32>,
        %add3A_137 = arith.addi %get3A_136, %select_n3A : vector<16xi32>
        %swap3A = arith.index_cast %mul3A_91 : i32 to index
        %swap3A_138 = tpu.vector_load %arg7[%swap3A] {strides = array<i32>} : memref<6256xi32, #tpu.memory_space<vmem>>, vector<16xi32>,
        tpu.vector_store %arg7[%swap3A], %add3A_137 {strides = array<i32>} : memref<6256xi32, #tpu.memory_space<vmem>>, vector<16xi32>,
        %get3A_139 = arith.index_cast %mul3A_91 : i32 to index
        %get3A_140 = tpu.vector_load %arg8[%get3A_139] {strides = array<i32>} : memref<6256xi32, #tpu.memory_space<vmem>>, vector<16xi32>,
        %add3A_141 = arith.addi %get3A_140, %select_n3A_134 : vector<16xi32>
        %swap3A_142 = arith.index_cast %mul3A_91 : i32 to index
        %swap3A_143 = tpu.vector_load %arg8[%swap3A_142] {strides = array<i32>} : memref<6256xi32, #tpu.memory_space<vmem>>, vector<16xi32>,
        tpu.vector_store %arg8[%swap3A_142], %add3A_141 {strides = array<i32>} : memref<6256xi32, #tpu.memory_space<vmem>>, vector<16xi32>,
      }
      %scan3A_72 = arith.constant 391 : i32
      %add3A_73 = arith.constant 0 : i32
      %add3A_74 = arith.addi %add3A_73, %add3A_50 : i32
      "tpu.region"() ({
        %run_scoped3A = tpu.sem_alloc : memref<!tpu.dma_semaphore, #tpu.memory_space<semaphore_mem>>
        %dma_start3A = arith.constant 0 : i32
        %dma_start3A_89 = tpu.memref_slice %arg6[%dma_start3A] : memref<6256xi32, #tpu.memory_space<vmem>> -> memref<6256xi32, #tpu.memory_space<vmem>>
        %dma_start3A_90 = tpu.memref_slice %arg4[%add3A_74] : memref<3200000xi32, #tpu.memory_space<hbm>> -> memref<6256xi32, #tpu.memory_space<hbm>>
        %dma_start3A_91 = tpu.memref_slice %arg4[%add3A_74] : memref<3200000xi32, #tpu.memory_space<hbm>> -> memref<6256xi32, #tpu.memory_space<hbm>>
        %dma_start3A_92 = arith.constant 0 : i32
        %dma_start3A_93 = tpu.memref_slice %arg6[%dma_start3A_92] : memref<6256xi32, #tpu.memory_space<vmem>> -> memref<6256xi32, #tpu.memory_space<vmem>>
        tpu.enqueue_dma source(%dma_start3A_93 : memref<6256xi32, #tpu.memory_space<vmem>>) target(%dma_start3A_91 : memref<6256xi32, #tpu.memory_space<hbm>>) target_semaphore(%run_scoped3A : memref<!tpu.dma_semaphore, #tpu.memory_space<semaphore_mem>>)
        %dma_wait3A = arith.constant 0 : i32
        %dma_wait3A_94 = tpu.memref_slice %arg6[%dma_wait3A] : memref<6256xi32, #tpu.memory_space<vmem>> -> memref<6256xi32, #tpu.memory_space<vmem>>
        %dma_wait3A_95 = tpu.memref_slice %arg4[%add3A_74] : memref<3200000xi32, #tpu.memory_space<hbm>> -> memref<6256xi32, #tpu.memory_space<hbm>>
        %dma_wait3A_96 = tpu.memref_slice %arg4[%add3A_74] : memref<3200000xi32, #tpu.memory_space<hbm>> -> memref<6256xi32, #tpu.memory_space<hbm>>
        %dma_wait3A_97 = arith.constant 0 : i32
        %dma_wait3A_98 = tpu.memref_slice %arg6[%dma_wait3A_97] : memref<6256xi32, #tpu.memory_space<vmem>> -> memref<6256xi32, #tpu.memory_space<vmem>>
        tpu.wait_dma2 semaphore(%run_scoped3A : memref<!tpu.dma_semaphore, #tpu.memory_space<semaphore_mem>>) src(%dma_wait3A_98 : memref<6256xi32, #tpu.memory_space<vmem>>) dst(%dma_wait3A_96 : memref<6256xi32, #tpu.memory_space<hbm>>)
        tpu.yield
      }) : () -> ()
      %add3A_75 = arith.constant 400000 : i32
      %add3A_76 = arith.addi %add3A_75, %add3A_50 : i32
      "tpu.region"() ({
        %run_scoped3A = tpu.sem_alloc : memref<!tpu.dma_semaphore, #tpu.memory_space<semaphore_mem>>
        %dma_start3A = arith.constant 0 : i32
        %dma_start3A_89 = tpu.memref_slice %arg7[%dma_start3A] : memref<6256xi32, #tpu.memory_space<vmem>> -> memref<6256xi32, #tpu.memory_space<vmem>>
        %dma_start3A_90 = tpu.memref_slice %arg4[%add3A_76] : memref<3200000xi32, #tpu.memory_space<hbm>> -> memref<6256xi32, #tpu.memory_space<hbm>>
        %dma_start3A_91 = tpu.memref_slice %arg4[%add3A_76] : memref<3200000xi32, #tpu.memory_space<hbm>> -> memref<6256xi32, #tpu.memory_space<hbm>>
        %dma_start3A_92 = arith.constant 0 : i32
        %dma_start3A_93 = tpu.memref_slice %arg7[%dma_start3A_92] : memref<6256xi32, #tpu.memory_space<vmem>> -> memref<6256xi32, #tpu.memory_space<vmem>>
        tpu.enqueue_dma source(%dma_start3A_93 : memref<6256xi32, #tpu.memory_space<vmem>>) target(%dma_start3A_91 : memref<6256xi32, #tpu.memory_space<hbm>>) target_semaphore(%run_scoped3A : memref<!tpu.dma_semaphore, #tpu.memory_space<semaphore_mem>>)
        %dma_wait3A = arith.constant 0 : i32
        %dma_wait3A_94 = tpu.memref_slice %arg7[%dma_wait3A] : memref<6256xi32, #tpu.memory_space<vmem>> -> memref<6256xi32, #tpu.memory_space<vmem>>
        %dma_wait3A_95 = tpu.memref_slice %arg4[%add3A_76] : memref<3200000xi32, #tpu.memory_space<hbm>> -> memref<6256xi32, #tpu.memory_space<hbm>>
        %dma_wait3A_96 = tpu.memref_slice %arg4[%add3A_76] : memref<3200000xi32, #tpu.memory_space<hbm>> -> memref<6256xi32, #tpu.memory_space<hbm>>
        %dma_wait3A_97 = arith.constant 0 : i32
        %dma_wait3A_98 = tpu.memref_slice %arg7[%dma_wait3A_97] : memref<6256xi32, #tpu.memory_space<vmem>> -> memref<6256xi32, #tpu.memory_space<vmem>>
        tpu.wait_dma2 semaphore(%run_scoped3A : memref<!tpu.dma_semaphore, #tpu.memory_space<semaphore_mem>>) src(%dma_wait3A_98 : memref<6256xi32, #tpu.memory_space<vmem>>) dst(%dma_wait3A_96 : memref<6256xi32, #tpu.memory_space<hbm>>)
        tpu.yield
      }) : () -> ()
      %add3A_77 = arith.constant 800000 : i32
      %add3A_78 = arith.addi %add3A_77, %add3A_50 : i32
      "tpu.region"() ({
        %run_scoped3A = tpu.sem_alloc : memref<!tpu.dma_semaphore, #tpu.memory_space<semaphore_mem>>
        %dma_start3A = arith.constant 0 : i32
        %dma_start3A_89 = tpu.memref_slice %arg8[%dma_start3A] : memref<6256xi32, #tpu.memory_space<vmem>> -> memref<6256xi32, #tpu.memory_space<vmem>>
        %dma_start3A_90 = tpu.memref_slice %arg4[%add3A_78] : memref<3200000xi32, #tpu.memory_space<hbm>> -> memref<6256xi32, #tpu.memory_space<hbm>>
        %dma_start3A_91 = tpu.memref_slice %arg4[%add3A_78] : memref<3200000xi32, #tpu.memory_space<hbm>> -> memref<6256xi32, #tpu.memory_space<hbm>>
        %dma_start3A_92 = arith.constant 0 : i32
        %dma_start3A_93 = tpu.memref_slice %arg8[%dma_start3A_92] : memref<6256xi32, #tpu.memory_space<vmem>> -> memref<6256xi32, #tpu.memory_space<vmem>>
        tpu.enqueue_dma source(%dma_start3A_93 : memref<6256xi32, #tpu.memory_space<vmem>>) target(%dma_start3A_91 : memref<6256xi32, #tpu.memory_space<hbm>>) target_semaphore(%run_scoped3A : memref<!tpu.dma_semaphore, #tpu.memory_space<semaphore_mem>>)
        %dma_wait3A = arith.constant 0 : i32
        %dma_wait3A_94 = tpu.memref_slice %arg8[%dma_wait3A] : memref<6256xi32, #tpu.memory_space<vmem>> -> memref<6256xi32, #tpu.memory_space<vmem>>
        %dma_wait3A_95 = tpu.memref_slice %arg4[%add3A_78] : memref<3200000xi32, #tpu.memory_space<hbm>> -> memref<6256xi32, #tpu.memory_space<hbm>>
        %dma_wait3A_96 = tpu.memref_slice %arg4[%add3A_78] : memref<3200000xi32, #tpu.memory_space<hbm>> -> memref<6256xi32, #tpu.memory_space<hbm>>
        %dma_wait3A_97 = arith.constant 0 : i32
        %dma_wait3A_98 = tpu.memref_slice %arg8[%dma_wait3A_97] : memref<6256xi32, #tpu.memory_space<vmem>> -> memref<6256xi32, #tpu.memory_space<vmem>>
        tpu.wait_dma2 semaphore(%run_scoped3A : memref<!tpu.dma_semaphore, #tpu.memory_space<semaphore_mem>>) src(%dma_wait3A_98 : memref<6256xi32, #tpu.memory_space<vmem>>) dst(%dma_wait3A_96 : memref<6256xi32, #tpu.memory_space<hbm>>)
        tpu.yield
      }) : () -> ()
      %add3A_79 = arith.constant 1200000 : i32
      %add3A_80 = arith.addi %add3A_79, %add3A_50 : i32
      "tpu.region"() ({
        %run_scoped3A = tpu.sem_alloc : memref<!tpu.dma_semaphore, #tpu.memory_space<semaphore_mem>>
        %dma_start3A = arith.constant 0 : i32
        %dma_start3A_89 = tpu.memref_slice %arg9[%dma_start3A] : memref<6256xi32, #tpu.memory_space<vmem>> -> memref<6256xi32, #tpu.memory_space<vmem>>
        %dma_start3A_90 = tpu.memref_slice %arg4[%add3A_80] : memref<3200000xi32, #tpu.memory_space<hbm>> -> memref<6256xi32, #tpu.memory_space<hbm>>
        %dma_start3A_91 = tpu.memref_slice %arg4[%add3A_80] : memref<3200000xi32, #tpu.memory_space<hbm>> -> memref<6256xi32, #tpu.memory_space<hbm>>
        %dma_start3A_92 = arith.constant 0 : i32
        %dma_start3A_93 = tpu.memref_slice %arg9[%dma_start3A_92] : memref<6256xi32, #tpu.memory_space<vmem>> -> memref<6256xi32, #tpu.memory_space<vmem>>
        tpu.enqueue_dma source(%dma_start3A_93 : memref<6256xi32, #tpu.memory_space<vmem>>) target(%dma_start3A_91 : memref<6256xi32, #tpu.memory_space<hbm>>) target_semaphore(%run_scoped3A : memref<!tpu.dma_semaphore, #tpu.memory_space<semaphore_mem>>)
        %dma_wait3A = arith.constant 0 : i32
        %dma_wait3A_94 = tpu.memref_slice %arg9[%dma_wait3A] : memref<6256xi32, #tpu.memory_space<vmem>> -> memref<6256xi32, #tpu.memory_space<vmem>>
        %dma_wait3A_95 = tpu.memref_slice %arg4[%add3A_80] : memref<3200000xi32, #tpu.memory_space<hbm>> -> memref<6256xi32, #tpu.memory_space<hbm>>
        %dma_wait3A_96 = tpu.memref_slice %arg4[%add3A_80] : memref<3200000xi32, #tpu.memory_space<hbm>> -> memref<6256xi32, #tpu.memory_space<hbm>>
        %dma_wait3A_97 = arith.constant 0 : i32
        %dma_wait3A_98 = tpu.memref_slice %arg9[%dma_wait3A_97] : memref<6256xi32, #tpu.memory_space<vmem>> -> memref<6256xi32, #tpu.memory_space<vmem>>
        tpu.wait_dma2 semaphore(%run_scoped3A : memref<!tpu.dma_semaphore, #tpu.memory_space<semaphore_mem>>) src(%dma_wait3A_98 : memref<6256xi32, #tpu.memory_space<vmem>>) dst(%dma_wait3A_96 : memref<6256xi32, #tpu.memory_space<hbm>>)
        tpu.yield
      }) : () -> ()
      %add3A_81 = arith.constant 1600000 : i32
      %add3A_82 = arith.addi %add3A_81, %add3A_50 : i32
      "tpu.region"() ({
        %run_scoped3A = tpu.sem_alloc : memref<!tpu.dma_semaphore, #tpu.memory_space<semaphore_mem>>
        %dma_start3A = arith.constant 0 : i32
        %dma_start3A_89 = tpu.memref_slice %arg10[%dma_start3A] : memref<6256xi32, #tpu.memory_space<vmem>> -> memref<6256xi32, #tpu.memory_space<vmem>>
        %dma_start3A_90 = tpu.memref_slice %arg4[%add3A_82] : memref<3200000xi32, #tpu.memory_space<hbm>> -> memref<6256xi32, #tpu.memory_space<hbm>>
        %dma_start3A_91 = tpu.memref_slice %arg4[%add3A_82] : memref<3200000xi32, #tpu.memory_space<hbm>> -> memref<6256xi32, #tpu.memory_space<hbm>>
        %dma_start3A_92 = arith.constant 0 : i32
        %dma_start3A_93 = tpu.memref_slice %arg10[%dma_start3A_92] : memref<6256xi32, #tpu.memory_space<vmem>> -> memref<6256xi32, #tpu.memory_space<vmem>>
        tpu.enqueue_dma source(%dma_start3A_93 : memref<6256xi32, #tpu.memory_space<vmem>>) target(%dma_start3A_91 : memref<6256xi32, #tpu.memory_space<hbm>>) target_semaphore(%run_scoped3A : memref<!tpu.dma_semaphore, #tpu.memory_space<semaphore_mem>>)
        %dma_wait3A = arith.constant 0 : i32
        %dma_wait3A_94 = tpu.memref_slice %arg10[%dma_wait3A] : memref<6256xi32, #tpu.memory_space<vmem>> -> memref<6256xi32, #tpu.memory_space<vmem>>
        %dma_wait3A_95 = tpu.memref_slice %arg4[%add3A_82] : memref<3200000xi32, #tpu.memory_space<hbm>> -> memref<6256xi32, #tpu.memory_space<hbm>>
        %dma_wait3A_96 = tpu.memref_slice %arg4[%add3A_82] : memref<3200000xi32, #tpu.memory_space<hbm>> -> memref<6256xi32, #tpu.memory_space<hbm>>
        %dma_wait3A_97 = arith.constant 0 : i32
        %dma_wait3A_98 = tpu.memref_slice %arg10[%dma_wait3A_97] : memref<6256xi32, #tpu.memory_space<vmem>> -> memref<6256xi32, #tpu.memory_space<vmem>>
        tpu.wait_dma2 semaphore(%run_scoped3A : memref<!tpu.dma_semaphore, #tpu.memory_space<semaphore_mem>>) src(%dma_wait3A_98 : memref<6256xi32, #tpu.memory_space<vmem>>) dst(%dma_wait3A_96 : memref<6256xi32, #tpu.memory_space<hbm>>)
        tpu.yield
      }) : () -> ()
      %add3A_83 = arith.constant 2000000 : i32
      %add3A_84 = arith.addi %add3A_83, %add3A_50 : i32
      "tpu.region"() ({
        %run_scoped3A = tpu.sem_alloc : memref<!tpu.dma_semaphore, #tpu.memory_space<semaphore_mem>>
        %dma_start3A = arith.constant 0 : i32
        %dma_start3A_89 = tpu.memref_slice %arg11[%dma_start3A] : memref<6256xi32, #tpu.memory_space<vmem>> -> memref<6256xi32, #tpu.memory_space<vmem>>
        %dma_start3A_90 = tpu.memref_slice %arg4[%add3A_84] : memref<3200000xi32, #tpu.memory_space<hbm>> -> memref<6256xi32, #tpu.memory_space<hbm>>
        %dma_start3A_91 = tpu.memref_slice %arg4[%add3A_84] : memref<3200000xi32, #tpu.memory_space<hbm>> -> memref<6256xi32, #tpu.memory_space<hbm>>
        %dma_start3A_92 = arith.constant 0 : i32
        %dma_start3A_93 = tpu.memref_slice %arg11[%dma_start3A_92] : memref<6256xi32, #tpu.memory_space<vmem>> -> memref<6256xi32, #tpu.memory_space<vmem>>
        tpu.enqueue_dma source(%dma_start3A_93 : memref<6256xi32, #tpu.memory_space<vmem>>) target(%dma_start3A_91 : memref<6256xi32, #tpu.memory_space<hbm>>) target_semaphore(%run_scoped3A : memref<!tpu.dma_semaphore, #tpu.memory_space<semaphore_mem>>)
        %dma_wait3A = arith.constant 0 : i32
        %dma_wait3A_94 = tpu.memref_slice %arg11[%dma_wait3A] : memref<6256xi32, #tpu.memory_space<vmem>> -> memref<6256xi32, #tpu.memory_space<vmem>>
        %dma_wait3A_95 = tpu.memref_slice %arg4[%add3A_84] : memref<3200000xi32, #tpu.memory_space<hbm>> -> memref<6256xi32, #tpu.memory_space<hbm>>
        %dma_wait3A_96 = tpu.memref_slice %arg4[%add3A_84] : memref<3200000xi32, #tpu.memory_space<hbm>> -> memref<6256xi32, #tpu.memory_space<hbm>>
        %dma_wait3A_97 = arith.constant 0 : i32
        %dma_wait3A_98 = tpu.memref_slice %arg11[%dma_wait3A_97] : memref<6256xi32, #tpu.memory_space<vmem>> -> memref<6256xi32, #tpu.memory_space<vmem>>
        tpu.wait_dma2 semaphore(%run_scoped3A : memref<!tpu.dma_semaphore, #tpu.memory_space<semaphore_mem>>) src(%dma_wait3A_98 : memref<6256xi32, #tpu.memory_space<vmem>>) dst(%dma_wait3A_96 : memref<6256xi32, #tpu.memory_space<hbm>>)
        tpu.yield
      }) : () -> ()
      %add3A_85 = arith.constant 2400000 : i32
      %add3A_86 = arith.addi %add3A_85, %add3A_50 : i32
      "tpu.region"() ({
        %run_scoped3A = tpu.sem_alloc : memref<!tpu.dma_semaphore, #tpu.memory_space<semaphore_mem>>
        %dma_start3A = arith.constant 0 : i32
        %dma_start3A_89 = tpu.memref_slice %arg12[%dma_start3A] : memref<6256xi32, #tpu.memory_space<vmem>> -> memref<6256xi32, #tpu.memory_space<vmem>>
        %dma_start3A_90 = tpu.memref_slice %arg4[%add3A_86] : memref<3200000xi32, #tpu.memory_space<hbm>> -> memref<6256xi32, #tpu.memory_space<hbm>>
        %dma_start3A_91 = tpu.memref_slice %arg4[%add3A_86] : memref<3200000xi32, #tpu.memory_space<hbm>> -> memref<6256xi32, #tpu.memory_space<hbm>>
        %dma_start3A_92 = arith.constant 0 : i32
        %dma_start3A_93 = tpu.memref_slice %arg12[%dma_start3A_92] : memref<6256xi32, #tpu.memory_space<vmem>> -> memref<6256xi32, #tpu.memory_space<vmem>>
        tpu.enqueue_dma source(%dma_start3A_93 : memref<6256xi32, #tpu.memory_space<vmem>>) target(%dma_start3A_91 : memref<6256xi32, #tpu.memory_space<hbm>>) target_semaphore(%run_scoped3A : memref<!tpu.dma_semaphore, #tpu.memory_space<semaphore_mem>>)
        %dma_wait3A = arith.constant 0 : i32
        %dma_wait3A_94 = tpu.memref_slice %arg12[%dma_wait3A] : memref<6256xi32, #tpu.memory_space<vmem>> -> memref<6256xi32, #tpu.memory_space<vmem>>
        %dma_wait3A_95 = tpu.memref_slice %arg4[%add3A_86] : memref<3200000xi32, #tpu.memory_space<hbm>> -> memref<6256xi32, #tpu.memory_space<hbm>>
        %dma_wait3A_96 = tpu.memref_slice %arg4[%add3A_86] : memref<3200000xi32, #tpu.memory_space<hbm>> -> memref<6256xi32, #tpu.memory_space<hbm>>
        %dma_wait3A_97 = arith.constant 0 : i32
        %dma_wait3A_98 = tpu.memref_slice %arg12[%dma_wait3A_97] : memref<6256xi32, #tpu.memory_space<vmem>> -> memref<6256xi32, #tpu.memory_space<vmem>>
        tpu.wait_dma2 semaphore(%run_scoped3A : memref<!tpu.dma_semaphore, #tpu.memory_space<semaphore_mem>>) src(%dma_wait3A_98 : memref<6256xi32, #tpu.memory_space<vmem>>) dst(%dma_wait3A_96 : memref<6256xi32, #tpu.memory_space<hbm>>)
        tpu.yield
      }) : () -> ()
      %add3A_87 = arith.constant 2800000 : i32
      %add3A_88 = arith.addi %add3A_87, %add3A_50 : i32
      "tpu.region"() ({
        %run_scoped3A = tpu.sem_alloc : memref<!tpu.dma_semaphore, #tpu.memory_space<semaphore_mem>>
        %dma_start3A = arith.constant 0 : i32
        %dma_start3A_89 = tpu.memref_slice %arg13[%dma_start3A] : memref<6256xi32, #tpu.memory_space<vmem>> -> memref<6256xi32, #tpu.memory_space<vmem>>
        %dma_start3A_90 = tpu.memref_slice %arg4[%add3A_88] : memref<3200000xi32, #tpu.memory_space<hbm>> -> memref<6256xi32, #tpu.memory_space<hbm>>
        %dma_start3A_91 = tpu.memref_slice %arg4[%add3A_88] : memref<3200000xi32, #tpu.memory_space<hbm>> -> memref<6256xi32, #tpu.memory_space<hbm>>
        %dma_start3A_92 = arith.constant 0 : i32
        %dma_start3A_93 = tpu.memref_slice %arg13[%dma_start3A_92] : memref<6256xi32, #tpu.memory_space<vmem>> -> memref<6256xi32, #tpu.memory_space<vmem>>
        tpu.enqueue_dma source(%dma_start3A_93 : memref<6256xi32, #tpu.memory_space<vmem>>) target(%dma_start3A_91 : memref<6256xi32, #tpu.memory_space<hbm>>) target_semaphore(%run_scoped3A : memref<!tpu.dma_semaphore, #tpu.memory_space<semaphore_mem>>)
        %dma_wait3A = arith.constant 0 : i32
        %dma_wait3A_94 = tpu.memref_slice %arg13[%dma_wait3A] : memref<6256xi32, #tpu.memory_space<vmem>> -> memref<6256xi32, #tpu.memory_space<vmem>>
        %dma_wait3A_95 = tpu.memref_slice %arg4[%add3A_88] : memref<3200000xi32, #tpu.memory_space<hbm>> -> memref<6256xi32, #tpu.memory_space<hbm>>
        %dma_wait3A_96 = tpu.memref_slice %arg4[%add3A_88] : memref<3200000xi32, #tpu.memory_space<hbm>> -> memref<6256xi32, #tpu.memory_space<hbm>>
        %dma_wait3A_97 = arith.constant 0 : i32
        %dma_wait3A_98 = tpu.memref_slice %arg13[%dma_wait3A_97] : memref<6256xi32, #tpu.memory_space<vmem>> -> memref<6256xi32, #tpu.memory_space<vmem>>
        tpu.wait_dma2 semaphore(%run_scoped3A : memref<!tpu.dma_semaphore, #tpu.memory_space<semaphore_mem>>) src(%dma_wait3A_98 : memref<6256xi32, #tpu.memory_space<vmem>>) dst(%dma_wait3A_96 : memref<6256xi32, #tpu.memory_space<hbm>>)
        tpu.yield
      }) : () -> ()
    } else {
    }
    return
  }
}

module attributes {stable_mosaic.version = 14 : i64} {
  func.func @_tc_body(%arg0: memref<4096x128xi32, #tpu.memory_space<vmem>>, %arg1: memref<2048x128xi32, #tpu.memory_space<vmem>>, %arg2: memref<2048x128xi32, #tpu.memory_space<vmem>>, %arg3: memref<1024x128xf32, #tpu.memory_space<vmem>>, %arg4: memref<128x128xi32, #tpu.memory_space<vmem>>) attributes {dimension_semantics = [], scalar_prefetch = 0 : i64, scratch_operands = 0 : i64, tpu.core_type = #tpu.core_type<tc>} {
    %get3A = arith.constant 0 : index
    %get3A_0 = arith.constant 0 : index
    %get3A_1 = vector.load %arg0[%get3A, %get3A_0] : memref<4096x128xi32, #tpu.memory_space<vmem>>, vector<1024x128xi32>
    %get3A_2 = arith.constant 1024 : index
    %get3A_3 = arith.constant 0 : index
    %get3A_4 = vector.load %arg0[%get3A_2, %get3A_3] : memref<4096x128xi32, #tpu.memory_space<vmem>>, vector<1024x128xi32>
    %get3A_5 = arith.constant 2048 : index
    %get3A_6 = arith.constant 0 : index
    %get3A_7 = vector.load %arg0[%get3A_5, %get3A_6] : memref<4096x128xi32, #tpu.memory_space<vmem>>, vector<1024x128xi32>
    %get3A_8 = arith.constant 3072 : index
    %get3A_9 = arith.constant 0 : index
    %get3A_10 = vector.load %arg0[%get3A_8, %get3A_9] : memref<4096x128xi32, #tpu.memory_space<vmem>>, vector<1024x128xi32>
    %sub3A = arith.subi %get3A_7, %get3A_1 : vector<1024x128xi32>
    %jit3A = arith.constant -1 : i32
    %jit3A_11 = arith.constant 1 : i32
    %max3A = vector.broadcast %jit3A : i32 to vector<1024x128xi32>
    %max3A_12 = arith.maxsi %max3A, %sub3A : vector<1024x128xi32>
    %min3A = vector.broadcast %jit3A_11 : i32 to vector<1024x128xi32>
    %min3A_13 = arith.minsi %min3A, %max3A_12 : vector<1024x128xi32>
    %sub3A_14 = arith.subi %get3A_10, %get3A_4 : vector<1024x128xi32>
    %jit3A_15 = arith.constant -1 : i32
    %jit3A_16 = arith.constant 1 : i32
    %max3A_17 = vector.broadcast %jit3A_15 : i32 to vector<1024x128xi32>
    %max3A_18 = arith.maxsi %max3A_17, %sub3A_14 : vector<1024x128xi32>
    %min3A_19 = vector.broadcast %jit3A_16 : i32 to vector<1024x128xi32>
    %min3A_20 = arith.minsi %min3A_19, %max3A_18 : vector<1024x128xi32>
    %eq3A = arith.constant -100 : i32
    %eq3A_21 = vector.broadcast %eq3A : i32 to vector<1024x128xi32>
    %eq3A_22 = arith.cmpi eq, %get3A_1, %eq3A_21 : vector<1024x128xi32>
    %jit3A_23 = arith.constant 0 : i32
    %broadcast_in_dim3A = vector.broadcast %jit3A_23 : i32 to vector<1024x128xi32>
    %select_n3A = arith.select %eq3A_22, %broadcast_in_dim3A, %min3A_13 : vector<1024x128xi1>, vector<1024x128xi32>
    %eq3A_24 = arith.constant -100 : i32
    %eq3A_25 = vector.broadcast %eq3A_24 : i32 to vector<1024x128xi32>
    %eq3A_26 = arith.cmpi eq, %get3A_4, %eq3A_25 : vector<1024x128xi32>
    %jit3A_27 = arith.constant 0 : i32
    %broadcast_in_dim3A_28 = vector.broadcast %jit3A_27 : i32 to vector<1024x128xi32>
    %select_n3A_29 = arith.select %eq3A_26, %broadcast_in_dim3A_28, %min3A_20 : vector<1024x128xi1>, vector<1024x128xi32>
    %get3A_30 = arith.constant 0 : index
    %get3A_31 = arith.constant 0 : index
    %get3A_32 = vector.load %arg1[%get3A_30, %get3A_31] : memref<2048x128xi32, #tpu.memory_space<vmem>>, vector<1024x128xi32>
    %add3A = arith.addi %get3A_32, %select_n3A : vector<1024x128xi32>
    %swap3A = arith.constant 0 : index
    %swap3A_33 = arith.constant 0 : index
    %swap3A_34 = vector.load %arg2[%swap3A, %swap3A_33] : memref<2048x128xi32, #tpu.memory_space<vmem>>, vector<1024x128xi32>
    tpu.vector_store %arg2[%swap3A, %swap3A_33], %add3A {strides = array<i32>} : memref<2048x128xi32, #tpu.memory_space<vmem>>, vector<1024x128xi32>,
    %get3A_35 = arith.constant 1024 : index
    %get3A_36 = arith.constant 0 : index
    %get3A_37 = vector.load %arg1[%get3A_35, %get3A_36] : memref<2048x128xi32, #tpu.memory_space<vmem>>, vector<1024x128xi32>
    %add3A_38 = arith.addi %get3A_37, %select_n3A_29 : vector<1024x128xi32>
    %swap3A_39 = arith.constant 1024 : index
    %swap3A_40 = arith.constant 0 : index
    %swap3A_41 = vector.load %arg2[%swap3A_39, %swap3A_40] : memref<2048x128xi32, #tpu.memory_space<vmem>>, vector<1024x128xi32>
    tpu.vector_store %arg2[%swap3A_39, %swap3A_40], %add3A_38 {strides = array<i32>} : memref<2048x128xi32, #tpu.memory_space<vmem>>, vector<1024x128xi32>,
    %mul3A = arith.muli %select_n3A, %select_n3A : vector<1024x128xi32>
    %mul3A_42 = arith.muli %select_n3A_29, %select_n3A_29 : vector<1024x128xi32>
    %add3A_43 = arith.addi %mul3A, %mul3A_42 : vector<1024x128xi32>
    %convert_element_type3A = arith.sitofp %add3A_43 : vector<1024x128xi32> to vector<1024x128xf32>
    %sqrt3A = math.sqrt %convert_element_type3A : vector<1024x128xf32>
    %swap3A_44 = arith.constant 0 : index
    %swap3A_45 = arith.constant 0 : index
    %swap3A_46 = vector.load %arg3[%swap3A_44, %swap3A_45] : memref<1024x128xf32, #tpu.memory_space<vmem>>, vector<1024x128xf32>
    tpu.vector_store %arg3[%swap3A_44, %swap3A_45], %sqrt3A {strides = array<i32>} : memref<1024x128xf32, #tpu.memory_space<vmem>>, vector<1024x128xf32>,
    %add3A_47 = arith.constant 1 : i32
    %add3A_48 = vector.broadcast %add3A_47 : i32 to vector<1024x128xi32>
    %add3A_49 = arith.addi %select_n3A_29, %add3A_48 : vector<1024x128xi32>
    %shift_left3A = arith.constant 2 : i32
    %shift_left3A_50 = vector.broadcast %shift_left3A : i32 to vector<1024x128xi32>
    %shift_left3A_51 = arith.shli %add3A_49, %shift_left3A_50 : vector<1024x128xi32>
    %add3A_52 = arith.constant 1 : i32
    %add3A_53 = vector.broadcast %add3A_52 : i32 to vector<1024x128xi32>
    %add3A_54 = arith.addi %select_n3A, %add3A_53 : vector<1024x128xi32>
    %or3A = arith.ori %shift_left3A_51, %add3A_54 : vector<1024x128xi32>
    %slice3A = vector.extract_strided_slice %or3A {offsets = [0, 0], sizes = [128, 128], strides = [1, 1]} : vector<1024x128xi32> to vector<128x128xi32>
    %slice3A_55 = vector.extract_strided_slice %or3A {offsets = [128, 0], sizes = [128, 128], strides = [1, 1]} : vector<1024x128xi32> to vector<128x128xi32>
    %shift_left3A_56 = arith.constant 4 : i32
    %shift_left3A_57 = vector.broadcast %shift_left3A_56 : i32 to vector<128x128xi32>
    %shift_left3A_58 = arith.shli %slice3A_55, %shift_left3A_57 : vector<128x128xi32>
    %or3A_59 = arith.ori %slice3A, %shift_left3A_58 : vector<128x128xi32>
    %slice3A_60 = vector.extract_strided_slice %or3A {offsets = [256, 0], sizes = [128, 128], strides = [1, 1]} : vector<1024x128xi32> to vector<128x128xi32>
    %shift_left3A_61 = arith.constant 8 : i32
    %shift_left3A_62 = vector.broadcast %shift_left3A_61 : i32 to vector<128x128xi32>
    %shift_left3A_63 = arith.shli %slice3A_60, %shift_left3A_62 : vector<128x128xi32>
    %or3A_64 = arith.ori %or3A_59, %shift_left3A_63 : vector<128x128xi32>
    %slice3A_65 = vector.extract_strided_slice %or3A {offsets = [384, 0], sizes = [128, 128], strides = [1, 1]} : vector<1024x128xi32> to vector<128x128xi32>
    %shift_left3A_66 = arith.constant 12 : i32
    %shift_left3A_67 = vector.broadcast %shift_left3A_66 : i32 to vector<128x128xi32>
    %shift_left3A_68 = arith.shli %slice3A_65, %shift_left3A_67 : vector<128x128xi32>
    %or3A_69 = arith.ori %or3A_64, %shift_left3A_68 : vector<128x128xi32>
    %slice3A_70 = vector.extract_strided_slice %or3A {offsets = [512, 0], sizes = [128, 128], strides = [1, 1]} : vector<1024x128xi32> to vector<128x128xi32>
    %shift_left3A_71 = arith.constant 16 : i32
    %shift_left3A_72 = vector.broadcast %shift_left3A_71 : i32 to vector<128x128xi32>
    %shift_left3A_73 = arith.shli %slice3A_70, %shift_left3A_72 : vector<128x128xi32>
    %or3A_74 = arith.ori %or3A_69, %shift_left3A_73 : vector<128x128xi32>
    %slice3A_75 = vector.extract_strided_slice %or3A {offsets = [640, 0], sizes = [128, 128], strides = [1, 1]} : vector<1024x128xi32> to vector<128x128xi32>
    %shift_left3A_76 = arith.constant 20 : i32
    %shift_left3A_77 = vector.broadcast %shift_left3A_76 : i32 to vector<128x128xi32>
    %shift_left3A_78 = arith.shli %slice3A_75, %shift_left3A_77 : vector<128x128xi32>
    %or3A_79 = arith.ori %or3A_74, %shift_left3A_78 : vector<128x128xi32>
    %slice3A_80 = vector.extract_strided_slice %or3A {offsets = [768, 0], sizes = [128, 128], strides = [1, 1]} : vector<1024x128xi32> to vector<128x128xi32>
    %shift_left3A_81 = arith.constant 24 : i32
    %shift_left3A_82 = vector.broadcast %shift_left3A_81 : i32 to vector<128x128xi32>
    %shift_left3A_83 = arith.shli %slice3A_80, %shift_left3A_82 : vector<128x128xi32>
    %or3A_84 = arith.ori %or3A_79, %shift_left3A_83 : vector<128x128xi32>
    %slice3A_85 = vector.extract_strided_slice %or3A {offsets = [896, 0], sizes = [128, 128], strides = [1, 1]} : vector<1024x128xi32> to vector<128x128xi32>
    %shift_left3A_86 = arith.constant 28 : i32
    %shift_left3A_87 = vector.broadcast %shift_left3A_86 : i32 to vector<128x128xi32>
    %shift_left3A_88 = arith.shli %slice3A_85, %shift_left3A_87 : vector<128x128xi32>
    %or3A_89 = arith.ori %or3A_84, %shift_left3A_88 : vector<128x128xi32>
    %swap3A_90 = arith.constant 0 : index
    %swap3A_91 = arith.constant 0 : index
    %swap3A_92 = vector.load %arg4[%swap3A_90, %swap3A_91] : memref<128x128xi32, #tpu.memory_space<vmem>>, vector<128x128xi32>
    tpu.vector_store %arg4[%swap3A_90, %swap3A_91], %or3A_89 {strides = array<i32>} : memref<128x128xi32, #tpu.memory_space<vmem>>, vector<128x128xi32>,
    return
  }
}

</mosaic_0001>

<sc_bundles>
// kernel: kernel.4.cloned.1.call-start
scs
__scs_entry_jumppad:
0x0: {  	(pc) =	sbr.rel $0x88, $3  }
0x1: {  	(tag) =	ssettag $0x0;
	lr =	simm.s32 $0x1  }
0x2: {  	[smem:$0x3F9E] =	sst lr;
	_ =	strace $0xD0000000  }
0x3: {  	_ = 	snop  }
0x4: {  	_ = 	snop  }
0x5: {  	_ = 	snop  }
0x6: {  	_ = 	snop  }
0x7: {  	_ = 	snop  }
__scs_overlays_trampoline_lowered:
0x8: {  	[smem:$0x3FAD] =	sst s0  }
0x9: {  	[smem:$0x3FAE] =	sst s1  }
0xa: {  	[smem:$0x3FAF] =	sst s2  }
0xb: {  	[smem:$0x3FB0] =	sst s3  }
0xc: {  	[smem:$0x3FB1] =	sst s4  }
0xd: {  	[smem:$0x3FB2] =	sst s5  }
0xe: {  	[smem:$0x3FB3] =	sst s6  }
0xf: {  	[smem:$0x3FB4] =	sst s7  }
0x10: {  	[smem:$0x3FB5] =	sst s8  }
0x11: {  	[smem:$0x3FB6] =	sst s9;
	s0 =	simm.s32 @!p0 $0x0  }
0x12: {  	s1 =	sld [smem:$0x3F9C];
	s0 =	simm.s32 @p0 $0x1  }
0x13: {  	[smem:$0x3FB7] =	sst s0;
	s0 =	simm.s32 @!p1 $0x0  }
0x14: {  	s2 =	sld [smem:$0x3F9B];
	s0 =	simm.s32 @p1 $0x1  }
0x15: {  	[smem:$0x3FB8] =	sst s0;
	s0 =	simm.s32 @!p2 $0x0  }
0x16: {  	s3 =	sld [smem:$0x3FDB];
	s0 =	simm.s32 @p2 $0x1  }
0x17: {  	s4 =	simm.s32 $0x1BF5;
	[smem:$0x3FBA] =	sst s0  }
0x18: {  	s0 =	sld [smem:$0x3F9D];
	_ =	swait.ge [sflag:s4], $0x0  }
0x19: {  	s7 =	sld [smem:$0x3F9E]  }
0x1a: {  	s8 =	sadd.s32 $0xFFFFE003, lr  }
0x1b: {  	s9 =	sadd.s32 $0xFFFFFEF7, lr;
	s5 =	simm.s32 $0xFFFFFFFF;
	p2 =	slt.u32 s8, $0xFFFFF086  }
0x1c: {  	p1 =	slt.u32 s9, $0xF7A;
	s5 =	simm.s32 @!p2 $0x0  }
0x1d: {  	s5 =	simm.s32 @p1 $0x1;
	p0 =	seq.s32 s7, s2  }
0x1e: {  	s7 =	smul.u32 @!p0 $0xF7A, s2;
	p2 =	seq.s32 @!p0 s5, $0x0  }
0x1f: {  	s9 =	smul.u32 $0xF7A, s1;
	s8 =	simm.s32 @!p0 $0x1BF5;
	p2 =	por !p2, p0  }
0x20: {  	[sflag:s8] =	ssyncset.s32 @!p0 $0xFFFFF086;
	s6 =	sadd.s32 @!p0 s3, s7;
	s7 =	simm.s32 @!p0 $0x108  }
0x21: {  	s3 =	sadd.s32 s3, s9;
	s6 =	sadd.s32 @!p0 $0x88, s6;
	s7 =	simm.s32 @p2 $0x1082  }
0x22: {  	[simem:s7], [sflag:s8] =	dma.local @!p0 [hbm:s6], $0xF7A  }
0x23: {  	s9 =	sor.u32 $0xD0000000, s2;
	s6 =	simm.s32 $0x108;
	_ =	swait.ge @!p0 [sflag:s8], $0x0  }
0x24: {  	s3 =	sadd.s32 $0x88, s3;
	s6 =	simm.s32 @!p1 $0x1082;
	[sflag:s4] =	ssyncset.s32 $0xFFFFF086  }
0x25: {  	[simem:s6], [sflag:s4] =	dma.local [hbm:s3], $0xF7A  }
0x26: {  	[smem:$0x3F9E] =	sst s1;
	(tag) =	ssettag s2;
	_ =	strace s9  }
0x27: {  	s1 =	sld [smem:$0x3FAE]  }
0x28: {  	s2 =	sld [smem:$0x3FAF]  }
0x29: {  	s4 =	sld [smem:$0x3FB1]  }
0x2a: {  	p0 =	seq.s32 s5, $0x0;
	s5 =	sld [smem:$0x3FB2]  }
0x2b: {  	s6 =	sld [smem:$0x3FB3]  }
0x2c: {  	s7 =	sld [smem:$0x3FB4]  }
0x2d: {  	s3 =	simm.s32 $0x108;
	s8 =	sld [smem:$0x3FB5]  }
0x2e: {  	s3 =	simm.s32 @!p0 $0x1082;
	s9 =	sld [smem:$0x3FB6]  }
0x2f: {  	lr =	sadd.s32 s0, s3;
	s0 =	sld [smem:$0x3FAD]  }
0x30: {  	s3 =	sld [smem:$0x3FB0]  }
0x31: {  	[smem:$0x3FB9] =	sst s10  }
0x32: {  	s10 =	sld [smem:$0x3FB7];
	_ =	sdelay $0x3  }
0x33: {  	p0 =	seq.s32 s10, $0x1;
	s10 =	sld [smem:$0x3FB9];
	_ =	sdelay $0x3  }
0x34: {  	[smem:$0x3FB9] =	sst s10  }
0x35: {  	s10 =	sld [smem:$0x3FB8];
	_ =	sdelay $0x3  }
0x36: {  	p1 =	seq.s32 s10, $0x1;
	s10 =	sld [smem:$0x3FB9];
	_ =	sdelay $0x3  }
0x37: {  	[smem:$0x3FB9] =	sst s10  }
0x38: {  	s10 =	sld [smem:$0x3FBA]  }
0x39: {  	_ = 	snop;
	(pc) =	sbr.ind lr, $3  }
0x3a: {  	_ = 	snop  }
0x3b: {  	_ = 	snop  }
0x3c: {  	p2 =	seq.s32 s10, $0x1;
	s10 =	sld [smem:$0x3FB9]  }
0x3d: {  	_ =	shalt  }
0x3e: {  	_ =	shalt  }
0x3f: {  	_ =	shalt  }
0x40: {  	_ =	shalt  }
0x41: {  	_ =	shalt  }
0x42: {  	_ =	shalt  }
0x43: {  	_ =	shalt  }
0x44: {  	_ =	shalt  }
0x45: {  	_ =	shalt  }
0x46: {  	_ =	shalt  }
0x47: {  	_ =	shalt  }
0x48: {  	_ =	shalt  }
0x49: {  	_ =	shalt  }
0x4a: {  	_ =	shalt  }
0x4b: {  	_ =	shalt  }
0x4c: {  	_ =	shalt  }
0x4d: {  	_ =	shalt  }
0x4e: {  	_ =	shalt  }
0x4f: {  	_ =	shalt  }
0x50: {  	_ =	shalt  }
0x51: {  	_ =	shalt  }
0x52: {  	_ =	shalt  }
0x53: {  	_ =	shalt  }
0x54: {  	_ =	shalt  }
0x55: {  	_ =	shalt  }
0x56: {  	_ =	shalt  }
0x57: {  	_ =	shalt  }
0x58: {  	_ =	shalt  }
0x59: {  	_ =	shalt  }
0x5a: {  	_ =	shalt  }
0x5b: {  	_ =	shalt  }
0x5c: {  	_ =	shalt  }
0x5d: {  	_ =	shalt  }
0x5e: {  	_ =	shalt  }
0x5f: {  	_ =	shalt  }
0x60: {  	_ =	shalt  }
0x61: {  	_ =	shalt  }
0x62: {  	_ =	shalt  }
0x63: {  	_ =	shalt  }
0x64: {  	_ =	shalt  }
0x65: {  	_ =	shalt  }
0x66: {  	_ =	shalt  }
0x67: {  	_ =	shalt  }
0x68: {  	_ =	shalt  }
0x69: {  	_ =	shalt  }
0x6a: {  	_ =	shalt  }
0x6b: {  	_ =	shalt  }
0x6c: {  	_ =	shalt  }
0x6d: {  	_ =	shalt  }
0x6e: {  	_ =	shalt  }
0x6f: {  	_ =	shalt  }
0x70: {  	_ =	shalt  }
0x71: {  	_ =	shalt  }
0x72: {  	_ =	shalt  }
0x73: {  	_ =	shalt  }
0x74: {  	_ =	shalt  }
0x75: {  	_ =	shalt  }
0x76: {  	_ =	shalt  }
0x77: {  	_ =	shalt  }
0x78: {  	_ =	shalt  }
0x79: {  	_ =	shalt  }
0x7a: {  	_ =	shalt  }
0x7b: {  	_ =	shalt  }
0x7c: {  	_ =	shalt  }
0x7d: {  	_ =	shalt  }
0x7e: {  	_ =	shalt  }
0x7f: {  	_ =	shalt  }
0x80: {  	_ =	shalt  }
0x81: {  	_ =	shalt  }
0x82: {  	_ =	shalt  }
0x83: {  	_ =	shalt  }
0x84: {  	_ =	shalt  }
0x85: {  	_ =	shalt  }
0x86: {  	_ =	shalt  }
0x87: {  	_ =	shalt  }
.Lfunc_end0:
.L_simem_size_0:
called_computation_lowered:
.L_overlay_start_0:
0x88: {  	s2 =	sld [smem:$0x3FD9]  }
0x89: {  	s3 =	sld [smem:$0x3FFE];
	_ =	sdelay $0x1  }
0x8a: {  	s1 =	srdreg.scid  }
0x8b: {  	s0 =	sand.u32 $0x1, s1  }
0x8c: {  	s14 =	sshll.u32 s0, $0xA;
	s2 =	sadd.s32 s3, s2  }
0x8d: {  	s2 =	sadd.s32 s2, s14  }
0x8e: {  	[smem:$0x3FC5] =	sst s2  }
0x8f: {  	_ = 	snop  }
0x90: {  	s2 =	sld [smem:$0x3FD0];
	_ =	sdelay $0x2  }
0x91: {  	s15 =	simm.s32 $0xA;
	s4 =	simm.s32 $0x10  }
0x92: {  	[smem:s4], [sflag:s15] =	dma.local [hbm:s2], $0x1  }
0x93: {  	_ =	swait.eq [sflag:s15], $0x1  }
0x94: {  	[sflag:s15] =	ssyncset.done $0x0  }
0x95: {  	[sflag:s15] =	ssyncadd.s32 $0xFFFFFFFF  }
0x96: {  	s16 =	sld [smem:$0x11];
	(tm) =	ssettm $0x1  }
0x97: {  	s17 =	sld [smem:$0x3FFB];
	_ =	sdelay $0x3  }
0x98: {  	_ =	strace s17  }
0x99: {  	s3 =	sld [smem:$0x3FFC];
	_ =	sdelay $0x3  }
0x9a: {  	_ =	strace s3  }
0x9b: {  	s3 =	sld [smem:$0x3FFD];
	_ =	sdelay $0x3  }
0x9c: {  	_ =	strace s3  }
0x9d: {  	_ =	strace $0x8FFFFFFF  }
0x9e: {  	s18 =	sld [smem:$0x3FDB];
	_ =	sdelay $0x1  }
0x9f: {  	s19 =	simm.s32 $_scs_section_size  }
0xa0: {  	s5 =	simm.s32 $_size__tile_overlayer_lowered;
	s6 =	simm.s32 $_tile_overlayer_lowered  }
0xa1: {  	s22 =	simm.s32 $0x1BFF;
	s21 =	sshll.u32 s6, $0x1;
	s3 =	sadd.s32 s19, s18  }
0xa2: {  	s7 =	simm.s32 $0x0;
	s20 =	sshll.u32 s5, $0x1;
	s5 =	sadd.s32 s21, s3  }
0xa3: {  	[timem:s7], [sflag:s22] =	dma.local [hbm:s5], s20  }
0xa4: {  	_ =	swait.ge [sflag:s22], s20  }
0xa5: {  	s4 =	ssub.s32 $0x0, s20;
	[sflag:s22] =	ssyncset.done $0x0  }
0xa6: {  	[sflag:s22] =	ssyncadd.s32 s4;
	_ =	sdelay $0x1  }
0xa7: {  	s23 =	simm.s32 $0x1B8B  }
0xa8: {  	_ =	swait.ge [sflag:s23], $0x1  }
0xa9: {  	[sflag:s23] =	ssyncset.done $0x0  }
0xaa: {  	s25 =	simm.s32 $0x1B8E;
	s24 =	sld [smem:$0x3FFE];
	[sflag:s23] =	ssyncadd.s32 $0xFFFFFFFF  }
0xab: {  	s26 =	simm.s32 $execute0_lowered;
	[smem:$0x3FD2] =	sst s25  }
0xac: {  	s5 =	sshll.u32 s26, $0x1;
	_ =	strace $0x80000046;
	[dreg:$0x1] =	wrdreg $0xFFFFFFFF  }
0xad: {  	s28 =	simm.s32 $_size_execute0_lowered;
	s3 =	sadd.s32 s3, s5;
	[dreg:$0x0] =	wrdreg $0x0  }
0xae: {  	s5 =	sshll.u32 s28, $0x1;
	[dreg:$0x2] =	wrdreg s3  }
0xaf: {  	[dreg:$0x3] =	wrdreg s5  }
0xb0: {  	[dreg:$0x4] =	wrdreg $0xC0  }
0xb1: {  	_ =	task [dreg:s7], $0x5FFFF  }
0xb2: {  	[dreg:$0x1] =	wrdreg $0xFFFFFFFF  }
0xb3: {  	[dreg:$0x0] =	wrdreg $0x60  }
0xb4: {  	[dreg:$0x2] =	wrdreg s16  }
0xb5: {  	[dreg:$0x3] =	wrdreg s24  }
0xb6: {  	[dreg:$0x4] =	wrdreg $0x9  }
0xb7: {  	_ =	task.clear_ibuf [dreg:s7], $0x5FFFF;
	_ =	strace $0x90000046  }
0xb8: {  	s29 =	simm.s32 $0x9;
	_ =	strace $0x80000048  }
0xb9: {  	_ =	swait.ge [sflag:s29], $0x1  }
0xba: {  	[sflag:s29] =	ssyncadd.s32 $0xFFFFFFFF  }
0xbb: {  	_ =	strace $0x90000048  }
0xbc: {  	_ =	sfence  }
0xbd: {  	s30 =	sld [smem:$0x0];
	_ =	sdelay $0x2  }
0xbe: {  	s31 =	sshll.u32 s1, $0xD;
	s1 =	sshrl.u32 s1, $0x2  }
0xbf: {  	s3 =	sand.u32 $0x4000, s31;
	s1 =	sadd.s32 s1, s30  }
0xc0: {  	s0 =	sor.u32 s3, s0;
	s1 =	sshll.u32 s1, $0x11  }
0xc1: {  	s0 =	sor.u32 s1, s0  }
0xc2: {  	s0 =	sadd.s32 $0x8F2B, s0  }
0xc3: {  	[sflag:s0] =	ssyncadd.remote.s32 $0x1  }
0xc4: {  	_ =	sfence.sel $0xFFFF  }
0xc5: {  	[dreg:$0x0] =	wrdreg $0xFFFFFFFF;
	(pc) =	sbr.abs _section_cstart, $3  }
0xc6: {  	[dreg:$0x1] =	wrdreg $0xFFFFFFFF  }
0xc7: {  	_ =	task.clear_ibuf [dreg:s7], $0x2FFFF;
	_ =	strace $0x9FFFFFFF  }
0xc8: {  	(tm) =	ssettm $0x7FFFFFFF  }
0xc9: {  	_ =	shalt  }
tec
execute0_lowered:
.L_overlay_start_1:
0x0: {  	(tag) =	ssettag $0x1  }
0x1: {  	s0 =	srdreg.scid;
	s15 =	stileid.u32  }
0x2: {  	s2 =	sand.u32 $0x1, s0;
	s1 =	sshll.u32 s15, $0x1  }
0x3: {  	s3 =	sor.u32 s2, s1  }
0x4: {  	s6 =	rddreg [dreg:$0x1];
	s4 =	smul.u32 $0x30D8, s3  }
0x5: {  	s0 =	rddreg [dreg:$0x0]  }
0x6: {  	s5 =	sadd.s32 $0x1000, s6;
	s1 =	simm.s32 $0x0;
	s8 =	sadd.s32 $0xFFFFFF80, s4  }
0x7: {  	s2 =	ssub.s32 $0x2, s2;
	s9 =	sshrl.u32 s4, $0x3;
	s18 =	sshrl.u32 s8, $0x3  }
0x8: {  	[smem:$0x7FF] =	sst s1;
	s19 =	sadd.s32 $0xC340, s9;
	s10 =	sadd.s32 s0, s18  }
0x9: {  	s21 =	sadd.s32 $0x18690, s9;
	s20 =	sadd.s32 s0, s19;
	[dreg:$0x3] =	wrdreg s10  }
0xa: {  	s22 =	sadd.s32 $0x249E0, s9;
	s11 =	sadd.s32 s0, s21;
	[dreg:$0x4] =	wrdreg s20  }
0xb: {  	s12 =	sadd.s32 $0x30D30, s9;
	s13 =	sadd.s32 s0, s22;
	[dreg:$0x5] =	wrdreg s11  }
0xc: {  	s24 =	sadd.s32 $0x3D080, s9;
	s23 =	sadd.s32 s0, s12;
	[dreg:$0x6] =	wrdreg s13  }
0xd: {  	s25 =	sadd.s32 $0x493D0, s9;
	s14 =	sadd.s32 s0, s24;
	[dreg:$0x7] =	wrdreg s23  }
0xe: {  	s9 =	sadd.s32 $0x55720, s9;
	s16 =	sadd.s32 s0, s25;
	[dreg:$0x8] =	wrdreg s14  }
0xf: {  	s7 =	sshrl.u32 s2, $0x1;
	s26 =	sadd.s32 s0, s9;
	[dreg:$0x9] =	wrdreg s16  }
0x10: {  	s7 =	ssub.s32 s2, s7;
	s2 =	sadd.s32 s5, s18;
	[dreg:$0xa] =	wrdreg s26  }
0x11: {  	s8 =	sadd.s32 s5, s19;
	[dreg:$0xb] =	wrdreg s2  }
0x12: {  	s12 =	sadd.s32 s5, s12;
	[dreg:$0xc] =	wrdreg s8  }
0x13: {  	s17 =	sadd.s32 s5, s9;
	[dreg:$0xf] =	wrdreg s12  }
0x14: {  	s10 =	sadd.s32 s5, s21;
	[dreg:$0x12] =	wrdreg s17  }
0x15: {  	s18 =	sadd.s32 $0x17E8, s4;
	s11 =	sadd.s32 s5, s22;
	[dreg:$0xd] =	wrdreg s10  }
0x16: {  	s19 =	sadd.s32 $0x63268, s4;
	s13 =	sadd.s32 s5, s24;
	[dreg:$0xe] =	wrdreg s11  }
0x17: {  	s16 =	sadd.s32 s5, s25;
	s2 =	sshrl.u32 s18, $0x3;
	[dreg:$0x10] =	wrdreg s13  }
0x18: {  	s8 =	sshrl.u32 s19, $0x3;
	[dreg:$0x11] =	wrdreg s16;
	s25 =	sadd.s32 s0, s2  }
0x19: {  	s20 =	sadd.s32 $0xC4CE8, s4;
	s2 =	sadd.s32 s5, s2;
	[dreg:$0x13] =	wrdreg s25  }
0x1a: {  	s21 =	sadd.s32 $0x126768, s4;
	s26 =	sadd.s32 s0, s8;
	[dreg:$0x14] =	wrdreg s2  }
0x1b: {  	s9 =	sshrl.u32 s20, $0x3;
	s14 =	sadd.s32 s5, s8;
	[dreg:$0x15] =	wrdreg s26  }
0x1c: {  	s22 =	sadd.s32 $0x1881E8, s4;
	[dreg:$0x16] =	wrdreg s14;
	s16 =	sadd.s32 s0, s9  }
0x1d: {  	s10 =	sshrl.u32 s21, $0x3;
	s17 =	sadd.s32 s5, s9;
	[dreg:$0x17] =	wrdreg s16  }
0x1e: {  	s23 =	sadd.s32 $0x1E9C68, s4;
	s18 =	sadd.s32 s0, s10;
	[dreg:$0x18] =	wrdreg s17  }
0x1f: {  	s11 =	sshrl.u32 s22, $0x3;
	s19 =	sadd.s32 s5, s10;
	[dreg:$0x19] =	wrdreg s18  }
0x20: {  	s24 =	sadd.s32 $0x24B6E8, s4;
	s20 =	sadd.s32 s0, s11;
	[dreg:$0x1a] =	wrdreg s19  }
0x21: {  	s12 =	sshrl.u32 s23, $0x3;
	s21 =	sadd.s32 s5, s11;
	[dreg:$0x1b] =	wrdreg s20  }
0x22: {  	s4 =	sadd.s32 $0x2AD168, s4;
	s22 =	sadd.s32 s0, s12;
	[dreg:$0x1c] =	wrdreg s21  }
0x23: {  	s13 =	sshrl.u32 s24, $0x3;
	s23 =	sadd.s32 s5, s12;
	[dreg:$0x1d] =	wrdreg s22  }
0x24: {  	s4 =	sshrl.u32 s4, $0x3;
	s24 =	sadd.s32 s0, s13;
	[dreg:$0x1e] =	wrdreg s23  }
0x25: {  	s2 =	smul.u32 $0x30D0, s3;
	s25 =	sadd.s32 s5, s13;
	[dreg:$0x1f] =	wrdreg s24  }
0x26: {  	s9 =	sadd.s32 s0, s4;
	[smem:$0x7E9] =	sst s25  }
0x27: {  	s4 =	sadd.s32 s5, s4;
	[smem:$0x7EA] =	sst s9;
	s26 =	sshrl.u32 s2, $0x3  }
0x28: {  	[smem:$0x7EB] =	sst s4;
	s10 =	sadd.s32 s0, s26  }
0x29: {  	s11 =	sadd.s32 $0xC350, s26;
	s3 =	sadd.s32 s5, s26;
	[smem:$0x7EC] =	sst s10  }
0x2a: {  	s6 =	sadd.s32 $0x800, s6;
	[smem:$0x7ED] =	sst s3;
	s19 =	sadd.s32 s0, s11  }
0x2b: {  	s12 =	sadd.s32 $0x186A0, s26;
	s20 =	sadd.s32 s5, s11;
	[smem:$0x7EE] =	sst s19  }
0x2c: {  	p0 =	sgt.u32 s15, $0x7;
	s21 =	sadd.s32 s0, s12;
	[smem:$0x7EF] =	sst s20  }
0x2d: {  	s13 =	sadd.s32 $0x249F0, s26;
	s22 =	sadd.s32 s5, s12;
	[smem:$0x7F0] =	sst s21  }
0x2e: {  	s14 =	sadd.s32 $0x30D40, s26;
	s23 =	sadd.s32 s0, s13;
	[smem:$0x7F1] =	sst s22  }
0x2f: {  	s16 =	sadd.s32 $0x3D090, s26;
	s24 =	sadd.s32 s5, s13;
	[smem:$0x7F2] =	sst s23  }
0x30: {  	s17 =	sadd.s32 $0x493E0, s26;
	s25 =	sadd.s32 s0, s14;
	[smem:$0x7F3] =	sst s24  }
0x31: {  	s18 =	sadd.s32 $0x55730, s26;
	s26 =	sadd.s32 s5, s14;
	[smem:$0x7F4] =	sst s25  }
0x32: {  	s15 =	simm.s32 $0xD300;
	s4 =	sadd.s32 s0, s16;
	[smem:$0x7F5] =	sst s26  }
0x33: {  	s7 =	smax.u32 s7, $0x1;
	s8 =	sadd.s32 s5, s16;
	[smem:$0x7F6] =	sst s4  }
0x34: {  	s9 =	sadd.s32 s0, s17;
	s10 =	sadd.s32 s5, s17;
	[smem:$0x7F7] =	sst s8  }
0x35: {  	s11 =	sadd.s32 s0, s18;
	s12 =	sadd.s32 s5, s18;
	[smem:$0x7F8] =	sst s9  }
0x36: {  	s13 =	sadd.s32 $0x1868, s2;
	s14 =	sadd.s32 $0x632E8, s2;
	[smem:$0x7F9] =	sst s10  }
0x37: {  	s16 =	sadd.s32 $0xC4D68, s2;
	s17 =	sadd.s32 $0x1267E8, s2;
	[smem:$0x7FA] =	sst s11  }
0x38: {  	s18 =	sadd.s32 $0x188268, s2;
	[smem:$0x7FB] =	sst s12;
	s3 =	sshrl.u32 s13, $0x3  }
0x39: {  	s4 =	sshrl.u32 s14, $0x3;
	s8 =	sshrl.u32 s16, $0x3;
	s9 =	sshrl.u32 s17, $0x3  }
0x3a: {  	s10 =	sshrl.u32 s18, $0x3;
	s19 =	sadd.s32 $0x1E9CE8, s2;
	s20 =	sadd.s32 $0x24B768, s2  }
0x3b: {  	s2 =	sadd.s32 $0x2AD1E8, s2;
	s13 =	simm.s32 $0xA200;
	s14 =	simm.s32 $0xBA80  }
0x3c: {  	s16 =	simm.s32 $0xEB80;
	s17 =	simm.s32 $0x0;
	s11 =	sshrl.u32 s19, $0x3  }
0x3d: {  	s12 =	sshrl.u32 s20, $0x3;
	s21 =	sshrl.u32 s2, $0x3;
	s25 =	sadd.s32 s0, s3  }
0x3e: {  	s26 =	sadd.s32 s0, s4;
	s22 =	sadd.s32 s0, s8;
	s23 =	sadd.s32 s0, s9  }
0x3f: {  	s24 =	sadd.s32 s0, s10;
	s29 =	sadd.s32 s5, s3;
	s30 =	sadd.s32 s5, s4  }
0x40: {  	s31 =	sadd.s32 s5, s8;
	s2 =	sadd.s32 s5, s10;
	s8 =	simm.s32 $0x1  }
.Ltmp0:
0x41: {  	s10 =	simm.s32 $0x5880;
	[smem:$0x7FC] =	sst s25;
	(pc) =	sbr.rel .LBB2_1-.Ltmp0, $4  }
0x42: {  	[smem:$0x7FD] =	sst s26;
	s25 =	sadd.s32 s0, s11;
	s26 =	sadd.s32 s0, s12  }
0x43: {  	s28 =	sadd.s32 s0, s21;
	s0 =	sadd.s32 s5, s9;
	s3 =	sadd.s32 s5, s11  }
0x44: {  	s4 =	sadd.s32 s5, s12;
	s5 =	sadd.s32 s5, s21;
	s9 =	simm.s32 $0x4000  }
0x45: {  	s11 =	simm.s32 $0x7100;
	s12 =	simm.s32 $0x8980;
	_ =	strace $0x80000047  }
.LBB2_11:
0x46: {  	_ =	sdelay $0x3  }
0x47: {  	v2 =	vld.idx.msk [tilespmem:v2+s1+$0x0], $0xffff  }
0x48: {  	v4 =	vld [tilespmem:s18+$0xEB80];
	_ =	sdelay $0x2  }
0x49: {  	v0 =	vshrl.u32 v0, $0xC  }
0x4a: {  	v3 =	vshll.u32 v3, $0x7;
	vm0 =	vgt.u32 v1, $0x1;
	v56 =	vld [tilespmem:s19+$0x5880];
	v0 =	vand.u32 $0x1C, v0  }
0x4b: {  	v57 =	vld [tilespmem:s19+$0x7100];
	v3 =	vadd.s32 v3, v4;
	v4 =	vand.u32 $0x7F, v4;
	v0 =	vshra.s32 v2, v0  }
0x4c: {  	v5 =	vand.u32 $0x3F80, v3;
	v6 =	vand.u32 $0x3, v0;
	v0 =	vshrl.u32 v0, $0x2  }
0x4d: {  	v4 =	vor.u32 v4, v5;
	v58 =	vadd.s32 $0xFFFFFFFF, v6;
	v0 =	vand.u32 $0x3, v0  }
0x4e: {  	v5 =	vnsel vm0, $0x0, v58;
	v0 =	vadd.s32 $0xFFFFFFFF, v0  }
0x4f: {  	v0 =	vnsel vm0, $0x0, v0;
	v1 =	vadd.s32 v56, v5  }
0x50: {  	v59 =	vld [tilespmem:s18+$0xD300];
	[tilespmem:s19+$0x5880] =	vst v1;
	v0 =	vadd.s32 v57, v0  }
0x51: {  	[tilespmem:s19+$0x7100] =	vst v0  }
0x52: {  	v0 =	vld.idx.msk [tilespmem:v4+s1+$0x0], $0xffff;
	_ =	sdelay $0x2  }
0x53: {  	v60 =	vshrl.u32 v3, $0xC  }
0x54: {  	v1 =	vand.u32 $0x1C, v60;
	v61 =	vld [tilespmem:s18+$0x5880]  }
0x55: {  	v62 =	vld [tilespmem:s18+$0x7100];
	v0 =	vshra.s32 v0, v1  }
0x56: {  	v63 =	vand.u32 $0x3, v0;
	v0 =	vshrl.u32 v0, $0x2  }
0x57: {  	vm15 =	vgt.u32 v59, $0x1;
	v3 =	vadd.s32 $0xFFFFFFFF, v63;
	v0 =	vand.u32 $0x3, v0  }
0x58: {  	v3 =	vnsel vm15, $0x0, v3;
	v0 =	vadd.s32 $0xFFFFFFFF, v0  }
0x59: {  	v0 =	vnsel vm15, $0x0, v0;
	v2 =	vadd.s32 v61, v3  }
0x5a: {  	[tilespmem:s18+$0x5880] =	vst v2;
	v0 =	vadd.s32 v62, v0  }
0x5b: {  	s20 =	rddreg [dreg:$0x14];
	[tilespmem:s18+$0x7100] =	vst v0  }
0x5c: {  	[hbm4b:s20+s1] =	stream.linear.scatter [tilespmem:s9], [sflag:$0x1], $0x1870, $0x38;
	[tilespmem:$0x10400] =	vst v63  }
0x5d: {  	_ =	swait.ge [sflag:s8], $0x1870  }
0x5e: {  	[sflag:s8] =	ssyncset.done $0x0  }
0x5f: {  	s21 =	rddreg [dreg:$0x16];
	[sflag:s8] =	ssyncadd.s32 $0xFFFFE790  }
0x60: {  	[hbm4b:s21+s1] =	stream.linear.scatter [tilespmem:s10], [sflag:$0x1], $0x1870, $0x38;
	[tilespmem:$0x10400] =	vst v63  }
0x61: {  	_ =	swait.ge [sflag:s8], $0x1870  }
0x62: {  	[sflag:s8] =	ssyncset.done $0x0  }
0x63: {  	s19 =	rddreg [dreg:$0x18];
	[sflag:s8] =	ssyncadd.s32 $0xFFFFE790  }
0x64: {  	[hbm4b:s19+s1] =	stream.linear.scatter [tilespmem:s11], [sflag:$0x1], $0x1870, $0x38;
	[tilespmem:$0x10400] =	vst v63  }
0x65: {  	_ =	swait.ge [sflag:s8], $0x1870  }
0x66: {  	[sflag:s8] =	ssyncset.done $0x0  }
0x67: {  	s20 =	rddreg [dreg:$0x1a];
	[sflag:s8] =	ssyncadd.s32 $0xFFFFE790  }
0x68: {  	[hbm4b:s20+s1] =	stream.linear.scatter [tilespmem:s12], [sflag:$0x1], $0x1870, $0x38;
	[tilespmem:$0x10400] =	vst v63  }
0x69: {  	_ =	swait.ge [sflag:s8], $0x1870  }
0x6a: {  	[sflag:s8] =	ssyncset.done $0x0  }
0x6b: {  	s21 =	rddreg [dreg:$0x1c];
	[sflag:s8] =	ssyncadd.s32 $0xFFFFE790  }
0x6c: {  	[hbm4b:s21+s1] =	stream.linear.scatter [tilespmem:s13], [sflag:$0x1], $0x1870, $0x38;
	[tilespmem:$0x10400] =	vst v63  }
0x6d: {  	_ =	swait.ge [sflag:s8], $0x1870  }
0x6e: {  	[sflag:s8] =	ssyncset.done $0x0  }
0x6f: {  	s19 =	rddreg [dreg:$0x1e];
	[sflag:s8] =	ssyncadd.s32 $0xFFFFE790  }
0x70: {  	[hbm4b:s19+s1] =	stream.linear.scatter [tilespmem:s14], [sflag:$0x1], $0x1870, $0x38;
	[tilespmem:$0x10400] =	vst v63  }
0x71: {  	_ =	swait.ge [sflag:s8], $0x1870  }
0x72: {  	s20 =	sld [smem:$0x7E9]  }
0x73: {  	[sflag:s8] =	ssyncset.done $0x0  }
0x74: {  	[sflag:s8] =	ssyncadd.s32 $0xFFFFE790  }
0x75: {  	[hbm4b:s20+s1] =	stream.linear.scatter [tilespmem:s15], [sflag:$0x1], $0x1870, $0x38;
	[tilespmem:$0x10400] =	vst v63  }
0x76: {  	_ =	swait.ge [sflag:s8], $0x1870  }
0x77: {  	s21 =	sld [smem:$0x7EB]  }
0x78: {  	[sflag:s8] =	ssyncset.done $0x0  }
0x79: {  	[sflag:s8] =	ssyncadd.s32 $0xFFFFE790  }
0x7a: {  	[hbm4b:s21+s1] =	stream.linear.scatter [tilespmem:s16], [sflag:$0x1], $0x1870, $0x38;
	[tilespmem:$0x10400] =	vst v63  }
0x7b: {  	_ =	swait.ge [sflag:s8], $0x1870  }
0x7c: {  	[sflag:s8] =	ssyncset.done $0x0  }
0x7d: {  	[sflag:s8] =	ssyncadd.s32 $0xFFFFE790  }
.LBB2_12:
0x7e: {  	s17 =	sadd.s32 $0x1, s17  }
0x7f: {  	p1 =	sne.s32 s17, s7  }
.Ltmp1:
0x80: {  	_ = 	snop;
	(pc) =	sbr.rel @!p1 .LBB2_13-.Ltmp1, $1  }
0x81: {  	_ =	sdelay $0x3  }
.LBB2_1:
.Ltmp2:
0x82: {  	(pc) =	sbr.rel @p0 .LBB2_7-.Ltmp2, $4  }
0x83: {  	[tilespmem:s1], [sflag:$0x1] =	stream.linear.gather [hbm4b:s6+s1], $0x4000, $0x38;
	[tilespmem:$0x10400] =	vst v63  }
0x84: {  	_ =	swait.ge [sflag:s8], $0x4000  }
0x85: {  	[sflag:s8] =	ssyncset.done $0x0  }
0x86: {  	s18 =	simm.s32 $0x0;
	[sflag:s8] =	ssyncadd.s32 $0xFFFFC000  }
0x87: {  	s19 =	sld [smem:$0x7EC];
	_ =	sdelay $0x2  }
0x88: {  	[tilespmem:s9], [sflag:$0x1] =	stream.linear.gather [hbm4b:s19+s18], $0x1868, $0x38;
	[tilespmem:$0x10400] =	vst v63  }
0x89: {  	_ =	swait.ge [sflag:s8], $0x1868  }
0x8a: {  	s21 =	sld [smem:$0x7EE]  }
0x8b: {  	[sflag:s8] =	ssyncset.done $0x0  }
0x8c: {  	[sflag:s8] =	ssyncadd.s32 $0xFFFFE798  }
0x8d: {  	[tilespmem:s10], [sflag:$0x1] =	stream.linear.gather [hbm4b:s21+s18], $0x1868, $0x38;
	[tilespmem:$0x10400] =	vst v63  }
0x8e: {  	_ =	swait.ge [sflag:s8], $0x1868  }
0x8f: {  	s20 =	sld [smem:$0x7F0]  }
0x90: {  	[sflag:s8] =	ssyncset.done $0x0  }
0x91: {  	[sflag:s8] =	ssyncadd.s32 $0xFFFFE798  }
0x92: {  	[tilespmem:s11], [sflag:$0x1] =	stream.linear.gather [hbm4b:s20+s18], $0x1868, $0x38;
	[tilespmem:$0x10400] =	vst v63  }
0x93: {  	_ =	swait.ge [sflag:s8], $0x1868  }
0x94: {  	s21 =	sld [smem:$0x7F2]  }
0x95: {  	[sflag:s8] =	ssyncset.done $0x0  }
0x96: {  	[sflag:s8] =	ssyncadd.s32 $0xFFFFE798  }
0x97: {  	[tilespmem:s12], [sflag:$0x1] =	stream.linear.gather [hbm4b:s21+s18], $0x1868, $0x38;
	[tilespmem:$0x10400] =	vst v63  }
0x98: {  	_ =	swait.ge [sflag:s8], $0x1868  }
0x99: {  	s20 =	sld [smem:$0x7F4]  }
0x9a: {  	[sflag:s8] =	ssyncset.done $0x0  }
0x9b: {  	[sflag:s8] =	ssyncadd.s32 $0xFFFFE798  }
0x9c: {  	[tilespmem:s13], [sflag:$0x1] =	stream.linear.gather [hbm4b:s20+s18], $0x1868, $0x38;
	[tilespmem:$0x10400] =	vst v63  }
0x9d: {  	_ =	swait.ge [sflag:s8], $0x1868  }
0x9e: {  	s21 =	sld [smem:$0x7F6]  }
0x9f: {  	[sflag:s8] =	ssyncset.done $0x0  }
0xa0: {  	[sflag:s8] =	ssyncadd.s32 $0xFFFFE798  }
0xa1: {  	[tilespmem:s14], [sflag:$0x1] =	stream.linear.gather [hbm4b:s21+s18], $0x1868, $0x38;
	[tilespmem:$0x10400] =	vst v63  }
0xa2: {  	_ =	swait.ge [sflag:s8], $0x1868  }
0xa3: {  	s20 =	sld [smem:$0x7F8]  }
0xa4: {  	[sflag:s8] =	ssyncset.done $0x0  }
0xa5: {  	[sflag:s8] =	ssyncadd.s32 $0xFFFFE798  }
0xa6: {  	[tilespmem:s15], [sflag:$0x1] =	stream.linear.gather [hbm4b:s20+s18], $0x1868, $0x38;
	[tilespmem:$0x10400] =	vst v63  }
0xa7: {  	_ =	swait.ge [sflag:s8], $0x1868  }
0xa8: {  	s21 =	sld [smem:$0x7FA]  }
0xa9: {  	[sflag:s8] =	ssyncset.done $0x0  }
0xaa: {  	[sflag:s8] =	ssyncadd.s32 $0xFFFFE798  }
0xab: {  	[tilespmem:s16], [sflag:$0x1] =	stream.linear.gather [hbm4b:s21+s18], $0x1868, $0x38;
	[tilespmem:$0x10400] =	vst v63  }
0xac: {  	_ =	swait.ge [sflag:s8], $0x1868  }
0xad: {  	[sflag:s8] =	ssyncset.done $0x0  }
0xae: {  	s19 =	simm.s32 $0x0;
	[sflag:s8] =	ssyncadd.s32 $0xFFFFE798  }
0xaf: {  	v0 =	vld [tilespmem:s19+$0x4000]  }
0xb0: {  	v1 =	vld [tilespmem:s19+$0xEB80];
	_ =	sdelay $0x3  }
0xb1: {  	v0 =	vshll.u32 v0, $0x7  }
0xb2: {  	v0 =	vadd.s32 v0, v1  }
0xb3: {  	v2 =	vand.u32 $0x7F, v1;
	v3 =	vand.u32 $0x3F80, v0  }
0xb4: {  	v2 =	vor.u32 v2, v3;
	_ =	sdelay $0x2  }
0xb5: {  	s18 =	simm.s32 $0x10;
	v1 =	vld [tilespmem:s19+$0xD300]  }
0xb6: {  	s20 =	simm.s32 $0x80;
	v3 =	vld [tilespmem:s18+$0x4000]  }
.LBB2_3:
0xb7: {  	p1 =	sne.s32 s20, $0x6180;
	v2 =	vld.idx.msk [tilespmem:v2+s1+$0x0], $0xffff  }
0xb8: {  	v4 =	vld [tilespmem:s18+$0xEB80];
	_ =	sdelay $0x2  }
0xb9: {  	v0 =	vshrl.u32 v0, $0xC  }
0xba: {  	v5 =	vand.u32 $0x1C, v0;
	vm0 =	vgt.u32 v1, $0x1;
	v3 =	vshll.u32 v3, $0x7;
	v1 =	vld [tilespmem:s19+$0x5880]  }
0xbb: {  	v2 =	vshra.s32 v2, v5;
	v0 =	vadd.s32 v3, v4;
	v3 =	vand.u32 $0x7F, v4;
	v4 =	vld [tilespmem:s19+$0x7100]  }
0xbc: {  	v6 =	vand.u32 $0x3, v2;
	v7 =	vshrl.u32 v2, $0x2;
	v5 =	vand.u32 $0x3F80, v0  }
.Ltmp3:
0xbd: {  	v2 =	vor.u32 v3, v5;
	v3 =	vadd.s32 $0xFFFFFFFF, v6;
	v5 =	vand.u32 $0x3, v7;
	(pc) =	sbr.rel @p1 .LBB2_3-.Ltmp3, $4  }
0xbe: {  	v3 =	vnsel vm0, $0x0, v3;
	v5 =	vadd.s32 $0xFFFFFFFF, v5  }
0xbf: {  	v5 =	vnsel vm0, $0x0, v5;
	v3 =	vadd.s32 v1, v3  }
0xc0: {  	s21 =	sshra.s32 s20, $0x2;
	v1 =	vld [tilespmem:s18+$0xD300];
	[tilespmem:s19+$0x5880] =	vst v3;
	v4 =	vadd.s32 v4, v5  }
0xc1: {  	s20 =	sadd.s32 $0x40, s20;
	v3 =	vld [tilespmem:s21+$0x4000];
	[tilespmem:s19+$0x7100] =	vst v4;
	s19 =	smov.u32 s18;
	s18 =	smov.u32 s21  }
0xc2: {  	_ =	sdelay $0x3  }
0xc3: {  	v2 =	vld.idx.msk [tilespmem:v2+s1+$0x0], $0xffff  }
0xc4: {  	v4 =	vld [tilespmem:s18+$0xEB80];
	_ =	sdelay $0x2  }
0xc5: {  	v0 =	vshrl.u32 v0, $0xC  }
0xc6: {  	v0 =	vand.u32 $0x1C, v0;
	vm0 =	vgt.u32 v1, $0x1;
	v1 =	vld [tilespmem:s19+$0x5880];
	v3 =	vshll.u32 v3, $0x7  }
0xc7: {  	v3 =	vadd.s32 v3, v4;
	v4 =	vand.u32 $0x7F, v4;
	v0 =	vshra.s32 v2, v0;
	v2 =	vld [tilespmem:s19+$0x7100]  }
0xc8: {  	v5 =	vand.u32 $0x3F80, v3;
	v6 =	vand.u32 $0x3, v0;
	v0 =	vshrl.u32 v0, $0x2  }
0xc9: {  	v4 =	vor.u32 v4, v5;
	v5 =	vadd.s32 $0xFFFFFFFF, v6;
	v0 =	vand.u32 $0x3, v0  }
0xca: {  	v5 =	vnsel vm0, $0x0, v5;
	v0 =	vadd.s32 $0xFFFFFFFF, v0  }
0xcb: {  	v0 =	vnsel vm0, $0x0, v0;
	v1 =	vadd.s32 v1, v5  }
0xcc: {  	v5 =	vld [tilespmem:s18+$0xD300];
	[tilespmem:s19+$0x5880] =	vst v1;
	v0 =	vadd.s32 v2, v0  }
0xcd: {  	[tilespmem:s19+$0x7100] =	vst v0  }
0xce: {  	v0 =	vld.idx.msk [tilespmem:v4+s1+$0x0], $0xffff;
	_ =	sdelay $0x2  }
0xcf: {  	v1 =	vshrl.u32 v3, $0xC  }
0xd0: {  	v1 =	vand.u32 $0x1C, v1;
	v2 =	vld [tilespmem:s18+$0x5880]  }
0xd1: {  	v0 =	vshra.s32 v0, v1;
	v1 =	vld [tilespmem:s18+$0x7100]  }
0xd2: {  	v3 =	vand.u32 $0x3, v0;
	v0 =	vshrl.u32 v0, $0x2  }
0xd3: {  	vm15 =	vgt.u32 v5, $0x1;
	v3 =	vadd.s32 $0xFFFFFFFF, v3;
	v0 =	vand.u32 $0x3, v0  }
0xd4: {  	v3 =	vnsel vm15, $0x0, v3;
	v0 =	vadd.s32 $0xFFFFFFFF, v0  }
0xd5: {  	s20 =	sld [smem:$0x7ED];
	v0 =	vnsel vm15, $0x0, v0;
	v2 =	vadd.s32 v2, v3  }
0xd6: {  	[tilespmem:s18+$0x5880] =	vst v2;
	v0 =	vadd.s32 v1, v0  }
0xd7: {  	[tilespmem:s18+$0x7100] =	vst v0;
	s18 =	simm.s32 $0x0  }
0xd8: {  	[hbm4b:s20+s18] =	stream.linear.scatter [tilespmem:s9], [sflag:$0x1], $0x1868, $0x38;
	[tilespmem:$0x10400] =	vst v63  }
0xd9: {  	_ =	swait.ge [sflag:s8], $0x1868  }
0xda: {  	s21 =	sld [smem:$0x7EF]  }
0xdb: {  	[sflag:s8] =	ssyncset.done $0x0  }
0xdc: {  	[sflag:s8] =	ssyncadd.s32 $0xFFFFE798  }
0xdd: {  	[hbm4b:s21+s18] =	stream.linear.scatter [tilespmem:s10], [sflag:$0x1], $0x1868, $0x38;
	[tilespmem:$0x10400] =	vst v63  }
0xde: {  	_ =	swait.ge [sflag:s8], $0x1868  }
0xdf: {  	s20 =	sld [smem:$0x7F1]  }
0xe0: {  	[sflag:s8] =	ssyncset.done $0x0  }
0xe1: {  	[sflag:s8] =	ssyncadd.s32 $0xFFFFE798  }
0xe2: {  	[hbm4b:s20+s18] =	stream.linear.scatter [tilespmem:s11], [sflag:$0x1], $0x1868, $0x38;
	[tilespmem:$0x10400] =	vst v63  }
0xe3: {  	_ =	swait.ge [sflag:s8], $0x1868  }
0xe4: {  	s21 =	sld [smem:$0x7F3]  }
0xe5: {  	[sflag:s8] =	ssyncset.done $0x0  }
0xe6: {  	[sflag:s8] =	ssyncadd.s32 $0xFFFFE798  }
0xe7: {  	[hbm4b:s21+s18] =	stream.linear.scatter [tilespmem:s12], [sflag:$0x1], $0x1868, $0x38;
	[tilespmem:$0x10400] =	vst v63  }
0xe8: {  	_ =	swait.ge [sflag:s8], $0x1868  }
0xe9: {  	s20 =	sld [smem:$0x7F5]  }
0xea: {  	[sflag:s8] =	ssyncset.done $0x0  }
0xeb: {  	[sflag:s8] =	ssyncadd.s32 $0xFFFFE798  }
0xec: {  	[hbm4b:s20+s18] =	stream.linear.scatter [tilespmem:s13], [sflag:$0x1], $0x1868, $0x38;
	[tilespmem:$0x10400] =	vst v63  }
0xed: {  	_ =	swait.ge [sflag:s8], $0x1868  }
0xee: {  	s21 =	sld [smem:$0x7F7]  }
0xef: {  	[sflag:s8] =	ssyncset.done $0x0  }
0xf0: {  	[sflag:s8] =	ssyncadd.s32 $0xFFFFE798  }
0xf1: {  	[hbm4b:s21+s18] =	stream.linear.scatter [tilespmem:s14], [sflag:$0x1], $0x1868, $0x38;
	[tilespmem:$0x10400] =	vst v63  }
0xf2: {  	_ =	swait.ge [sflag:s8], $0x1868  }
0xf3: {  	s20 =	sld [smem:$0x7F9]  }
0xf4: {  	[sflag:s8] =	ssyncset.done $0x0  }
0xf5: {  	[sflag:s8] =	ssyncadd.s32 $0xFFFFE798  }
0xf6: {  	[hbm4b:s20+s18] =	stream.linear.scatter [tilespmem:s15], [sflag:$0x1], $0x1868, $0x38;
	[tilespmem:$0x10400] =	vst v63  }
0xf7: {  	_ =	swait.ge [sflag:s8], $0x1868  }
0xf8: {  	s21 =	sld [smem:$0x7FB]  }
0xf9: {  	[sflag:s8] =	ssyncset.done $0x0  }
0xfa: {  	[sflag:s8] =	ssyncadd.s32 $0xFFFFE798  }
0xfb: {  	[hbm4b:s21+s18] =	stream.linear.scatter [tilespmem:s16], [sflag:$0x1], $0x1868, $0x38;
	[tilespmem:$0x10400] =	vst v63  }
0xfc: {  	_ =	swait.ge [sflag:s8], $0x1868  }
0xfd: {  	s20 =	sld [smem:$0x7FC]  }
0xfe: {  	[sflag:s8] =	ssyncset.done $0x0  }
0xff: {  	[sflag:s8] =	ssyncadd.s32 $0xFFFFE798  }
0x100: {  	[tilespmem:s9], [sflag:$0x1] =	stream.linear.gather [hbm4b:s20+s18], $0x1868, $0x38;
	[tilespmem:$0x10400] =	vst v63  }
0x101: {  	_ =	swait.ge [sflag:s8], $0x1868  }
0x102: {  	s21 =	sld [smem:$0x7FD]  }
0x103: {  	[sflag:s8] =	ssyncset.done $0x0  }
0x104: {  	[sflag:s8] =	ssyncadd.s32 $0xFFFFE798  }
0x105: {  	[tilespmem:s10], [sflag:$0x1] =	stream.linear.gather [hbm4b:s21+s18], $0x1868, $0x38;
	[tilespmem:$0x10400] =	vst v63  }
0x106: {  	_ =	swait.ge [sflag:s8], $0x1868  }
0x107: {  	[sflag:s8] =	ssyncset.done $0x0  }
0x108: {  	[sflag:s8] =	ssyncadd.s32 $0xFFFFE798  }
0x109: {  	[tilespmem:s11], [sflag:$0x1] =	stream.linear.gather [hbm4b:s22+s18], $0x1868, $0x38;
	[tilespmem:$0x10400] =	vst v63  }
0x10a: {  	_ =	swait.ge [sflag:s8], $0x1868  }
0x10b: {  	[sflag:s8] =	ssyncset.done $0x0  }
0x10c: {  	[sflag:s8] =	ssyncadd.s32 $0xFFFFE798  }
0x10d: {  	[tilespmem:s12], [sflag:$0x1] =	stream.linear.gather [hbm4b:s23+s18], $0x1868, $0x38;
	[tilespmem:$0x10400] =	vst v63  }
0x10e: {  	_ =	swait.ge [sflag:s8], $0x1868  }
0x10f: {  	[sflag:s8] =	ssyncset.done $0x0  }
0x110: {  	[sflag:s8] =	ssyncadd.s32 $0xFFFFE798  }
0x111: {  	[tilespmem:s13], [sflag:$0x1] =	stream.linear.gather [hbm4b:s24+s18], $0x1868, $0x38;
	[tilespmem:$0x10400] =	vst v63  }
0x112: {  	_ =	swait.ge [sflag:s8], $0x1868  }
0x113: {  	[sflag:s8] =	ssyncset.done $0x0  }
0x114: {  	[sflag:s8] =	ssyncadd.s32 $0xFFFFE798  }
0x115: {  	[tilespmem:s14], [sflag:$0x1] =	stream.linear.gather [hbm4b:s25+s18], $0x1868, $0x38;
	[tilespmem:$0x10400] =	vst v63  }
0x116: {  	_ =	swait.ge [sflag:s8], $0x1868  }
0x117: {  	[sflag:s8] =	ssyncset.done $0x0  }
0x118: {  	[sflag:s8] =	ssyncadd.s32 $0xFFFFE798  }
0x119: {  	[tilespmem:s15], [sflag:$0x1] =	stream.linear.gather [hbm4b:s26+s18], $0x1868, $0x38;
	[tilespmem:$0x10400] =	vst v63  }
0x11a: {  	_ =	swait.ge [sflag:s8], $0x1868  }
0x11b: {  	[sflag:s8] =	ssyncset.done $0x0  }
0x11c: {  	[sflag:s8] =	ssyncadd.s32 $0xFFFFE798  }
0x11d: {  	[tilespmem:s16], [sflag:$0x1] =	stream.linear.gather [hbm4b:s28+s18], $0x1868, $0x38;
	[tilespmem:$0x10400] =	vst v63  }
0x11e: {  	_ =	swait.ge [sflag:s8], $0x1868  }
0x11f: {  	[sflag:s8] =	ssyncset.done $0x0  }
0x120: {  	s19 =	simm.s32 $0x0;
	[sflag:s8] =	ssyncadd.s32 $0xFFFFE798  }
0x121: {  	v0 =	vld [tilespmem:s19+$0x4000]  }
0x122: {  	v1 =	vld [tilespmem:s19+$0xEB80];
	_ =	sdelay $0x3  }
0x123: {  	v0 =	vshll.u32 v0, $0x7  }
0x124: {  	v0 =	vadd.s32 v0, v1  }
0x125: {  	v2 =	vand.u32 $0x7F, v1;
	v3 =	vand.u32 $0x3F80, v0  }
0x126: {  	v2 =	vor.u32 v2, v3;
	_ =	sdelay $0x2  }
0x127: {  	s18 =	simm.s32 $0x10;
	v1 =	vld [tilespmem:s19+$0xD300]  }
0x128: {  	s20 =	simm.s32 $0x80;
	v3 =	vld [tilespmem:s18+$0x4000]  }
.LBB2_5:
0x129: {  	p1 =	sne.s32 s20, $0x6180;
	v2 =	vld.idx.msk [tilespmem:v2+s1+$0x0], $0xffff  }
0x12a: {  	v4 =	vld [tilespmem:s18+$0xEB80];
	_ =	sdelay $0x2  }
0x12b: {  	v0 =	vshrl.u32 v0, $0xC  }
0x12c: {  	v5 =	vand.u32 $0x1C, v0;
	vm0 =	vgt.u32 v1, $0x1;
	v3 =	vshll.u32 v3, $0x7;
	v1 =	vld [tilespmem:s19+$0x5880]  }
0x12d: {  	v2 =	vshra.s32 v2, v5;
	v0 =	vadd.s32 v3, v4;
	v3 =	vand.u32 $0x7F, v4;
	v4 =	vld [tilespmem:s19+$0x7100]  }
0x12e: {  	v6 =	vand.u32 $0x3, v2;
	v7 =	vshrl.u32 v2, $0x2;
	v5 =	vand.u32 $0x3F80, v0  }
.Ltmp4:
0x12f: {  	v2 =	vor.u32 v3, v5;
	v3 =	vadd.s32 $0xFFFFFFFF, v6;
	v5 =	vand.u32 $0x3, v7;
	(pc) =	sbr.rel @p1 .LBB2_5-.Ltmp4, $4  }
0x130: {  	v3 =	vnsel vm0, $0x0, v3;
	v5 =	vadd.s32 $0xFFFFFFFF, v5  }
0x131: {  	v5 =	vnsel vm0, $0x0, v5;
	v3 =	vadd.s32 v1, v3  }
0x132: {  	s21 =	sshra.s32 s20, $0x2;
	v1 =	vld [tilespmem:s18+$0xD300];
	[tilespmem:s19+$0x5880] =	vst v3;
	v4 =	vadd.s32 v4, v5  }
0x133: {  	s20 =	sadd.s32 $0x40, s20;
	v3 =	vld [tilespmem:s21+$0x4000];
	[tilespmem:s19+$0x7100] =	vst v4;
	s19 =	smov.u32 s18;
	s18 =	smov.u32 s21  }
0x134: {  	_ =	sdelay $0x3  }
0x135: {  	v2 =	vld.idx.msk [tilespmem:v2+s1+$0x0], $0xffff  }
0x136: {  	v4 =	vld [tilespmem:s18+$0xEB80];
	_ =	sdelay $0x2  }
0x137: {  	v0 =	vshrl.u32 v0, $0xC  }
0x138: {  	v56 =	vld [tilespmem:s19+$0x5880];
	v0 =	vand.u32 $0x1C, v0;
	vm0 =	vgt.u32 v1, $0x1;
	v3 =	vshll.u32 v3, $0x7  }
0x139: {  	v57 =	vld [tilespmem:s19+$0x7100];
	v3 =	vadd.s32 v3, v4;
	v4 =	vand.u32 $0x7F, v4;
	v0 =	vshra.s32 v2, v0  }
0x13a: {  	v5 =	vand.u32 $0x3F80, v3;
	v6 =	vand.u32 $0x3, v0;
	v0 =	vshrl.u32 v0, $0x2  }
0x13b: {  	v4 =	vor.u32 v4, v5;
	v58 =	vadd.s32 $0xFFFFFFFF, v6;
	v0 =	vand.u32 $0x3, v0  }
0x13c: {  	v5 =	vnsel vm0, $0x0, v58;
	v0 =	vadd.s32 $0xFFFFFFFF, v0  }
0x13d: {  	v0 =	vnsel vm0, $0x0, v0;
	v1 =	vadd.s32 v56, v5  }
0x13e: {  	v59 =	vld [tilespmem:s18+$0xD300];
	[tilespmem:s19+$0x5880] =	vst v1;
	v0 =	vadd.s32 v57, v0  }
0x13f: {  	[tilespmem:s19+$0x7100] =	vst v0  }
0x140: {  	v0 =	vld.idx.msk [tilespmem:v4+s1+$0x0], $0xffff;
	_ =	sdelay $0x2  }
0x141: {  	v60 =	vshrl.u32 v3, $0xC  }
0x142: {  	v1 =	vand.u32 $0x1C, v60;
	v61 =	vld [tilespmem:s18+$0x5880]  }
0x143: {  	v62 =	vld [tilespmem:s18+$0x7100];
	v0 =	vshra.s32 v0, v1  }
0x144: {  	v63 =	vand.u32 $0x3, v0;
	v0 =	vshrl.u32 v0, $0x2  }
0x145: {  	vm15 =	vgt.u32 v59, $0x1;
	v3 =	vadd.s32 $0xFFFFFFFF, v63;
	v0 =	vand.u32 $0x3, v0  }
0x146: {  	v3 =	vnsel vm15, $0x0, v3;
	v0 =	vadd.s32 $0xFFFFFFFF, v0  }
0x147: {  	v0 =	vnsel vm15, $0x0, v0;
	v2 =	vadd.s32 v61, v3  }
0x148: {  	[tilespmem:s18+$0x5880] =	vst v2;
	v0 =	vadd.s32 v62, v0  }
0x149: {  	[tilespmem:s18+$0x7100] =	vst v0  }
0x14a: {  	[hbm4b:s29+s1] =	stream.linear.scatter [tilespmem:s9], [sflag:$0x1], $0x1868, $0x38;
	[tilespmem:$0x10400] =	vst v63  }
0x14b: {  	_ =	swait.ge [sflag:s8], $0x1868  }
0x14c: {  	[sflag:s8] =	ssyncset.done $0x0  }
0x14d: {  	[sflag:s8] =	ssyncadd.s32 $0xFFFFE798  }
0x14e: {  	[hbm4b:s30+s1] =	stream.linear.scatter [tilespmem:s10], [sflag:$0x1], $0x1868, $0x38;
	[tilespmem:$0x10400] =	vst v63  }
0x14f: {  	_ =	swait.ge [sflag:s8], $0x1868  }
0x150: {  	[sflag:s8] =	ssyncset.done $0x0  }
0x151: {  	[sflag:s8] =	ssyncadd.s32 $0xFFFFE798  }
0x152: {  	[hbm4b:s31+s1] =	stream.linear.scatter [tilespmem:s11], [sflag:$0x1], $0x1868, $0x38;
	[tilespmem:$0x10400] =	vst v63  }
0x153: {  	_ =	swait.ge [sflag:s8], $0x1868  }
0x154: {  	[sflag:s8] =	ssyncset.done $0x0  }
0x155: {  	[sflag:s8] =	ssyncadd.s32 $0xFFFFE798  }
0x156: {  	[hbm4b:s0+s1] =	stream.linear.scatter [tilespmem:s12], [sflag:$0x1], $0x1868, $0x38;
	[tilespmem:$0x10400] =	vst v63  }
0x157: {  	_ =	swait.ge [sflag:s8], $0x1868  }
0x158: {  	[sflag:s8] =	ssyncset.done $0x0  }
0x159: {  	[sflag:s8] =	ssyncadd.s32 $0xFFFFE798  }
0x15a: {  	[hbm4b:s2+s1] =	stream.linear.scatter [tilespmem:s13], [sflag:$0x1], $0x1868, $0x38;
	[tilespmem:$0x10400] =	vst v63  }
0x15b: {  	_ =	swait.ge [sflag:s8], $0x1868  }
0x15c: {  	[sflag:s8] =	ssyncset.done $0x0  }
0x15d: {  	[sflag:s8] =	ssyncadd.s32 $0xFFFFE798  }
0x15e: {  	[hbm4b:s3+s1] =	stream.linear.scatter [tilespmem:s14], [sflag:$0x1], $0x1868, $0x38;
	[tilespmem:$0x10400] =	vst v63  }
0x15f: {  	_ =	swait.ge [sflag:s8], $0x1868  }
0x160: {  	[sflag:s8] =	ssyncset.done $0x0  }
0x161: {  	[sflag:s8] =	ssyncadd.s32 $0xFFFFE798  }
0x162: {  	[hbm4b:s4+s1] =	stream.linear.scatter [tilespmem:s15], [sflag:$0x1], $0x1868, $0x38;
	[tilespmem:$0x10400] =	vst v63  }
0x163: {  	_ =	swait.ge [sflag:s8], $0x1868  }
0x164: {  	[sflag:s8] =	ssyncset.done $0x0  }
.Ltmp5:
0x165: {  	[sflag:s8] =	ssyncadd.s32 $0xFFFFE798;
	(pc) =	sbr.rel .LBB2_12-.Ltmp5, $4  }
0x166: {  	[hbm4b:s5+s1] =	stream.linear.scatter [tilespmem:s16], [sflag:$0x1], $0x1868, $0x38;
	[tilespmem:$0x10400] =	vst v63  }
0x167: {  	_ =	swait.ge [sflag:s8], $0x1868  }
0x168: {  	[sflag:s8] =	ssyncset.done $0x0  }
0x169: {  	[sflag:s8] =	ssyncadd.s32 $0xFFFFE798  }
.LBB2_7:
0x16a: {  	s19 =	rddreg [dreg:$0x3]  }
0x16b: {  	[tilespmem:s9], [sflag:$0x1] =	stream.linear.gather [hbm4b:s19+s18], $0x1868, $0x38;
	[tilespmem:$0x10400] =	vst v63  }
0x16c: {  	_ =	swait.ge [sflag:s8], $0x1868  }
0x16d: {  	[sflag:s8] =	ssyncset.done $0x0  }
0x16e: {  	s21 =	rddreg [dreg:$0x4];
	[sflag:s8] =	ssyncadd.s32 $0xFFFFE798  }
0x16f: {  	[tilespmem:s10], [sflag:$0x1] =	stream.linear.gather [hbm4b:s21+s18], $0x1868, $0x38;
	[tilespmem:$0x10400] =	vst v63  }
0x170: {  	_ =	swait.ge [sflag:s8], $0x1868  }
0x171: {  	[sflag:s8] =	ssyncset.done $0x0  }
0x172: {  	s20 =	rddreg [dreg:$0x5];
	[sflag:s8] =	ssyncadd.s32 $0xFFFFE798  }
0x173: {  	[tilespmem:s11], [sflag:$0x1] =	stream.linear.gather [hbm4b:s20+s18], $0x1868, $0x38;
	[tilespmem:$0x10400] =	vst v63  }
0x174: {  	_ =	swait.ge [sflag:s8], $0x1868  }
0x175: {  	[sflag:s8] =	ssyncset.done $0x0  }
0x176: {  	s21 =	rddreg [dreg:$0x6];
	[sflag:s8] =	ssyncadd.s32 $0xFFFFE798  }
0x177: {  	[tilespmem:s12], [sflag:$0x1] =	stream.linear.gather [hbm4b:s21+s18], $0x1868, $0x38;
	[tilespmem:$0x10400] =	vst v63  }
0x178: {  	_ =	swait.ge [sflag:s8], $0x1868  }
0x179: {  	[sflag:s8] =	ssyncset.done $0x0  }
0x17a: {  	s20 =	rddreg [dreg:$0x7];
	[sflag:s8] =	ssyncadd.s32 $0xFFFFE798  }
0x17b: {  	[tilespmem:s13], [sflag:$0x1] =	stream.linear.gather [hbm4b:s20+s18], $0x1868, $0x38;
	[tilespmem:$0x10400] =	vst v63  }
0x17c: {  	_ =	swait.ge [sflag:s8], $0x1868  }
0x17d: {  	[sflag:s8] =	ssyncset.done $0x0  }
0x17e: {  	s21 =	rddreg [dreg:$0x8];
	[sflag:s8] =	ssyncadd.s32 $0xFFFFE798  }
0x17f: {  	[tilespmem:s14], [sflag:$0x1] =	stream.linear.gather [hbm4b:s21+s18], $0x1868, $0x38;
	[tilespmem:$0x10400] =	vst v63  }
0x180: {  	_ =	swait.ge [sflag:s8], $0x1868  }
0x181: {  	[sflag:s8] =	ssyncset.done $0x0  }
0x182: {  	s20 =	rddreg [dreg:$0x9];
	[sflag:s8] =	ssyncadd.s32 $0xFFFFE798  }
0x183: {  	[tilespmem:s15], [sflag:$0x1] =	stream.linear.gather [hbm4b:s20+s18], $0x1868, $0x38;
	[tilespmem:$0x10400] =	vst v63  }
0x184: {  	_ =	swait.ge [sflag:s8], $0x1868  }
0x185: {  	[sflag:s8] =	ssyncset.done $0x0  }
0x186: {  	s21 =	rddreg [dreg:$0xa];
	[sflag:s8] =	ssyncadd.s32 $0xFFFFE798  }
0x187: {  	[tilespmem:s16], [sflag:$0x1] =	stream.linear.gather [hbm4b:s21+s18], $0x1868, $0x38;
	[tilespmem:$0x10400] =	vst v63  }
0x188: {  	_ =	swait.ge [sflag:s8], $0x1868  }
0x189: {  	[sflag:s8] =	ssyncset.done $0x0  }
0x18a: {  	s19 =	simm.s32 $0x0;
	[sflag:s8] =	ssyncadd.s32 $0xFFFFE798  }
0x18b: {  	v0 =	vld [tilespmem:s19+$0x4000]  }
0x18c: {  	v1 =	vld [tilespmem:s19+$0xEB80];
	_ =	sdelay $0x3  }
0x18d: {  	v0 =	vshll.u32 v0, $0x7  }
0x18e: {  	v0 =	vadd.s32 v0, v1  }
0x18f: {  	v2 =	vand.u32 $0x7F, v1;
	v3 =	vand.u32 $0x3F80, v0  }
0x190: {  	v2 =	vor.u32 v2, v3;
	_ =	sdelay $0x2  }
0x191: {  	s18 =	simm.s32 $0x10;
	v1 =	vld [tilespmem:s19+$0xD300]  }
0x192: {  	s20 =	simm.s32 $0x80;
	v3 =	vld [tilespmem:s18+$0x4000]  }
.LBB2_8:
0x193: {  	p1 =	sne.s32 s20, $0x6180;
	v2 =	vld.idx.msk [tilespmem:v2+s1+$0x0], $0xffff  }
0x194: {  	v4 =	vld [tilespmem:s18+$0xEB80];
	_ =	sdelay $0x2  }
0x195: {  	v0 =	vshrl.u32 v0, $0xC  }
0x196: {  	v5 =	vand.u32 $0x1C, v0;
	vm0 =	vgt.u32 v1, $0x1;
	v3 =	vshll.u32 v3, $0x7;
	v1 =	vld [tilespmem:s19+$0x5880]  }
0x197: {  	v2 =	vshra.s32 v2, v5;
	v0 =	vadd.s32 v3, v4;
	v3 =	vand.u32 $0x7F, v4;
	v4 =	vld [tilespmem:s19+$0x7100]  }
0x198: {  	v6 =	vand.u32 $0x3, v2;
	v7 =	vshrl.u32 v2, $0x2;
	v5 =	vand.u32 $0x3F80, v0  }
.Ltmp6:
0x199: {  	v2 =	vor.u32 v3, v5;
	v3 =	vadd.s32 $0xFFFFFFFF, v6;
	v5 =	vand.u32 $0x3, v7;
	(pc) =	sbr.rel @p1 .LBB2_8-.Ltmp6, $4  }
0x19a: {  	v3 =	vnsel vm0, $0x0, v3;
	v5 =	vadd.s32 $0xFFFFFFFF, v5  }
0x19b: {  	v5 =	vnsel vm0, $0x0, v5;
	v3 =	vadd.s32 v1, v3  }
0x19c: {  	s21 =	sshra.s32 s20, $0x2;
	v1 =	vld [tilespmem:s18+$0xD300];
	[tilespmem:s19+$0x5880] =	vst v3;
	v4 =	vadd.s32 v4, v5  }
0x19d: {  	s20 =	sadd.s32 $0x40, s20;
	v3 =	vld [tilespmem:s21+$0x4000];
	[tilespmem:s19+$0x7100] =	vst v4;
	s19 =	smov.u32 s18;
	s18 =	smov.u32 s21  }
0x19e: {  	_ =	sdelay $0x3  }
0x19f: {  	v2 =	vld.idx.msk [tilespmem:v2+s1+$0x0], $0xffff  }
0x1a0: {  	v4 =	vld [tilespmem:s18+$0xEB80];
	_ =	sdelay $0x2  }
0x1a1: {  	v0 =	vshrl.u32 v0, $0xC  }
0x1a2: {  	v0 =	vand.u32 $0x1C, v0;
	vm0 =	vgt.u32 v1, $0x1;
	v1 =	vld [tilespmem:s19+$0x5880];
	v3 =	vshll.u32 v3, $0x7  }
0x1a3: {  	v3 =	vadd.s32 v3, v4;
	v4 =	vand.u32 $0x7F, v4;
	v0 =	vshra.s32 v2, v0;
	v2 =	vld [tilespmem:s19+$0x7100]  }
0x1a4: {  	v5 =	vand.u32 $0x3F80, v3;
	v6 =	vand.u32 $0x3, v0;
	v0 =	vshrl.u32 v0, $0x2  }
0x1a5: {  	v4 =	vor.u32 v4, v5;
	v5 =	vadd.s32 $0xFFFFFFFF, v6;
	v0 =	vand.u32 $0x3, v0  }
0x1a6: {  	v5 =	vnsel vm0, $0x0, v5;
	v0 =	vadd.s32 $0xFFFFFFFF, v0  }
0x1a7: {  	v0 =	vnsel vm0, $0x0, v0;
	v1 =	vadd.s32 v1, v5  }
0x1a8: {  	v5 =	vld [tilespmem:s18+$0xD300];
	[tilespmem:s19+$0x5880] =	vst v1;
	v0 =	vadd.s32 v2, v0  }
0x1a9: {  	[tilespmem:s19+$0x7100] =	vst v0  }
0x1aa: {  	v0 =	vld.idx.msk [tilespmem:v4+s1+$0x0], $0xffff;
	_ =	sdelay $0x2  }
0x1ab: {  	v1 =	vshrl.u32 v3, $0xC  }
0x1ac: {  	v1 =	vand.u32 $0x1C, v1;
	v2 =	vld [tilespmem:s18+$0x5880]  }
0x1ad: {  	v0 =	vshra.s32 v0, v1;
	v1 =	vld [tilespmem:s18+$0x7100]  }
0x1ae: {  	v3 =	vand.u32 $0x3, v0;
	v0 =	vshrl.u32 v0, $0x2  }
0x1af: {  	vm15 =	vgt.u32 v5, $0x1;
	v3 =	vadd.s32 $0xFFFFFFFF, v3;
	v0 =	vand.u32 $0x3, v0  }
0x1b0: {  	v3 =	vnsel vm15, $0x0, v3;
	v0 =	vadd.s32 $0xFFFFFFFF, v0  }
0x1b1: {  	v0 =	vnsel vm15, $0x0, v0;
	v2 =	vadd.s32 v2, v3  }
0x1b2: {  	[tilespmem:s18+$0x5880] =	vst v2;
	v0 =	vadd.s32 v1, v0  }
0x1b3: {  	s20 =	rddreg [dreg:$0xb];
	[tilespmem:s18+$0x7100] =	vst v0;
	s18 =	simm.s32 $0x0  }
0x1b4: {  	[hbm4b:s20+s18] =	stream.linear.scatter [tilespmem:s9], [sflag:$0x1], $0x1868, $0x38;
	[tilespmem:$0x10400] =	vst v63  }
0x1b5: {  	_ =	swait.ge [sflag:s8], $0x1868  }
0x1b6: {  	[sflag:s8] =	ssyncset.done $0x0  }
0x1b7: {  	s21 =	rddreg [dreg:$0xc];
	[sflag:s8] =	ssyncadd.s32 $0xFFFFE798  }
0x1b8: {  	[hbm4b:s21+s18] =	stream.linear.scatter [tilespmem:s10], [sflag:$0x1], $0x1868, $0x38;
	[tilespmem:$0x10400] =	vst v63  }
0x1b9: {  	_ =	swait.ge [sflag:s8], $0x1868  }
0x1ba: {  	[sflag:s8] =	ssyncset.done $0x0  }
0x1bb: {  	s20 =	rddreg [dreg:$0xd];
	[sflag:s8] =	ssyncadd.s32 $0xFFFFE798  }
0x1bc: {  	[hbm4b:s20+s18] =	stream.linear.scatter [tilespmem:s11], [sflag:$0x1], $0x1868, $0x38;
	[tilespmem:$0x10400] =	vst v63  }
0x1bd: {  	_ =	swait.ge [sflag:s8], $0x1868  }
0x1be: {  	[sflag:s8] =	ssyncset.done $0x0  }
0x1bf: {  	s21 =	rddreg [dreg:$0xe];
	[sflag:s8] =	ssyncadd.s32 $0xFFFFE798  }
0x1c0: {  	[hbm4b:s21+s18] =	stream.linear.scatter [tilespmem:s12], [sflag:$0x1], $0x1868, $0x38;
	[tilespmem:$0x10400] =	vst v63  }
0x1c1: {  	_ =	swait.ge [sflag:s8], $0x1868  }
0x1c2: {  	[sflag:s8] =	ssyncset.done $0x0  }
0x1c3: {  	s20 =	rddreg [dreg:$0xf];
	[sflag:s8] =	ssyncadd.s32 $0xFFFFE798  }
0x1c4: {  	[hbm4b:s20+s18] =	stream.linear.scatter [tilespmem:s13], [sflag:$0x1], $0x1868, $0x38;
	[tilespmem:$0x10400] =	vst v63  }
0x1c5: {  	_ =	swait.ge [sflag:s8], $0x1868  }
0x1c6: {  	[sflag:s8] =	ssyncset.done $0x0  }
0x1c7: {  	s21 =	rddreg [dreg:$0x10];
	[sflag:s8] =	ssyncadd.s32 $0xFFFFE798  }
0x1c8: {  	[hbm4b:s21+s18] =	stream.linear.scatter [tilespmem:s14], [sflag:$0x1], $0x1868, $0x38;
	[tilespmem:$0x10400] =	vst v63  }
0x1c9: {  	_ =	swait.ge [sflag:s8], $0x1868  }
0x1ca: {  	[sflag:s8] =	ssyncset.done $0x0  }
0x1cb: {  	s20 =	rddreg [dreg:$0x11];
	[sflag:s8] =	ssyncadd.s32 $0xFFFFE798  }
0x1cc: {  	[hbm4b:s20+s18] =	stream.linear.scatter [tilespmem:s15], [sflag:$0x1], $0x1868, $0x38;
	[tilespmem:$0x10400] =	vst v63  }
0x1cd: {  	_ =	swait.ge [sflag:s8], $0x1868  }
0x1ce: {  	[sflag:s8] =	ssyncset.done $0x0  }
0x1cf: {  	s21 =	rddreg [dreg:$0x12];
	[sflag:s8] =	ssyncadd.s32 $0xFFFFE798  }
0x1d0: {  	[hbm4b:s21+s18] =	stream.linear.scatter [tilespmem:s16], [sflag:$0x1], $0x1868, $0x38;
	[tilespmem:$0x10400] =	vst v63  }
0x1d1: {  	_ =	swait.ge [sflag:s8], $0x1868  }
0x1d2: {  	[sflag:s8] =	ssyncset.done $0x0  }
0x1d3: {  	s20 =	rddreg [dreg:$0x13];
	[sflag:s8] =	ssyncadd.s32 $0xFFFFE798  }
0x1d4: {  	[tilespmem:s9], [sflag:$0x1] =	stream.linear.gather [hbm4b:s20+s18], $0x1870, $0x38;
	[tilespmem:$0x10400] =	vst v63  }
0x1d5: {  	_ =	swait.ge [sflag:s8], $0x1870  }
0x1d6: {  	[sflag:s8] =	ssyncset.done $0x0  }
0x1d7: {  	s21 =	rddreg [dreg:$0x15];
	[sflag:s8] =	ssyncadd.s32 $0xFFFFE790  }
0x1d8: {  	[tilespmem:s10], [sflag:$0x1] =	stream.linear.gather [hbm4b:s21+s18], $0x1870, $0x38;
	[tilespmem:$0x10400] =	vst v63  }
0x1d9: {  	_ =	swait.ge [sflag:s8], $0x1870  }
0x1da: {  	[sflag:s8] =	ssyncset.done $0x0  }
0x1db: {  	s20 =	rddreg [dreg:$0x17];
	[sflag:s8] =	ssyncadd.s32 $0xFFFFE790  }
0x1dc: {  	[tilespmem:s11], [sflag:$0x1] =	stream.linear.gather [hbm4b:s20+s18], $0x1870, $0x38;
	[tilespmem:$0x10400] =	vst v63  }
0x1dd: {  	_ =	swait.ge [sflag:s8], $0x1870  }
0x1de: {  	[sflag:s8] =	ssyncset.done $0x0  }
0x1df: {  	s21 =	rddreg [dreg:$0x19];
	[sflag:s8] =	ssyncadd.s32 $0xFFFFE790  }
0x1e0: {  	[tilespmem:s12], [sflag:$0x1] =	stream.linear.gather [hbm4b:s21+s18], $0x1870, $0x38;
	[tilespmem:$0x10400] =	vst v63  }
0x1e1: {  	_ =	swait.ge [sflag:s8], $0x1870  }
0x1e2: {  	[sflag:s8] =	ssyncset.done $0x0  }
0x1e3: {  	s20 =	rddreg [dreg:$0x1b];
	[sflag:s8] =	ssyncadd.s32 $0xFFFFE790  }
0x1e4: {  	[tilespmem:s13], [sflag:$0x1] =	stream.linear.gather [hbm4b:s20+s18], $0x1870, $0x38;
	[tilespmem:$0x10400] =	vst v63  }
0x1e5: {  	_ =	swait.ge [sflag:s8], $0x1870  }
0x1e6: {  	[sflag:s8] =	ssyncset.done $0x0  }
0x1e7: {  	s21 =	rddreg [dreg:$0x1d];
	[sflag:s8] =	ssyncadd.s32 $0xFFFFE790  }
0x1e8: {  	[tilespmem:s14], [sflag:$0x1] =	stream.linear.gather [hbm4b:s21+s18], $0x1870, $0x38;
	[tilespmem:$0x10400] =	vst v63  }
0x1e9: {  	_ =	swait.ge [sflag:s8], $0x1870  }
0x1ea: {  	[sflag:s8] =	ssyncset.done $0x0  }
0x1eb: {  	s20 =	rddreg [dreg:$0x1f];
	[sflag:s8] =	ssyncadd.s32 $0xFFFFE790  }
0x1ec: {  	[tilespmem:s15], [sflag:$0x1] =	stream.linear.gather [hbm4b:s20+s18], $0x1870, $0x38;
	[tilespmem:$0x10400] =	vst v63  }
0x1ed: {  	_ =	swait.ge [sflag:s8], $0x1870  }
0x1ee: {  	s21 =	sld [smem:$0x7EA]  }
0x1ef: {  	[sflag:s8] =	ssyncset.done $0x0  }
0x1f0: {  	[sflag:s8] =	ssyncadd.s32 $0xFFFFE790  }
0x1f1: {  	[tilespmem:s16], [sflag:$0x1] =	stream.linear.gather [hbm4b:s21+s18], $0x1870, $0x38;
	[tilespmem:$0x10400] =	vst v63  }
0x1f2: {  	_ =	swait.ge [sflag:s8], $0x1870  }
0x1f3: {  	[sflag:s8] =	ssyncset.done $0x0  }
0x1f4: {  	s19 =	simm.s32 $0x0;
	[sflag:s8] =	ssyncadd.s32 $0xFFFFE790  }
0x1f5: {  	v0 =	vld [tilespmem:s19+$0x4000]  }
0x1f6: {  	v1 =	vld [tilespmem:s19+$0xEB80];
	_ =	sdelay $0x3  }
0x1f7: {  	v0 =	vshll.u32 v0, $0x7  }
0x1f8: {  	v0 =	vadd.s32 v0, v1  }
0x1f9: {  	v2 =	vand.u32 $0x7F, v1;
	v3 =	vand.u32 $0x3F80, v0  }
0x1fa: {  	v2 =	vor.u32 v2, v3;
	_ =	sdelay $0x2  }
0x1fb: {  	s18 =	simm.s32 $0x10;
	v1 =	vld [tilespmem:s19+$0xD300]  }
0x1fc: {  	s20 =	simm.s32 $0x80;
	v3 =	vld [tilespmem:s18+$0x4000]  }
.LBB2_10:
0x1fd: {  	p1 =	sne.s32 s20, $0x6180;
	v2 =	vld.idx.msk [tilespmem:v2+s1+$0x0], $0xffff  }
0x1fe: {  	v4 =	vld [tilespmem:s18+$0xEB80];
	_ =	sdelay $0x2  }
0x1ff: {  	v0 =	vshrl.u32 v0, $0xC  }
0x200: {  	v3 =	vshll.u32 v3, $0x7;
	vm0 =	vgt.u32 v1, $0x1;
	v5 =	vand.u32 $0x1C, v0;
	v1 =	vld [tilespmem:s19+$0x5880]  }
0x201: {  	v2 =	vshra.s32 v2, v5;
	v0 =	vadd.s32 v3, v4;
	v3 =	vand.u32 $0x7F, v4;
	v4 =	vld [tilespmem:s19+$0x7100]  }
0x202: {  	v6 =	vand.u32 $0x3, v2;
	v7 =	vshrl.u32 v2, $0x2;
	v5 =	vand.u32 $0x3F80, v0  }
.Ltmp7:
0x203: {  	v2 =	vor.u32 v3, v5;
	v3 =	vadd.s32 $0xFFFFFFFF, v6;
	v5 =	vand.u32 $0x3, v7;
	(pc) =	sbr.rel @p1 .LBB2_10-.Ltmp7, $4  }
0x204: {  	v3 =	vnsel vm0, $0x0, v3;
	v5 =	vadd.s32 $0xFFFFFFFF, v5  }
0x205: {  	v5 =	vnsel vm0, $0x0, v5;
	v3 =	vadd.s32 v1, v3  }
0x206: {  	s21 =	sshra.s32 s20, $0x2;
	v1 =	vld [tilespmem:s18+$0xD300];
	[tilespmem:s19+$0x5880] =	vst v3;
	v4 =	vadd.s32 v4, v5  }
0x207: {  	s20 =	sadd.s32 $0x40, s20;
	v3 =	vld [tilespmem:s21+$0x4000];
	[tilespmem:s19+$0x7100] =	vst v4;
	s19 =	smov.u32 s18;
	s18 =	smov.u32 s21  }
.Ltmp8:
0x208: {  	_ = 	snop;
	(pc) =	sbr.rel .LBB2_11-.Ltmp8, $1  }
0x209: {  	_ =	sdelay $0x3  }
.LBB2_13:
0x20a: {  	_ =	sfence.sel $0x180000  }
0x20b: {  	[bflag:$0x0] =	sbarrier.arrive $0xFFFF  }
0x20c: {  	_ =	strace $0x90000047  }
0x20d: {  	s0 =	stileid.u32;
	[bflag:$0x2] =	sbarrier.arrive $0xFFFF  }
0x20e: {  	p0 =	sne.s32 s0, $0x0;
	s0 =	rddreg [dreg:$0x2]  }
0x20f: {  	s0 =	sadd.s32 @!p0 $0x100000, s0  }
0x210: {  	[sflag:s0] =	ssyncadd.tile.s32 @!p0 $0x1;
	_ =	shalt  }
.Lfunc_end2:
_tile_overlayer_lowered:
.L_overlay_start_2:
0x211: {  	(tag) =	ssettag $0x2  }
0x212: {  	s0 =	rddreg [dreg:$0x0];
	s2 =	stileid.u32  }
0x213: {  	s1 =	rddreg [dreg:$0x1];
	p0 =	sne.s32 s2, $0x0  }
0x214: {  	s3 =	rddreg [dreg:$0x2];
	[bflag:$0x3] =	sbarrier.arrive $0xFFFF;
	s2 =	simm.s32 @!p0 $0x1C01  }
0x215: {  	[timem:s3], [sflag:s2] =	dma.local @!p0 [hbm:s0], s1  }
0x216: {  	s0 =	simm.s32 @!p0 $0x1  }
0x217: {  	_ =	swait.ge @!p0 [sflag:s0], s1  }
0x218: {  	s1 =	ssub.s32 @!p0 $0x0, s1;
	[sflag:s0] =	ssyncset.done @!p0 $0x0  }
0x219: {  	[sflag:s0] =	ssyncadd.s32 @!p0 s1  }
0x21a: {  	[bflag:$0x3] =	sbarrier.arrive $0xFFFF  }
0x21b: {  	_ =	shalt  }

</sc_bundles>
